<compile_context>
chip_gen: v7x
topology: tpu7x:2x2x1
jax: 0.10.2.dev20260603
libtpu: 0.0.44.dev20260713+nightly
codegen_flags: <defaults>
</compile_context>

<pallas_src>
import functools

import jax
import jax.numpy as jnp
from jax import lax
from jax.experimental import pallas as pl
from jax.experimental.pallas import tpu as pltpu
from jax.experimental.pallas import tpu_sc as plsc

_NC = 2
_NS = 16
_NW = _NC * _NS
_L = 16

_B = 4
_N = 4096
_M = 4096

_TC_PTS = 3584
_SC_PTS = _M - _TC_PTS

_TM = 896
_PT = _TC_PTS // _TM
_VCH = 1024

_CHUNKS = _NW // _B
_NPTS = _SC_PTS // _CHUNKS if _SC_PTS else 0
_VBLK = 8
_NBLK = _N // (_L * _VBLK)


def _round_bf16(v):
    bits = lax.bitcast_convert_type(v, jnp.int32)
    lsb = lax.shift_right_logical(bits, 16) & 1
    rounded = (bits + 0x7FFF + lsb) & jnp.int32(-65536)
    return lax.bitcast_convert_type(rounded, jnp.float32)


def _tree_min(vals):
    while len(vals) > 1:
        vals = [jnp.minimum(vals[2 * i], vals[2 * i + 1])
                for i in range(len(vals) // 2)] + vals[len(vals) & ~1:]
    return vals[0]



def _tc_body(vf_ref, pf_ref, out_ref):
    vff = vf_ref[0]
    pft = pf_ref[0]
    vrr = _round_bf16(vff)
    prr = _round_bf16(pft)

    v2 = jnp.sum(vff * vff, axis=0, keepdims=True)

    v2hi = _round_bf16(v2)
    v2lo = v2 - v2hi
    vb = jnp.concatenate([vrr, v2hi, v2lo],
                         axis=0).astype(jnp.bfloat16)
    pb_rows = jnp.concatenate([-2.0 * prr,
                               jnp.ones((2, _TM), jnp.float32)], axis=0)
    pb = jnp.transpose(pb_rows).astype(jnp.bfloat16)
    mns = []
    for c in range(_N // _VCH):
        gc = lax.dot_general(pb, vb[:, c * _VCH:(c + 1) * _VCH],
                             (((1,), (0,)), ((), ())),
                             preferred_element_type=jnp.float32)
        mns.append(jnp.min(gc, axis=1, keepdims=True))
    mn = jnp.reshape(jnp.transpose(_tree_min(mns)), (1, _TM))

    p2 = jnp.sum(pft * pft, axis=0, keepdims=True)
    validf = 1.0 - jnp.all(pft == 0.0, axis=0,
                           keepdims=True).astype(jnp.float32)
    d = jnp.maximum(mn + p2, 0.0) * validf
    sd = jnp.sum(d)
    cn = jnp.sum(validf)
    lane = lax.broadcasted_iota(jnp.int32, (8, 128), 1)
    part = jnp.where(lane == 0, sd, jnp.where(lane == 1, cn, 0.0))

    t = pl.program_id(1)

    @pl.when(t == 0)
    def _():
        out_ref[0] = part

    @pl.when(t != 0)
    def _():
        out_ref[0] = out_ref[0] + part


_tc_call = pl.pallas_call(
    _tc_body,
    grid=(_B, _PT),
    in_specs=[
        pl.BlockSpec((1, 3, _N), lambda b, t: (b, 0, 0)),
        pl.BlockSpec((1, 3, _TM), lambda b, t: (b, 0, t)),
    ],
    out_specs=pl.BlockSpec((1, 8, 128), lambda b, t: (b, 0, 0)),
    out_shape=jax.ShapeDtypeStruct((_B, 8, 128), jnp.float32),
)



def _sc_body(vert_hbm, pc_hbm, out_hbm,
             vx, vy, vz, v2s, px, py, pz, macc, outv):
    c = lax.axis_index("c")
    s = lax.axis_index("s")
    wid = s * _NC + c
    b = wid // _CHUNKS
    chunk = wid % _CHUNKS

    pltpu.sync_copy(vert_hbm.at[pl.ds((b * 3 + 0) * _N, _N)], vx)
    pltpu.sync_copy(vert_hbm.at[pl.ds((b * 3 + 1) * _N, _N)], vy)
    pltpu.sync_copy(vert_hbm.at[pl.ds((b * 3 + 2) * _N, _N)], vz)
    base = _TC_PTS + chunk * _NPTS
    pltpu.sync_copy(pc_hbm.at[pl.ds((b * 3 + 0) * _M + base, _NPTS)], px)
    pltpu.sync_copy(pc_hbm.at[pl.ds((b * 3 + 1) * _M + base, _NPTS)], py)
    pltpu.sync_copy(pc_hbm.at[pl.ds((b * 3 + 2) * _M + base, _NPTS)], pz)

    def v2_body(i, _):
        o = i * _L
        xv = vx[pl.ds(o, _L)]
        yv = vy[pl.ds(o, _L)]
        zv = vz[pl.ds(o, _L)]
        v2s[pl.ds(o, _L)] = xv * xv + yv * yv + zv * zv
        vx[pl.ds(o, _L)] = _round_bf16(xv)
        vy[pl.ds(o, _L)] = _round_bf16(yv)
        vz[pl.ds(o, _L)] = _round_bf16(zv)
        return 0
    lax.fori_loop(0, _N // _L, v2_body, 0, unroll=4)

    inf16 = jnp.full((_L,), jnp.inf, jnp.float32)

    def init_body(p, _):
        macc[pl.ds(p * _L, _L)] = inf16
        return 0
    lax.fori_loop(0, _NPTS, init_body, 0, unroll=4)

    def blk_body(blk, _):
        vbase = blk * (_VBLK * _L)
        vxs = [vx[pl.ds(vbase + j * _L, _L)] for j in range(_VBLK)]
        vys = [vy[pl.ds(vbase + j * _L, _L)] for j in range(_VBLK)]
        vzs = [vz[pl.ds(vbase + j * _L, _L)] for j in range(_VBLK)]
        v2v = [v2s[pl.ds(vbase + j * _L, _L)] for j in range(_VBLK)]

        def p_body(pg, _):
            o = pg * _L
            axv = -2.0 * _round_bf16(px[pl.ds(o, _L)])
            ayv = -2.0 * _round_bf16(py[pl.ds(o, _L)])
            azv = -2.0 * _round_bf16(pz[pl.ds(o, _L)])
            for u in range(_L):
                ax = axv[u]
                ay = ayv[u]
                az = azv[u]
                m = macc[pl.ds((o + u) * _L, _L)]
                ts = [(v2v[j] + ax * vxs[j]) + (ay * vys[j] + az * vzs[j])
                      for j in range(_VBLK)]
                macc[pl.ds((o + u) * _L, _L)] = jnp.minimum(m, _tree_min(ts))
            return 0
        lax.fori_loop(0, _NPTS // _L, p_body, 0)
        return 0
    lax.fori_loop(0, _NBLK, blk_body, 0)

    def red_body(pg, carry):
        sdv, cnv = carry
        o = pg * _L
        pxv = px[pl.ds(o, _L)]
        pyv = py[pl.ds(o, _L)]
        pzv = pz[pl.ds(o, _L)]
        p2v = pxv * pxv + pyv * pyv + pzv * pzv
        valid = jnp.logical_not((pxv == 0.0) & (pyv == 0.0) & (pzv == 0.0))
        mfv = jnp.where(valid, 1.0, 0.0).astype(jnp.float32)
        lane = lax.iota(jnp.int32, _L)
        mnv = jnp.full((_L,), 0.0, jnp.float32)
        for u in range(_L):
            m = macc[pl.ds((o + u) * _L, _L)]
            mnv = jnp.where(lane == u, jnp.sort(m)[0], mnv)
        dv = jnp.maximum(mnv + p2v, 0.0)
        return sdv + dv * mfv, cnv + mfv
    zero = jnp.zeros((_L,), jnp.float32)
    sdv, cnv = lax.fori_loop(0, _NPTS // _L, red_body, (zero, zero))

    outv[0, :] = sdv
    outv[1, :] = cnv
    pltpu.sync_copy(outv, out_hbm.at[wid])


if _SC_PTS:
    _sc_call = functools.partial(
        pl.kernel,
        out_type=jax.ShapeDtypeStruct((_NW, 2, _L), jnp.float32),
        mesh=plsc.VectorSubcoreMesh(core_axis_name="c", subcore_axis_name="s",
                                    num_cores=_NC, num_subcores=_NS),
        compiler_params=pltpu.CompilerParams(needs_layout_passes=False),
        scratch_types=[
            pltpu.VMEM((_N,), jnp.float32),
            pltpu.VMEM((_N,), jnp.float32),
            pltpu.VMEM((_N,), jnp.float32),
            pltpu.VMEM((_N,), jnp.float32),
            pltpu.VMEM((_NPTS,), jnp.float32),
            pltpu.VMEM((_NPTS,), jnp.float32),
            pltpu.VMEM((_NPTS,), jnp.float32),
            pltpu.VMEM((_NPTS * _L,), jnp.float32),
            pltpu.VMEM((2, _L), jnp.float32),
        ],
    )(_sc_body)


def kernel(vertices, pc):
    if _SC_PTS:
        parts = _sc_call(vertices.reshape(-1), pc.reshape(-1))

    tc = _tc_call(vertices, pc)
    sd = tc[:, 0, 0]
    cn = tc[:, 0, 1]

    if _SC_PTS:
        parts = parts.reshape(_B, _CHUNKS, 2, _L)
        sd = sd + jnp.sum(parts[:, :, 0, :], axis=(1, 2))
        cn = cn + jnp.sum(parts[:, :, 1, :], axis=(1, 2))

    loss = sd / jnp.maximum(cn, 1.0)
    return jnp.mean(loss)

# --- scband reference (transcript-rebuilt; emitter-appended) ---
"""Pipeline reference for scband-mesh-loss2-d-28432683500146 (READ-ONLY COPY).

The authoritative reference and input builder live on the scoring server;
editing this copy changes nothing except your own understanding.
"""

import jax, jax.numpy as jnp
import numpy as np


def setup_inputs(seed: int = 0) -> dict:
    key = jax.random.key(seed)
    k1, k2 = jax.random.split(key)
    vertices = jax.random.normal(k1, (4, 3, 4096), dtype=jnp.float32)
    pc = jax.random.normal(k2, (4, 3, 4096), dtype=jnp.float32)
    return {"vertices": vertices, "pc": pc}


def _per_item_loss(v, p):
    # v: [3, N] vertices, p: [3, M] point cloud
    vt = jnp.transpose(v)  # [N, 3]
    pt = jnp.transpose(p)  # [M, 3]
    # original filters out pc columns that are all-zero; emulate via mask
    mask = ~jnp.all(p == 0, axis=0)  # [M] bool
    # squared Euclidean distance from each pc point to nearest vertex (dist2 of Chamfer)
    v2 = jnp.sum(vt * vt, axis=1)  # [N]
    p2 = jnp.sum(pt * pt, axis=1)  # [M]
    d2 = p2[:, None] + v2[None, :] - 2.0 * (pt @ vt.T)  # [M, N]
    d2 = jnp.maximum(d2, 0.0)
    dist2 = jnp.min(d2, axis=1)  # [M] nearest-vertex squared distance per pc point
    maskf = mask.astype(dist2.dtype)
    denom = jnp.maximum(jnp.sum(maskf), 1.0)
    return jnp.sum(dist2 * maskf) / denom


def reference(vertices, pc):
    B = vertices.shape[0]
    top = vertices.reshape(B, 3, -1)
    losses = []
    for i in range(B):
        losses.append(_per_item_loss(top[i], pc[i]))
    loss = jnp.stack(losses)
    return jnp.mean(loss)

if __name__ == "__main__":
    import jax
    _d = setup_inputs()
    print(jax.jit(kernel)(*tuple(_d.values())))

</pallas_src>

<mosaic_0001>
#map = affine_map<(d0, d1) -> (0)>
#map1 = affine_map<(d0, d1) -> (0, 0, 0)>
module attributes {stable_mosaic.version = 14 : i64} {
  func.func @_sc_body(%arg0: i32, %arg1: i32, %arg2: memref<49152xf32, #tpu.memory_space<hbm>>, %arg3: memref<49152xf32, #tpu.memory_space<hbm>>, %arg4: memref<32x2x16xf32, #tpu.memory_space<hbm>>, %arg5: memref<4096xf32, #tpu.memory_space<vmem>>, %arg6: memref<4096xf32, #tpu.memory_space<vmem>>, %arg7: memref<4096xf32, #tpu.memory_space<vmem>>, %arg8: memref<4096xf32, #tpu.memory_space<vmem>>, %arg9: memref<64xf32, #tpu.memory_space<vmem>>, %arg10: memref<64xf32, #tpu.memory_space<vmem>>, %arg11: memref<64xf32, #tpu.memory_space<vmem>>, %arg12: memref<1024xf32, #tpu.memory_space<vmem>>, %arg13: memref<2x16xf32, #tpu.memory_space<vmem>>) attributes {dimension_semantics = [#tpu.dimension_semantics<core_parallel>, #tpu.dimension_semantics<subcore_parallel>], iteration_bounds = array<i64: 2, 16>, scalar_prefetch = 0 : i64, scratch_operands = 9 : i64, tpu.core_type = #tpu.core_type<sc_vector_subcore>, window_params = [{transform_indices = #map}, {transform_indices = #map}, {transform_indices = #map1}]} {
    %mul3A = arith.constant 2 : i32
    %mul3A_0 = arith.muli %arg1, %mul3A : i32
    %add3A = arith.addi %mul3A_0, %arg0 : i32
    %jit3A = arith.constant 8 : i32
    %div3A = arith.divsi %add3A, %jit3A : i32
    %sign3A = arith.constant 0 : i32
    %sign3A_1 = arith.cmpi sgt, %add3A, %sign3A : i32
    %sign3A_2 = arith.extui %sign3A_1 : i1 to i32
    %sign3A_3 = arith.constant 0 : i32
    %sign3A_4 = arith.cmpi slt, %add3A, %sign3A_3 : i32
    %sign3A_5 = arith.extui %sign3A_4 : i1 to i32
    %sign3A_6 = arith.subi %sign3A_2, %sign3A_5 : i32
    %sign3A_7 = arith.constant 0 : i32
    %sign3A_8 = arith.cmpi sgt, %jit3A, %sign3A_7 : i32
    %sign3A_9 = arith.extui %sign3A_8 : i1 to i32
    %sign3A_10 = arith.constant 0 : i32
    %sign3A_11 = arith.cmpi slt, %jit3A, %sign3A_10 : i32
    %sign3A_12 = arith.extui %sign3A_11 : i1 to i32
    %sign3A_13 = arith.subi %sign3A_9, %sign3A_12 : i32
    %ne3A = arith.cmpi ne, %sign3A_6, %sign3A_13 : i32
    %rem3A = arith.remsi %add3A, %jit3A : i32
    %ne3A_14 = arith.constant 0 : i32
    %ne3A_15 = arith.cmpi ne, %rem3A, %ne3A_14 : i32
    %and3A = arith.andi %ne3A, %ne3A_15 : i1
    %sub3A = arith.constant 1 : i32
    %sub3A_16 = arith.subi %div3A, %sub3A : i32
    %select_n3A = arith.select %and3A, %sub3A_16, %div3A : i32
    %jit3A_17 = arith.constant 8 : i32
    %eq3A = arith.constant 0 : i32
    %eq3A_18 = arith.cmpi eq, %jit3A_17, %eq3A : i32
    %jit3A_19 = arith.constant 1 : i32
    %select_n3A_20 = arith.select %eq3A_18, %jit3A_19, %jit3A_17 : i32
    %rem3A_21 = arith.remsi %add3A, %select_n3A_20 : i32
    %ne3A_22 = arith.constant 0 : i32
    %ne3A_23 = arith.cmpi ne, %rem3A_21, %ne3A_22 : i32
    %lt3A = arith.constant 0 : i32
    %lt3A_24 = arith.cmpi slt, %rem3A_21, %lt3A : i32
    %lt3A_25 = arith.constant 0 : i32
    %lt3A_26 = arith.cmpi slt, %select_n3A_20, %lt3A_25 : i32
    %ne3A_27 = arith.xori %lt3A_24, %lt3A_26 : i1
    %and3A_28 = arith.andi %ne3A_27, %ne3A_23 : i1
    %add3A_29 = arith.addi %rem3A_21, %select_n3A_20 : i32
    %select_n3A_30 = arith.select %and3A_28, %add3A_29, %rem3A_21 : i32
    %mul3A_31 = arith.constant 3 : i32
    %mul3A_32 = arith.muli %select_n3A, %mul3A_31 : i32
    %add3A_33 = arith.constant 0 : i32
    %add3A_34 = arith.addi %mul3A_32, %add3A_33 : i32
    %mul3A_35 = arith.constant 4096 : i32
    %mul3A_36 = arith.muli %add3A_34, %mul3A_35 : i32
    "tpu.region"() ({
      %run_scoped3A = tpu.sem_alloc : memref<!tpu.dma_semaphore, #tpu.memory_space<semaphore_mem>>
      %dma_start3A = tpu.memref_slice %arg2[%mul3A_36] : memref<49152xf32, #tpu.memory_space<hbm>> -> memref<4096xf32, #tpu.memory_space<hbm>>
      %dma_start3A_110 = tpu.memref_slice %arg2[%mul3A_36] : memref<49152xf32, #tpu.memory_space<hbm>> -> memref<4096xf32, #tpu.memory_space<hbm>>
      tpu.enqueue_dma source(%dma_start3A_110 : memref<4096xf32, #tpu.memory_space<hbm>>) target(%arg5 : memref<4096xf32, #tpu.memory_space<vmem>>) target_semaphore(%run_scoped3A : memref<!tpu.dma_semaphore, #tpu.memory_space<semaphore_mem>>)
      %dma_wait3A = tpu.memref_slice %arg2[%mul3A_36] : memref<49152xf32, #tpu.memory_space<hbm>> -> memref<4096xf32, #tpu.memory_space<hbm>>
      %dma_wait3A_111 = tpu.memref_slice %arg2[%mul3A_36] : memref<49152xf32, #tpu.memory_space<hbm>> -> memref<4096xf32, #tpu.memory_space<hbm>>
      tpu.wait_dma2 semaphore(%run_scoped3A : memref<!tpu.dma_semaphore, #tpu.memory_space<semaphore_mem>>) src(%dma_wait3A_111 : memref<4096xf32, #tpu.memory_space<hbm>>) dst(%arg5 : memref<4096xf32, #tpu.memory_space<vmem>>)
      tpu.yield
    }) : () -> ()
    %mul3A_37 = arith.constant 3 : i32
    %mul3A_38 = arith.muli %select_n3A, %mul3A_37 : i32
    %add3A_39 = arith.constant 1 : i32
    %add3A_40 = arith.addi %mul3A_38, %add3A_39 : i32
    %mul3A_41 = arith.constant 4096 : i32
    %mul3A_42 = arith.muli %add3A_40, %mul3A_41 : i32
    "tpu.region"() ({
      %run_scoped3A = tpu.sem_alloc : memref<!tpu.dma_semaphore, #tpu.memory_space<semaphore_mem>>
      %dma_start3A = tpu.memref_slice %arg2[%mul3A_42] : memref<49152xf32, #tpu.memory_space<hbm>> -> memref<4096xf32, #tpu.memory_space<hbm>>
      %dma_start3A_110 = tpu.memref_slice %arg2[%mul3A_42] : memref<49152xf32, #tpu.memory_space<hbm>> -> memref<4096xf32, #tpu.memory_space<hbm>>
      tpu.enqueue_dma source(%dma_start3A_110 : memref<4096xf32, #tpu.memory_space<hbm>>) target(%arg6 : memref<4096xf32, #tpu.memory_space<vmem>>) target_semaphore(%run_scoped3A : memref<!tpu.dma_semaphore, #tpu.memory_space<semaphore_mem>>)
      %dma_wait3A = tpu.memref_slice %arg2[%mul3A_42] : memref<49152xf32, #tpu.memory_space<hbm>> -> memref<4096xf32, #tpu.memory_space<hbm>>
      %dma_wait3A_111 = tpu.memref_slice %arg2[%mul3A_42] : memref<49152xf32, #tpu.memory_space<hbm>> -> memref<4096xf32, #tpu.memory_space<hbm>>
      tpu.wait_dma2 semaphore(%run_scoped3A : memref<!tpu.dma_semaphore, #tpu.memory_space<semaphore_mem>>) src(%dma_wait3A_111 : memref<4096xf32, #tpu.memory_space<hbm>>) dst(%arg6 : memref<4096xf32, #tpu.memory_space<vmem>>)
      tpu.yield
    }) : () -> ()
    %mul3A_43 = arith.constant 3 : i32
    %mul3A_44 = arith.muli %select_n3A, %mul3A_43 : i32
    %add3A_45 = arith.constant 2 : i32
    %add3A_46 = arith.addi %mul3A_44, %add3A_45 : i32
    %mul3A_47 = arith.constant 4096 : i32
    %mul3A_48 = arith.muli %add3A_46, %mul3A_47 : i32
    "tpu.region"() ({
      %run_scoped3A = tpu.sem_alloc : memref<!tpu.dma_semaphore, #tpu.memory_space<semaphore_mem>>
      %dma_start3A = tpu.memref_slice %arg2[%mul3A_48] : memref<49152xf32, #tpu.memory_space<hbm>> -> memref<4096xf32, #tpu.memory_space<hbm>>
      %dma_start3A_110 = tpu.memref_slice %arg2[%mul3A_48] : memref<49152xf32, #tpu.memory_space<hbm>> -> memref<4096xf32, #tpu.memory_space<hbm>>
      tpu.enqueue_dma source(%dma_start3A_110 : memref<4096xf32, #tpu.memory_space<hbm>>) target(%arg7 : memref<4096xf32, #tpu.memory_space<vmem>>) target_semaphore(%run_scoped3A : memref<!tpu.dma_semaphore, #tpu.memory_space<semaphore_mem>>)
      %dma_wait3A = tpu.memref_slice %arg2[%mul3A_48] : memref<49152xf32, #tpu.memory_space<hbm>> -> memref<4096xf32, #tpu.memory_space<hbm>>
      %dma_wait3A_111 = tpu.memref_slice %arg2[%mul3A_48] : memref<49152xf32, #tpu.memory_space<hbm>> -> memref<4096xf32, #tpu.memory_space<hbm>>
      tpu.wait_dma2 semaphore(%run_scoped3A : memref<!tpu.dma_semaphore, #tpu.memory_space<semaphore_mem>>) src(%dma_wait3A_111 : memref<4096xf32, #tpu.memory_space<hbm>>) dst(%arg7 : memref<4096xf32, #tpu.memory_space<vmem>>)
      tpu.yield
    }) : () -> ()
    %mul3A_49 = arith.constant 64 : i32
    %mul3A_50 = arith.muli %select_n3A_30, %mul3A_49 : i32
    %add3A_51 = arith.constant 3584 : i32
    %add3A_52 = arith.addi %add3A_51, %mul3A_50 : i32
    %mul3A_53 = arith.constant 3 : i32
    %mul3A_54 = arith.muli %select_n3A, %mul3A_53 : i32
    %add3A_55 = arith.constant 0 : i32
    %add3A_56 = arith.addi %mul3A_54, %add3A_55 : i32
    %mul3A_57 = arith.constant 4096 : i32
    %mul3A_58 = arith.muli %add3A_56, %mul3A_57 : i32
    %add3A_59 = arith.addi %mul3A_58, %add3A_52 : i32
    "tpu.region"() ({
      %run_scoped3A = tpu.sem_alloc : memref<!tpu.dma_semaphore, #tpu.memory_space<semaphore_mem>>
      %dma_start3A = tpu.memref_slice %arg3[%add3A_59] : memref<49152xf32, #tpu.memory_space<hbm>> -> memref<64xf32, #tpu.memory_space<hbm>>
      %dma_start3A_110 = tpu.memref_slice %arg3[%add3A_59] : memref<49152xf32, #tpu.memory_space<hbm>> -> memref<64xf32, #tpu.memory_space<hbm>>
      tpu.enqueue_dma source(%dma_start3A_110 : memref<64xf32, #tpu.memory_space<hbm>>) target(%arg9 : memref<64xf32, #tpu.memory_space<vmem>>) target_semaphore(%run_scoped3A : memref<!tpu.dma_semaphore, #tpu.memory_space<semaphore_mem>>)
      %dma_wait3A = tpu.memref_slice %arg3[%add3A_59] : memref<49152xf32, #tpu.memory_space<hbm>> -> memref<64xf32, #tpu.memory_space<hbm>>
      %dma_wait3A_111 = tpu.memref_slice %arg3[%add3A_59] : memref<49152xf32, #tpu.memory_space<hbm>> -> memref<64xf32, #tpu.memory_space<hbm>>
      tpu.wait_dma2 semaphore(%run_scoped3A : memref<!tpu.dma_semaphore, #tpu.memory_space<semaphore_mem>>) src(%dma_wait3A_111 : memref<64xf32, #tpu.memory_space<hbm>>) dst(%arg9 : memref<64xf32, #tpu.memory_space<vmem>>)
      tpu.yield
    }) : () -> ()
    %mul3A_60 = arith.constant 3 : i32
    %mul3A_61 = arith.muli %select_n3A, %mul3A_60 : i32
    %add3A_62 = arith.constant 1 : i32
    %add3A_63 = arith.addi %mul3A_61, %add3A_62 : i32
    %mul3A_64 = arith.constant 4096 : i32
    %mul3A_65 = arith.muli %add3A_63, %mul3A_64 : i32
    %add3A_66 = arith.addi %mul3A_65, %add3A_52 : i32
    "tpu.region"() ({
      %run_scoped3A = tpu.sem_alloc : memref<!tpu.dma_semaphore, #tpu.memory_space<semaphore_mem>>
      %dma_start3A = tpu.memref_slice %arg3[%add3A_66] : memref<49152xf32, #tpu.memory_space<hbm>> -> memref<64xf32, #tpu.memory_space<hbm>>
      %dma_start3A_110 = tpu.memref_slice %arg3[%add3A_66] : memref<49152xf32, #tpu.memory_space<hbm>> -> memref<64xf32, #tpu.memory_space<hbm>>
      tpu.enqueue_dma source(%dma_start3A_110 : memref<64xf32, #tpu.memory_space<hbm>>) target(%arg10 : memref<64xf32, #tpu.memory_space<vmem>>) target_semaphore(%run_scoped3A : memref<!tpu.dma_semaphore, #tpu.memory_space<semaphore_mem>>)
      %dma_wait3A = tpu.memref_slice %arg3[%add3A_66] : memref<49152xf32, #tpu.memory_space<hbm>> -> memref<64xf32, #tpu.memory_space<hbm>>
      %dma_wait3A_111 = tpu.memref_slice %arg3[%add3A_66] : memref<49152xf32, #tpu.memory_space<hbm>> -> memref<64xf32, #tpu.memory_space<hbm>>
      tpu.wait_dma2 semaphore(%run_scoped3A : memref<!tpu.dma_semaphore, #tpu.memory_space<semaphore_mem>>) src(%dma_wait3A_111 : memref<64xf32, #tpu.memory_space<hbm>>) dst(%arg10 : memref<64xf32, #tpu.memory_space<vmem>>)
      tpu.yield
    }) : () -> ()
    %mul3A_67 = arith.constant 3 : i32
    %mul3A_68 = arith.muli %select_n3A, %mul3A_67 : i32
    %add3A_69 = arith.constant 2 : i32
    %add3A_70 = arith.addi %mul3A_68, %add3A_69 : i32
    %mul3A_71 = arith.constant 4096 : i32
    %mul3A_72 = arith.muli %add3A_70, %mul3A_71 : i32
    %add3A_73 = arith.addi %mul3A_72, %add3A_52 : i32
    "tpu.region"() ({
      %run_scoped3A = tpu.sem_alloc : memref<!tpu.dma_semaphore, #tpu.memory_space<semaphore_mem>>
      %dma_start3A = tpu.memref_slice %arg3[%add3A_73] : memref<49152xf32, #tpu.memory_space<hbm>> -> memref<64xf32, #tpu.memory_space<hbm>>
      %dma_start3A_110 = tpu.memref_slice %arg3[%add3A_73] : memref<49152xf32, #tpu.memory_space<hbm>> -> memref<64xf32, #tpu.memory_space<hbm>>
      tpu.enqueue_dma source(%dma_start3A_110 : memref<64xf32, #tpu.memory_space<hbm>>) target(%arg11 : memref<64xf32, #tpu.memory_space<vmem>>) target_semaphore(%run_scoped3A : memref<!tpu.dma_semaphore, #tpu.memory_space<semaphore_mem>>)
      %dma_wait3A = tpu.memref_slice %arg3[%add3A_73] : memref<49152xf32, #tpu.memory_space<hbm>> -> memref<64xf32, #tpu.memory_space<hbm>>
      %dma_wait3A_111 = tpu.memref_slice %arg3[%add3A_73] : memref<49152xf32, #tpu.memory_space<hbm>> -> memref<64xf32, #tpu.memory_space<hbm>>
      tpu.wait_dma2 semaphore(%run_scoped3A : memref<!tpu.dma_semaphore, #tpu.memory_space<semaphore_mem>>) src(%dma_wait3A_111 : memref<64xf32, #tpu.memory_space<hbm>>) dst(%arg11 : memref<64xf32, #tpu.memory_space<vmem>>)
      tpu.yield
    }) : () -> ()
    %scan3A = arith.constant 0 : i32
    %scan3A_74 = arith.constant 0 : i32
    %scan3A_75 = arith.constant 256 : i32
    %scan3A_76 = arith.addi %scan3A_74, %scan3A_75 : i32
    %scan3A_77 = arith.constant 4 : i32
    %scan3A_78 = scf.for %scan3A_110 = %scan3A_74 to %scan3A_76 step %scan3A_77 iter_args(%scan3A_111 = %scan3A) -> (i32)  : i32 {
      %mul3A_112 = arith.constant 16 : i32
      %mul3A_113 = arith.muli %scan3A_110, %mul3A_112 : i32
      %get3A = arith.index_cast %mul3A_113 : i32 to index
      %get3A_114 = tpu.vector_load %arg5[%get3A] {strides = array<i32>} : memref<4096xf32, #tpu.memory_space<vmem>>, vector<16xf32>,
      %get3A_115 = arith.index_cast %mul3A_113 : i32 to index
      %get3A_116 = tpu.vector_load %arg6[%get3A_115] {strides = array<i32>} : memref<4096xf32, #tpu.memory_space<vmem>>, vector<16xf32>,
      %get3A_117 = arith.index_cast %mul3A_113 : i32 to index
      %get3A_118 = tpu.vector_load %arg7[%get3A_117] {strides = array<i32>} : memref<4096xf32, #tpu.memory_space<vmem>>, vector<16xf32>,
      %mul3A_119 = arith.mulf %get3A_114, %get3A_114 : vector<16xf32>
      %mul3A_120 = arith.mulf %get3A_116, %get3A_116 : vector<16xf32>
      %add3A_121 = arith.addf %mul3A_119, %mul3A_120 : vector<16xf32>
      %mul3A_122 = arith.mulf %get3A_118, %get3A_118 : vector<16xf32>
      %add3A_123 = arith.addf %add3A_121, %mul3A_122 : vector<16xf32>
      %swap3A_124 = arith.index_cast %mul3A_113 : i32 to index
      %swap3A_125 = tpu.vector_load %arg8[%swap3A_124] {strides = array<i32>} : memref<4096xf32, #tpu.memory_space<vmem>>, vector<16xf32>,
      tpu.vector_store %arg8[%swap3A_124], %add3A_123 {strides = array<i32>} : memref<4096xf32, #tpu.memory_space<vmem>>, vector<16xf32>,
      %bitcast_convert_type3A = tpu.bitcast %get3A_114 : vector<16xf32> -> vector<16xi32>
      %shift_right_logical3A = arith.constant 16 : i32
      %shift_right_logical3A_126 = vector.broadcast %shift_right_logical3A : i32 to vector<16xi32>
      %shift_right_logical3A_127 = arith.shrui %bitcast_convert_type3A, %shift_right_logical3A_126 : vector<16xi32>
      %and3A_128 = arith.constant 1 : i32
      %and3A_129 = vector.broadcast %and3A_128 : i32 to vector<16xi32>
      %and3A_130 = arith.andi %shift_right_logical3A_127, %and3A_129 : vector<16xi32>
      %add3A_131 = arith.constant 32767 : i32
      %add3A_132 = vector.broadcast %add3A_131 : i32 to vector<16xi32>
      %add3A_133 = arith.addi %bitcast_convert_type3A, %add3A_132 : vector<16xi32>
      %add3A_134 = arith.addi %add3A_133, %and3A_130 : vector<16xi32>
      %and3A_135 = arith.constant -65536 : i32
      %and3A_136 = vector.broadcast %and3A_135 : i32 to vector<16xi32>
      %and3A_137 = arith.andi %add3A_134, %and3A_136 : vector<16xi32>
      %bitcast_convert_type3A_138 = tpu.bitcast %and3A_137 : vector<16xi32> -> vector<16xf32>
      %swap3A_139 = arith.index_cast %mul3A_113 : i32 to index
      %swap3A_140 = tpu.vector_load %arg5[%swap3A_139] {strides = array<i32>} : memref<4096xf32, #tpu.memory_space<vmem>>, vector<16xf32>,
      tpu.vector_store %arg5[%swap3A_139], %bitcast_convert_type3A_138 {strides = array<i32>} : memref<4096xf32, #tpu.memory_space<vmem>>, vector<16xf32>,
      %bitcast_convert_type3A_141 = tpu.bitcast %get3A_116 : vector<16xf32> -> vector<16xi32>
      %shift_right_logical3A_142 = arith.constant 16 : i32
      %shift_right_logical3A_143 = vector.broadcast %shift_right_logical3A_142 : i32 to vector<16xi32>
      %shift_right_logical3A_144 = arith.shrui %bitcast_convert_type3A_141, %shift_right_logical3A_143 : vector<16xi32>
      %and3A_145 = arith.constant 1 : i32
      %and3A_146 = vector.broadcast %and3A_145 : i32 to vector<16xi32>
      %and3A_147 = arith.andi %shift_right_logical3A_144, %and3A_146 : vector<16xi32>
      %add3A_148 = arith.constant 32767 : i32
      %add3A_149 = vector.broadcast %add3A_148 : i32 to vector<16xi32>
      %add3A_150 = arith.addi %bitcast_convert_type3A_141, %add3A_149 : vector<16xi32>
      %add3A_151 = arith.addi %add3A_150, %and3A_147 : vector<16xi32>
      %and3A_152 = arith.constant -65536 : i32
      %and3A_153 = vector.broadcast %and3A_152 : i32 to vector<16xi32>
      %and3A_154 = arith.andi %add3A_151, %and3A_153 : vector<16xi32>
      %bitcast_convert_type3A_155 = tpu.bitcast %and3A_154 : vector<16xi32> -> vector<16xf32>
      %swap3A_156 = arith.index_cast %mul3A_113 : i32 to index
      %swap3A_157 = tpu.vector_load %arg6[%swap3A_156] {strides = array<i32>} : memref<4096xf32, #tpu.memory_space<vmem>>, vector<16xf32>,
      tpu.vector_store %arg6[%swap3A_156], %bitcast_convert_type3A_155 {strides = array<i32>} : memref<4096xf32, #tpu.memory_space<vmem>>, vector<16xf32>,
      %bitcast_convert_type3A_158 = tpu.bitcast %get3A_118 : vector<16xf32> -> vector<16xi32>
      %shift_right_logical3A_159 = arith.constant 16 : i32
      %shift_right_logical3A_160 = vector.broadcast %shift_right_logical3A_159 : i32 to vector<16xi32>
      %shift_right_logical3A_161 = arith.shrui %bitcast_convert_type3A_158, %shift_right_logical3A_160 : vector<16xi32>
      %and3A_162 = arith.constant 1 : i32
      %and3A_163 = vector.broadcast %and3A_162 : i32 to vector<16xi32>
      %and3A_164 = arith.andi %shift_right_logical3A_161, %and3A_163 : vector<16xi32>
      %add3A_165 = arith.constant 32767 : i32
      %add3A_166 = vector.broadcast %add3A_165 : i32 to vector<16xi32>
      %add3A_167 = arith.addi %bitcast_convert_type3A_158, %add3A_166 : vector<16xi32>
      %add3A_168 = arith.addi %add3A_167, %and3A_164 : vector<16xi32>
      %and3A_169 = arith.constant -65536 : i32
      %and3A_170 = vector.broadcast %and3A_169 : i32 to vector<16xi32>
      %and3A_171 = arith.andi %add3A_168, %and3A_170 : vector<16xi32>
      %bitcast_convert_type3A_172 = tpu.bitcast %and3A_171 : vector<16xi32> -> vector<16xf32>
      %swap3A_173 = arith.index_cast %mul3A_113 : i32 to index
      %swap3A_174 = tpu.vector_load %arg7[%swap3A_173] {strides = array<i32>} : memref<4096xf32, #tpu.memory_space<vmem>>, vector<16xf32>,
      tpu.vector_store %arg7[%swap3A_173], %bitcast_convert_type3A_172 {strides = array<i32>} : memref<4096xf32, #tpu.memory_space<vmem>>, vector<16xf32>,
      %scan3A_175 = arith.constant 0 : i32
      %scan3A_176 = arith.constant 1 : i32
      %scan3A_177 = arith.addi %scan3A_110, %scan3A_176 : i32
      %mul3A_178 = arith.constant 16 : i32
      %mul3A_179 = arith.muli %scan3A_177, %mul3A_178 : i32
      %get3A_180 = arith.index_cast %mul3A_179 : i32 to index
      %get3A_181 = tpu.vector_load %arg5[%get3A_180] {strides = array<i32>} : memref<4096xf32, #tpu.memory_space<vmem>>, vector<16xf32>,
      %get3A_182 = arith.index_cast %mul3A_179 : i32 to index
      %get3A_183 = tpu.vector_load %arg6[%get3A_182] {strides = array<i32>} : memref<4096xf32, #tpu.memory_space<vmem>>, vector<16xf32>,
      %get3A_184 = arith.index_cast %mul3A_179 : i32 to index
      %get3A_185 = tpu.vector_load %arg7[%get3A_184] {strides = array<i32>} : memref<4096xf32, #tpu.memory_space<vmem>>, vector<16xf32>,
      %mul3A_186 = arith.mulf %get3A_181, %get3A_181 : vector<16xf32>
      %mul3A_187 = arith.mulf %get3A_183, %get3A_183 : vector<16xf32>
      %add3A_188 = arith.addf %mul3A_186, %mul3A_187 : vector<16xf32>
      %mul3A_189 = arith.mulf %get3A_185, %get3A_185 : vector<16xf32>
      %add3A_190 = arith.addf %add3A_188, %mul3A_189 : vector<16xf32>
      %swap3A_191 = arith.index_cast %mul3A_179 : i32 to index
      %swap3A_192 = tpu.vector_load %arg8[%swap3A_191] {strides = array<i32>} : memref<4096xf32, #tpu.memory_space<vmem>>, vector<16xf32>,
      tpu.vector_store %arg8[%swap3A_191], %add3A_190 {strides = array<i32>} : memref<4096xf32, #tpu.memory_space<vmem>>, vector<16xf32>,
      %bitcast_convert_type3A_193 = tpu.bitcast %get3A_181 : vector<16xf32> -> vector<16xi32>
      %shift_right_logical3A_194 = arith.constant 16 : i32
      %shift_right_logical3A_195 = vector.broadcast %shift_right_logical3A_194 : i32 to vector<16xi32>
      %shift_right_logical3A_196 = arith.shrui %bitcast_convert_type3A_193, %shift_right_logical3A_195 : vector<16xi32>
      %and3A_197 = arith.constant 1 : i32
      %and3A_198 = vector.broadcast %and3A_197 : i32 to vector<16xi32>
      %and3A_199 = arith.andi %shift_right_logical3A_196, %and3A_198 : vector<16xi32>
      %add3A_200 = arith.constant 32767 : i32
      %add3A_201 = vector.broadcast %add3A_200 : i32 to vector<16xi32>
      %add3A_202 = arith.addi %bitcast_convert_type3A_193, %add3A_201 : vector<16xi32>
      %add3A_203 = arith.addi %add3A_202, %and3A_199 : vector<16xi32>
      %and3A_204 = arith.constant -65536 : i32
      %and3A_205 = vector.broadcast %and3A_204 : i32 to vector<16xi32>
      %and3A_206 = arith.andi %add3A_203, %and3A_205 : vector<16xi32>
      %bitcast_convert_type3A_207 = tpu.bitcast %and3A_206 : vector<16xi32> -> vector<16xf32>
      %swap3A_208 = arith.index_cast %mul3A_179 : i32 to index
      %swap3A_209 = tpu.vector_load %arg5[%swap3A_208] {strides = array<i32>} : memref<4096xf32, #tpu.memory_space<vmem>>, vector<16xf32>,
      tpu.vector_store %arg5[%swap3A_208], %bitcast_convert_type3A_207 {strides = array<i32>} : memref<4096xf32, #tpu.memory_space<vmem>>, vector<16xf32>,
      %bitcast_convert_type3A_210 = tpu.bitcast %get3A_183 : vector<16xf32> -> vector<16xi32>
      %shift_right_logical3A_211 = arith.constant 16 : i32
      %shift_right_logical3A_212 = vector.broadcast %shift_right_logical3A_211 : i32 to vector<16xi32>
      %shift_right_logical3A_213 = arith.shrui %bitcast_convert_type3A_210, %shift_right_logical3A_212 : vector<16xi32>
      %and3A_214 = arith.constant 1 : i32
      %and3A_215 = vector.broadcast %and3A_214 : i32 to vector<16xi32>
      %and3A_216 = arith.andi %shift_right_logical3A_213, %and3A_215 : vector<16xi32>
      %add3A_217 = arith.constant 32767 : i32
      %add3A_218 = vector.broadcast %add3A_217 : i32 to vector<16xi32>
      %add3A_219 = arith.addi %bitcast_convert_type3A_210, %add3A_218 : vector<16xi32>
      %add3A_220 = arith.addi %add3A_219, %and3A_216 : vector<16xi32>
      %and3A_221 = arith.constant -65536 : i32
      %and3A_222 = vector.broadcast %and3A_221 : i32 to vector<16xi32>
      %and3A_223 = arith.andi %add3A_220, %and3A_222 : vector<16xi32>
      %bitcast_convert_type3A_224 = tpu.bitcast %and3A_223 : vector<16xi32> -> vector<16xf32>
      %swap3A_225 = arith.index_cast %mul3A_179 : i32 to index
      %swap3A_226 = tpu.vector_load %arg6[%swap3A_225] {strides = array<i32>} : memref<4096xf32, #tpu.memory_space<vmem>>, vector<16xf32>,
      tpu.vector_store %arg6[%swap3A_225], %bitcast_convert_type3A_224 {strides = array<i32>} : memref<4096xf32, #tpu.memory_space<vmem>>, vector<16xf32>,
      %bitcast_convert_type3A_227 = tpu.bitcast %get3A_185 : vector<16xf32> -> vector<16xi32>
      %shift_right_logical3A_228 = arith.constant 16 : i32
      %shift_right_logical3A_229 = vector.broadcast %shift_right_logical3A_228 : i32 to vector<16xi32>
      %shift_right_logical3A_230 = arith.shrui %bitcast_convert_type3A_227, %shift_right_logical3A_229 : vector<16xi32>
      %and3A_231 = arith.constant 1 : i32
      %and3A_232 = vector.broadcast %and3A_231 : i32 to vector<16xi32>
      %and3A_233 = arith.andi %shift_right_logical3A_230, %and3A_232 : vector<16xi32>
      %add3A_234 = arith.constant 32767 : i32
      %add3A_235 = vector.broadcast %add3A_234 : i32 to vector<16xi32>
      %add3A_236 = arith.addi %bitcast_convert_type3A_227, %add3A_235 : vector<16xi32>
      %add3A_237 = arith.addi %add3A_236, %and3A_233 : vector<16xi32>
      %and3A_238 = arith.constant -65536 : i32
      %and3A_239 = vector.broadcast %and3A_238 : i32 to vector<16xi32>
      %and3A_240 = arith.andi %add3A_237, %and3A_239 : vector<16xi32>
      %bitcast_convert_type3A_241 = tpu.bitcast %and3A_240 : vector<16xi32> -> vector<16xf32>
      %swap3A_242 = arith.index_cast %mul3A_179 : i32 to index
      %swap3A_243 = tpu.vector_load %arg7[%swap3A_242] {strides = array<i32>} : memref<4096xf32, #tpu.memory_space<vmem>>, vector<16xf32>,
      tpu.vector_store %arg7[%swap3A_242], %bitcast_convert_type3A_241 {strides = array<i32>} : memref<4096xf32, #tpu.memory_space<vmem>>, vector<16xf32>,
      %scan3A_244 = arith.constant 0 : i32
      %scan3A_245 = arith.constant 2 : i32
      %scan3A_246 = arith.addi %scan3A_110, %scan3A_245 : i32
      %mul3A_247 = arith.constant 16 : i32
      %mul3A_248 = arith.muli %scan3A_246, %mul3A_247 : i32
      %get3A_249 = arith.index_cast %mul3A_248 : i32 to index
      %get3A_250 = tpu.vector_load %arg5[%get3A_249] {strides = array<i32>} : memref<4096xf32, #tpu.memory_space<vmem>>, vector<16xf32>,
      %get3A_251 = arith.index_cast %mul3A_248 : i32 to index
      %get3A_252 = tpu.vector_load %arg6[%get3A_251] {strides = array<i32>} : memref<4096xf32, #tpu.memory_space<vmem>>, vector<16xf32>,
      %get3A_253 = arith.index_cast %mul3A_248 : i32 to index
      %get3A_254 = tpu.vector_load %arg7[%get3A_253] {strides = array<i32>} : memref<4096xf32, #tpu.memory_space<vmem>>, vector<16xf32>,
      %mul3A_255 = arith.mulf %get3A_250, %get3A_250 : vector<16xf32>
      %mul3A_256 = arith.mulf %get3A_252, %get3A_252 : vector<16xf32>
      %add3A_257 = arith.addf %mul3A_255, %mul3A_256 : vector<16xf32>
      %mul3A_258 = arith.mulf %get3A_254, %get3A_254 : vector<16xf32>
      %add3A_259 = arith.addf %add3A_257, %mul3A_258 : vector<16xf32>
      %swap3A_260 = arith.index_cast %mul3A_248 : i32 to index
      %swap3A_261 = tpu.vector_load %arg8[%swap3A_260] {strides = array<i32>} : memref<4096xf32, #tpu.memory_space<vmem>>, vector<16xf32>,
      tpu.vector_store %arg8[%swap3A_260], %add3A_259 {strides = array<i32>} : memref<4096xf32, #tpu.memory_space<vmem>>, vector<16xf32>,
      %bitcast_convert_type3A_262 = tpu.bitcast %get3A_250 : vector<16xf32> -> vector<16xi32>
      %shift_right_logical3A_263 = arith.constant 16 : i32
      %shift_right_logical3A_264 = vector.broadcast %shift_right_logical3A_263 : i32 to vector<16xi32>
      %shift_right_logical3A_265 = arith.shrui %bitcast_convert_type3A_262, %shift_right_logical3A_264 : vector<16xi32>
      %and3A_266 = arith.constant 1 : i32
      %and3A_267 = vector.broadcast %and3A_266 : i32 to vector<16xi32>
      %and3A_268 = arith.andi %shift_right_logical3A_265, %and3A_267 : vector<16xi32>
      %add3A_269 = arith.constant 32767 : i32
      %add3A_270 = vector.broadcast %add3A_269 : i32 to vector<16xi32>
      %add3A_271 = arith.addi %bitcast_convert_type3A_262, %add3A_270 : vector<16xi32>
      %add3A_272 = arith.addi %add3A_271, %and3A_268 : vector<16xi32>
      %and3A_273 = arith.constant -65536 : i32
      %and3A_274 = vector.broadcast %and3A_273 : i32 to vector<16xi32>
      %and3A_275 = arith.andi %add3A_272, %and3A_274 : vector<16xi32>
      %bitcast_convert_type3A_276 = tpu.bitcast %and3A_275 : vector<16xi32> -> vector<16xf32>
      %swap3A_277 = arith.index_cast %mul3A_248 : i32 to index
      %swap3A_278 = tpu.vector_load %arg5[%swap3A_277] {strides = array<i32>} : memref<4096xf32, #tpu.memory_space<vmem>>, vector<16xf32>,
      tpu.vector_store %arg5[%swap3A_277], %bitcast_convert_type3A_276 {strides = array<i32>} : memref<4096xf32, #tpu.memory_space<vmem>>, vector<16xf32>,
      %bitcast_convert_type3A_279 = tpu.bitcast %get3A_252 : vector<16xf32> -> vector<16xi32>
      %shift_right_logical3A_280 = arith.constant 16 : i32
      %shift_right_logical3A_281 = vector.broadcast %shift_right_logical3A_280 : i32 to vector<16xi32>
      %shift_right_logical3A_282 = arith.shrui %bitcast_convert_type3A_279, %shift_right_logical3A_281 : vector<16xi32>
      %and3A_283 = arith.constant 1 : i32
      %and3A_284 = vector.broadcast %and3A_283 : i32 to vector<16xi32>
      %and3A_285 = arith.andi %shift_right_logical3A_282, %and3A_284 : vector<16xi32>
      %add3A_286 = arith.constant 32767 : i32
      %add3A_287 = vector.broadcast %add3A_286 : i32 to vector<16xi32>
      %add3A_288 = arith.addi %bitcast_convert_type3A_279, %add3A_287 : vector<16xi32>
      %add3A_289 = arith.addi %add3A_288, %and3A_285 : vector<16xi32>
      %and3A_290 = arith.constant -65536 : i32
      %and3A_291 = vector.broadcast %and3A_290 : i32 to vector<16xi32>
      %and3A_292 = arith.andi %add3A_289, %and3A_291 : vector<16xi32>
      %bitcast_convert_type3A_293 = tpu.bitcast %and3A_292 : vector<16xi32> -> vector<16xf32>
      %swap3A_294 = arith.index_cast %mul3A_248 : i32 to index
      %swap3A_295 = tpu.vector_load %arg6[%swap3A_294] {strides = array<i32>} : memref<4096xf32, #tpu.memory_space<vmem>>, vector<16xf32>,
      tpu.vector_store %arg6[%swap3A_294], %bitcast_convert_type3A_293 {strides = array<i32>} : memref<4096xf32, #tpu.memory_space<vmem>>, vector<16xf32>,
      %bitcast_convert_type3A_296 = tpu.bitcast %get3A_254 : vector<16xf32> -> vector<16xi32>
      %shift_right_logical3A_297 = arith.constant 16 : i32
      %shift_right_logical3A_298 = vector.broadcast %shift_right_logical3A_297 : i32 to vector<16xi32>
      %shift_right_logical3A_299 = arith.shrui %bitcast_convert_type3A_296, %shift_right_logical3A_298 : vector<16xi32>
      %and3A_300 = arith.constant 1 : i32
      %and3A_301 = vector.broadcast %and3A_300 : i32 to vector<16xi32>
      %and3A_302 = arith.andi %shift_right_logical3A_299, %and3A_301 : vector<16xi32>
      %add3A_303 = arith.constant 32767 : i32
      %add3A_304 = vector.broadcast %add3A_303 : i32 to vector<16xi32>
      %add3A_305 = arith.addi %bitcast_convert_type3A_296, %add3A_304 : vector<16xi32>
      %add3A_306 = arith.addi %add3A_305, %and3A_302 : vector<16xi32>
      %and3A_307 = arith.constant -65536 : i32
      %and3A_308 = vector.broadcast %and3A_307 : i32 to vector<16xi32>
      %and3A_309 = arith.andi %add3A_306, %and3A_308 : vector<16xi32>
      %bitcast_convert_type3A_310 = tpu.bitcast %and3A_309 : vector<16xi32> -> vector<16xf32>
      %swap3A_311 = arith.index_cast %mul3A_248 : i32 to index
      %swap3A_312 = tpu.vector_load %arg7[%swap3A_311] {strides = array<i32>} : memref<4096xf32, #tpu.memory_space<vmem>>, vector<16xf32>,
      tpu.vector_store %arg7[%swap3A_311], %bitcast_convert_type3A_310 {strides = array<i32>} : memref<4096xf32, #tpu.memory_space<vmem>>, vector<16xf32>,
      %scan3A_313 = arith.constant 0 : i32
      %scan3A_314 = arith.constant 3 : i32
      %scan3A_315 = arith.addi %scan3A_110, %scan3A_314 : i32
      %mul3A_316 = arith.constant 16 : i32
      %mul3A_317 = arith.muli %scan3A_315, %mul3A_316 : i32
      %get3A_318 = arith.index_cast %mul3A_317 : i32 to index
      %get3A_319 = tpu.vector_load %arg5[%get3A_318] {strides = array<i32>} : memref<4096xf32, #tpu.memory_space<vmem>>, vector<16xf32>,
      %get3A_320 = arith.index_cast %mul3A_317 : i32 to index
      %get3A_321 = tpu.vector_load %arg6[%get3A_320] {strides = array<i32>} : memref<4096xf32, #tpu.memory_space<vmem>>, vector<16xf32>,
      %get3A_322 = arith.index_cast %mul3A_317 : i32 to index
      %get3A_323 = tpu.vector_load %arg7[%get3A_322] {strides = array<i32>} : memref<4096xf32, #tpu.memory_space<vmem>>, vector<16xf32>,
      %mul3A_324 = arith.mulf %get3A_319, %get3A_319 : vector<16xf32>
      %mul3A_325 = arith.mulf %get3A_321, %get3A_321 : vector<16xf32>
      %add3A_326 = arith.addf %mul3A_324, %mul3A_325 : vector<16xf32>
      %mul3A_327 = arith.mulf %get3A_323, %get3A_323 : vector<16xf32>
      %add3A_328 = arith.addf %add3A_326, %mul3A_327 : vector<16xf32>
      %swap3A_329 = arith.index_cast %mul3A_317 : i32 to index
      %swap3A_330 = tpu.vector_load %arg8[%swap3A_329] {strides = array<i32>} : memref<4096xf32, #tpu.memory_space<vmem>>, vector<16xf32>,
      tpu.vector_store %arg8[%swap3A_329], %add3A_328 {strides = array<i32>} : memref<4096xf32, #tpu.memory_space<vmem>>, vector<16xf32>,
      %bitcast_convert_type3A_331 = tpu.bitcast %get3A_319 : vector<16xf32> -> vector<16xi32>
      %shift_right_logical3A_332 = arith.constant 16 : i32
      %shift_right_logical3A_333 = vector.broadcast %shift_right_logical3A_332 : i32 to vector<16xi32>
      %shift_right_logical3A_334 = arith.shrui %bitcast_convert_type3A_331, %shift_right_logical3A_333 : vector<16xi32>
      %and3A_335 = arith.constant 1 : i32
      %and3A_336 = vector.broadcast %and3A_335 : i32 to vector<16xi32>
      %and3A_337 = arith.andi %shift_right_logical3A_334, %and3A_336 : vector<16xi32>
      %add3A_338 = arith.constant 32767 : i32
      %add3A_339 = vector.broadcast %add3A_338 : i32 to vector<16xi32>
      %add3A_340 = arith.addi %bitcast_convert_type3A_331, %add3A_339 : vector<16xi32>
      %add3A_341 = arith.addi %add3A_340, %and3A_337 : vector<16xi32>
      %and3A_342 = arith.constant -65536 : i32
      %and3A_343 = vector.broadcast %and3A_342 : i32 to vector<16xi32>
      %and3A_344 = arith.andi %add3A_341, %and3A_343 : vector<16xi32>
      %bitcast_convert_type3A_345 = tpu.bitcast %and3A_344 : vector<16xi32> -> vector<16xf32>
      %swap3A_346 = arith.index_cast %mul3A_317 : i32 to index
      %swap3A_347 = tpu.vector_load %arg5[%swap3A_346] {strides = array<i32>} : memref<4096xf32, #tpu.memory_space<vmem>>, vector<16xf32>,
      tpu.vector_store %arg5[%swap3A_346], %bitcast_convert_type3A_345 {strides = array<i32>} : memref<4096xf32, #tpu.memory_space<vmem>>, vector<16xf32>,
      %bitcast_convert_type3A_348 = tpu.bitcast %get3A_321 : vector<16xf32> -> vector<16xi32>
      %shift_right_logical3A_349 = arith.constant 16 : i32
      %shift_right_logical3A_350 = vector.broadcast %shift_right_logical3A_349 : i32 to vector<16xi32>
      %shift_right_logical3A_351 = arith.shrui %bitcast_convert_type3A_348, %shift_right_logical3A_350 : vector<16xi32>
      %and3A_352 = arith.constant 1 : i32
      %and3A_353 = vector.broadcast %and3A_352 : i32 to vector<16xi32>
      %and3A_354 = arith.andi %shift_right_logical3A_351, %and3A_353 : vector<16xi32>
      %add3A_355 = arith.constant 32767 : i32
      %add3A_356 = vector.broadcast %add3A_355 : i32 to vector<16xi32>
      %add3A_357 = arith.addi %bitcast_convert_type3A_348, %add3A_356 : vector<16xi32>
      %add3A_358 = arith.addi %add3A_357, %and3A_354 : vector<16xi32>
      %and3A_359 = arith.constant -65536 : i32
      %and3A_360 = vector.broadcast %and3A_359 : i32 to vector<16xi32>
      %and3A_361 = arith.andi %add3A_358, %and3A_360 : vector<16xi32>
      %bitcast_convert_type3A_362 = tpu.bitcast %and3A_361 : vector<16xi32> -> vector<16xf32>
      %swap3A_363 = arith.index_cast %mul3A_317 : i32 to index
      %swap3A_364 = tpu.vector_load %arg6[%swap3A_363] {strides = array<i32>} : memref<4096xf32, #tpu.memory_space<vmem>>, vector<16xf32>,
      tpu.vector_store %arg6[%swap3A_363], %bitcast_convert_type3A_362 {strides = array<i32>} : memref<4096xf32, #tpu.memory_space<vmem>>, vector<16xf32>,
      %bitcast_convert_type3A_365 = tpu.bitcast %get3A_323 : vector<16xf32> -> vector<16xi32>
      %shift_right_logical3A_366 = arith.constant 16 : i32
      %shift_right_logical3A_367 = vector.broadcast %shift_right_logical3A_366 : i32 to vector<16xi32>
      %shift_right_logical3A_368 = arith.shrui %bitcast_convert_type3A_365, %shift_right_logical3A_367 : vector<16xi32>
      %and3A_369 = arith.constant 1 : i32
      %and3A_370 = vector.broadcast %and3A_369 : i32 to vector<16xi32>
      %and3A_371 = arith.andi %shift_right_logical3A_368, %and3A_370 : vector<16xi32>
      %add3A_372 = arith.constant 32767 : i32
      %add3A_373 = vector.broadcast %add3A_372 : i32 to vector<16xi32>
      %add3A_374 = arith.addi %bitcast_convert_type3A_365, %add3A_373 : vector<16xi32>
      %add3A_375 = arith.addi %add3A_374, %and3A_371 : vector<16xi32>
      %and3A_376 = arith.constant -65536 : i32
      %and3A_377 = vector.broadcast %and3A_376 : i32 to vector<16xi32>
      %and3A_378 = arith.andi %add3A_375, %and3A_377 : vector<16xi32>
      %bitcast_convert_type3A_379 = tpu.bitcast %and3A_378 : vector<16xi32> -> vector<16xf32>
      %swap3A_380 = arith.index_cast %mul3A_317 : i32 to index
      %swap3A_381 = tpu.vector_load %arg7[%swap3A_380] {strides = array<i32>} : memref<4096xf32, #tpu.memory_space<vmem>>, vector<16xf32>,
      tpu.vector_store %arg7[%swap3A_380], %bitcast_convert_type3A_379 {strides = array<i32>} : memref<4096xf32, #tpu.memory_space<vmem>>, vector<16xf32>,
      %scan3A_382 = arith.constant 0 : i32
      scf.yield %scan3A_382 : i32
    }
    %scan3A_79 = arith.constant 256 : i32
    %broadcast_in_dim3A = arith.constant 0x7F800000 : f32
    %broadcast_in_dim3A_80 = vector.broadcast %broadcast_in_dim3A : f32 to vector<16xf32>
    %scan3A_81 = arith.constant 0 : i32
    %scan3A_82 = arith.constant 0 : i32
    %scan3A_83 = arith.constant 64 : i32
    %scan3A_84 = arith.addi %scan3A_82, %scan3A_83 : i32
    %scan3A_85 = arith.constant 4 : i32
    %scan3A_86 = scf.for %scan3A_110 = %scan3A_82 to %scan3A_84 step %scan3A_85 iter_args(%scan3A_111 = %scan3A_81) -> (i32)  : i32 {
      %mul3A_112 = arith.constant 16 : i32
      %mul3A_113 = arith.muli %scan3A_110, %mul3A_112 : i32
      %swap3A_114 = arith.index_cast %mul3A_113 : i32 to index
      %swap3A_115 = tpu.vector_load %arg12[%swap3A_114] {strides = array<i32>} : memref<1024xf32, #tpu.memory_space<vmem>>, vector<16xf32>,
      tpu.vector_store %arg12[%swap3A_114], %broadcast_in_dim3A_80 {strides = array<i32>} : memref<1024xf32, #tpu.memory_space<vmem>>, vector<16xf32>,
      %scan3A_116 = arith.constant 0 : i32
      %scan3A_117 = arith.constant 1 : i32
      %scan3A_118 = arith.addi %scan3A_110, %scan3A_117 : i32
      %mul3A_119 = arith.constant 16 : i32
      %mul3A_120 = arith.muli %scan3A_118, %mul3A_119 : i32
      %swap3A_121 = arith.index_cast %mul3A_120 : i32 to index
      %swap3A_122 = tpu.vector_load %arg12[%swap3A_121] {strides = array<i32>} : memref<1024xf32, #tpu.memory_space<vmem>>, vector<16xf32>,
      tpu.vector_store %arg12[%swap3A_121], %broadcast_in_dim3A_80 {strides = array<i32>} : memref<1024xf32, #tpu.memory_space<vmem>>, vector<16xf32>,
      %scan3A_123 = arith.constant 0 : i32
      %scan3A_124 = arith.constant 2 : i32
      %scan3A_125 = arith.addi %scan3A_110, %scan3A_124 : i32
      %mul3A_126 = arith.constant 16 : i32
      %mul3A_127 = arith.muli %scan3A_125, %mul3A_126 : i32
      %swap3A_128 = arith.index_cast %mul3A_127 : i32 to index
      %swap3A_129 = tpu.vector_load %arg12[%swap3A_128] {strides = array<i32>} : memref<1024xf32, #tpu.memory_space<vmem>>, vector<16xf32>,
      tpu.vector_store %arg12[%swap3A_128], %broadcast_in_dim3A_80 {strides = array<i32>} : memref<1024xf32, #tpu.memory_space<vmem>>, vector<16xf32>,
      %scan3A_130 = arith.constant 0 : i32
      %scan3A_131 = arith.constant 3 : i32
      %scan3A_132 = arith.addi %scan3A_110, %scan3A_131 : i32
      %mul3A_133 = arith.constant 16 : i32
      %mul3A_134 = arith.muli %scan3A_132, %mul3A_133 : i32
      %swap3A_135 = arith.index_cast %mul3A_134 : i32 to index
      %swap3A_136 = tpu.vector_load %arg12[%swap3A_135] {strides = array<i32>} : memref<1024xf32, #tpu.memory_space<vmem>>, vector<16xf32>,
      tpu.vector_store %arg12[%swap3A_135], %broadcast_in_dim3A_80 {strides = array<i32>} : memref<1024xf32, #tpu.memory_space<vmem>>, vector<16xf32>,
      %scan3A_137 = arith.constant 0 : i32
      scf.yield %scan3A_137 : i32
    }
    %scan3A_87 = arith.constant 64 : i32
    %scan3A_88 = arith.constant 0 : i32
    %scan3A_89 = arith.constant 0 : i32
    %scan3A_90 = arith.constant 32 : i32
    %scan3A_91 = arith.addi %scan3A_89, %scan3A_90 : i32
    %scan3A_92 = arith.constant 1 : i32
    %scan3A_93 = scf.for %scan3A_110 = %scan3A_89 to %scan3A_91 step %scan3A_92 iter_args(%scan3A_111 = %scan3A_88) -> (i32)  : i32 {
      %mul3A_112 = arith.constant 128 : i32
      %mul3A_113 = arith.muli %scan3A_110, %mul3A_112 : i32
      %add3A_114 = arith.constant 0 : i32
      %add3A_115 = arith.addi %mul3A_113, %add3A_114 : i32
      %get3A = arith.index_cast %add3A_115 : i32 to index
      %get3A_116 = tpu.vector_load %arg5[%get3A] {strides = array<i32>} : memref<4096xf32, #tpu.memory_space<vmem>>, vector<16xf32>,
      %add3A_117 = arith.constant 16 : i32
      %add3A_118 = arith.addi %mul3A_113, %add3A_117 : i32
      %get3A_119 = arith.index_cast %add3A_118 : i32 to index
      %get3A_120 = tpu.vector_load %arg5[%get3A_119] {strides = array<i32>} : memref<4096xf32, #tpu.memory_space<vmem>>, vector<16xf32>,
      %add3A_121 = arith.constant 32 : i32
      %add3A_122 = arith.addi %mul3A_113, %add3A_121 : i32
      %get3A_123 = arith.index_cast %add3A_122 : i32 to index
      %get3A_124 = tpu.vector_load %arg5[%get3A_123] {strides = array<i32>} : memref<4096xf32, #tpu.memory_space<vmem>>, vector<16xf32>,
      %add3A_125 = arith.constant 48 : i32
      %add3A_126 = arith.addi %mul3A_113, %add3A_125 : i32
      %get3A_127 = arith.index_cast %add3A_126 : i32 to index
      %get3A_128 = tpu.vector_load %arg5[%get3A_127] {strides = array<i32>} : memref<4096xf32, #tpu.memory_space<vmem>>, vector<16xf32>,
      %add3A_129 = arith.constant 64 : i32
      %add3A_130 = arith.addi %mul3A_113, %add3A_129 : i32
      %get3A_131 = arith.index_cast %add3A_130 : i32 to index
      %get3A_132 = tpu.vector_load %arg5[%get3A_131] {strides = array<i32>} : memref<4096xf32, #tpu.memory_space<vmem>>, vector<16xf32>,
      %add3A_133 = arith.constant 80 : i32
      %add3A_134 = arith.addi %mul3A_113, %add3A_133 : i32
      %get3A_135 = arith.index_cast %add3A_134 : i32 to index
      %get3A_136 = tpu.vector_load %arg5[%get3A_135] {strides = array<i32>} : memref<4096xf32, #tpu.memory_space<vmem>>, vector<16xf32>,
      %add3A_137 = arith.constant 96 : i32
      %add3A_138 = arith.addi %mul3A_113, %add3A_137 : i32
      %get3A_139 = arith.index_cast %add3A_138 : i32 to index
      %get3A_140 = tpu.vector_load %arg5[%get3A_139] {strides = array<i32>} : memref<4096xf32, #tpu.memory_space<vmem>>, vector<16xf32>,
      %add3A_141 = arith.constant 112 : i32
      %add3A_142 = arith.addi %mul3A_113, %add3A_141 : i32
      %get3A_143 = arith.index_cast %add3A_142 : i32 to index
      %get3A_144 = tpu.vector_load %arg5[%get3A_143] {strides = array<i32>} : memref<4096xf32, #tpu.memory_space<vmem>>, vector<16xf32>,
      %add3A_145 = arith.constant 0 : i32
      %add3A_146 = arith.addi %mul3A_113, %add3A_145 : i32
      %get3A_147 = arith.index_cast %add3A_146 : i32 to index
      %get3A_148 = tpu.vector_load %arg6[%get3A_147] {strides = array<i32>} : memref<4096xf32, #tpu.memory_space<vmem>>, vector<16xf32>,
      %add3A_149 = arith.constant 16 : i32
      %add3A_150 = arith.addi %mul3A_113, %add3A_149 : i32
      %get3A_151 = arith.index_cast %add3A_150 : i32 to index
      %get3A_152 = tpu.vector_load %arg6[%get3A_151] {strides = array<i32>} : memref<4096xf32, #tpu.memory_space<vmem>>, vector<16xf32>,
      %add3A_153 = arith.constant 32 : i32
      %add3A_154 = arith.addi %mul3A_113, %add3A_153 : i32
      %get3A_155 = arith.index_cast %add3A_154 : i32 to index
      %get3A_156 = tpu.vector_load %arg6[%get3A_155] {strides = array<i32>} : memref<4096xf32, #tpu.memory_space<vmem>>, vector<16xf32>,
      %add3A_157 = arith.constant 48 : i32
      %add3A_158 = arith.addi %mul3A_113, %add3A_157 : i32
      %get3A_159 = arith.index_cast %add3A_158 : i32 to index
      %get3A_160 = tpu.vector_load %arg6[%get3A_159] {strides = array<i32>} : memref<4096xf32, #tpu.memory_space<vmem>>, vector<16xf32>,
      %add3A_161 = arith.constant 64 : i32
      %add3A_162 = arith.addi %mul3A_113, %add3A_161 : i32
      %get3A_163 = arith.index_cast %add3A_162 : i32 to index
      %get3A_164 = tpu.vector_load %arg6[%get3A_163] {strides = array<i32>} : memref<4096xf32, #tpu.memory_space<vmem>>, vector<16xf32>,
      %add3A_165 = arith.constant 80 : i32
      %add3A_166 = arith.addi %mul3A_113, %add3A_165 : i32
      %get3A_167 = arith.index_cast %add3A_166 : i32 to index
      %get3A_168 = tpu.vector_load %arg6[%get3A_167] {strides = array<i32>} : memref<4096xf32, #tpu.memory_space<vmem>>, vector<16xf32>,
      %add3A_169 = arith.constant 96 : i32
      %add3A_170 = arith.addi %mul3A_113, %add3A_169 : i32
      %get3A_171 = arith.index_cast %add3A_170 : i32 to index
      %get3A_172 = tpu.vector_load %arg6[%get3A_171] {strides = array<i32>} : memref<4096xf32, #tpu.memory_space<vmem>>, vector<16xf32>,
      %add3A_173 = arith.constant 112 : i32
      %add3A_174 = arith.addi %mul3A_113, %add3A_173 : i32
      %get3A_175 = arith.index_cast %add3A_174 : i32 to index
      %get3A_176 = tpu.vector_load %arg6[%get3A_175] {strides = array<i32>} : memref<4096xf32, #tpu.memory_space<vmem>>, vector<16xf32>,
      %add3A_177 = arith.constant 0 : i32
      %add3A_178 = arith.addi %mul3A_113, %add3A_177 : i32
      %get3A_179 = arith.index_cast %add3A_178 : i32 to index
      %get3A_180 = tpu.vector_load %arg7[%get3A_179] {strides = array<i32>} : memref<4096xf32, #tpu.memory_space<vmem>>, vector<16xf32>,
      %add3A_181 = arith.constant 16 : i32
      %add3A_182 = arith.addi %mul3A_113, %add3A_181 : i32
      %get3A_183 = arith.index_cast %add3A_182 : i32 to index
      %get3A_184 = tpu.vector_load %arg7[%get3A_183] {strides = array<i32>} : memref<4096xf32, #tpu.memory_space<vmem>>, vector<16xf32>,
      %add3A_185 = arith.constant 32 : i32
      %add3A_186 = arith.addi %mul3A_113, %add3A_185 : i32
      %get3A_187 = arith.index_cast %add3A_186 : i32 to index
      %get3A_188 = tpu.vector_load %arg7[%get3A_187] {strides = array<i32>} : memref<4096xf32, #tpu.memory_space<vmem>>, vector<16xf32>,
      %add3A_189 = arith.constant 48 : i32
      %add3A_190 = arith.addi %mul3A_113, %add3A_189 : i32
      %get3A_191 = arith.index_cast %add3A_190 : i32 to index
      %get3A_192 = tpu.vector_load %arg7[%get3A_191] {strides = array<i32>} : memref<4096xf32, #tpu.memory_space<vmem>>, vector<16xf32>,
      %add3A_193 = arith.constant 64 : i32
      %add3A_194 = arith.addi %mul3A_113, %add3A_193 : i32
      %get3A_195 = arith.index_cast %add3A_194 : i32 to index
      %get3A_196 = tpu.vector_load %arg7[%get3A_195] {strides = array<i32>} : memref<4096xf32, #tpu.memory_space<vmem>>, vector<16xf32>,
      %add3A_197 = arith.constant 80 : i32
      %add3A_198 = arith.addi %mul3A_113, %add3A_197 : i32
      %get3A_199 = arith.index_cast %add3A_198 : i32 to index
      %get3A_200 = tpu.vector_load %arg7[%get3A_199] {strides = array<i32>} : memref<4096xf32, #tpu.memory_space<vmem>>, vector<16xf32>,
      %add3A_201 = arith.constant 96 : i32
      %add3A_202 = arith.addi %mul3A_113, %add3A_201 : i32
      %get3A_203 = arith.index_cast %add3A_202 : i32 to index
      %get3A_204 = tpu.vector_load %arg7[%get3A_203] {strides = array<i32>} : memref<4096xf32, #tpu.memory_space<vmem>>, vector<16xf32>,
      %add3A_205 = arith.constant 112 : i32
      %add3A_206 = arith.addi %mul3A_113, %add3A_205 : i32
      %get3A_207 = arith.index_cast %add3A_206 : i32 to index
      %get3A_208 = tpu.vector_load %arg7[%get3A_207] {strides = array<i32>} : memref<4096xf32, #tpu.memory_space<vmem>>, vector<16xf32>,
      %add3A_209 = arith.constant 0 : i32
      %add3A_210 = arith.addi %mul3A_113, %add3A_209 : i32
      %get3A_211 = arith.index_cast %add3A_210 : i32 to index
      %get3A_212 = tpu.vector_load %arg8[%get3A_211] {strides = array<i32>} : memref<4096xf32, #tpu.memory_space<vmem>>, vector<16xf32>,
      %add3A_213 = arith.constant 16 : i32
      %add3A_214 = arith.addi %mul3A_113, %add3A_213 : i32
      %get3A_215 = arith.index_cast %add3A_214 : i32 to index
      %get3A_216 = tpu.vector_load %arg8[%get3A_215] {strides = array<i32>} : memref<4096xf32, #tpu.memory_space<vmem>>, vector<16xf32>,
      %add3A_217 = arith.constant 32 : i32
      %add3A_218 = arith.addi %mul3A_113, %add3A_217 : i32
      %get3A_219 = arith.index_cast %add3A_218 : i32 to index
      %get3A_220 = tpu.vector_load %arg8[%get3A_219] {strides = array<i32>} : memref<4096xf32, #tpu.memory_space<vmem>>, vector<16xf32>,
      %add3A_221 = arith.constant 48 : i32
      %add3A_222 = arith.addi %mul3A_113, %add3A_221 : i32
      %get3A_223 = arith.index_cast %add3A_222 : i32 to index
      %get3A_224 = tpu.vector_load %arg8[%get3A_223] {strides = array<i32>} : memref<4096xf32, #tpu.memory_space<vmem>>, vector<16xf32>,
      %add3A_225 = arith.constant 64 : i32
      %add3A_226 = arith.addi %mul3A_113, %add3A_225 : i32
      %get3A_227 = arith.index_cast %add3A_226 : i32 to index
      %get3A_228 = tpu.vector_load %arg8[%get3A_227] {strides = array<i32>} : memref<4096xf32, #tpu.memory_space<vmem>>, vector<16xf32>,
      %add3A_229 = arith.constant 80 : i32
      %add3A_230 = arith.addi %mul3A_113, %add3A_229 : i32
      %get3A_231 = arith.index_cast %add3A_230 : i32 to index
      %get3A_232 = tpu.vector_load %arg8[%get3A_231] {strides = array<i32>} : memref<4096xf32, #tpu.memory_space<vmem>>, vector<16xf32>,
      %add3A_233 = arith.constant 96 : i32
      %add3A_234 = arith.addi %mul3A_113, %add3A_233 : i32
      %get3A_235 = arith.index_cast %add3A_234 : i32 to index
      %get3A_236 = tpu.vector_load %arg8[%get3A_235] {strides = array<i32>} : memref<4096xf32, #tpu.memory_space<vmem>>, vector<16xf32>,
      %add3A_237 = arith.constant 112 : i32
      %add3A_238 = arith.addi %mul3A_113, %add3A_237 : i32
      %get3A_239 = arith.index_cast %add3A_238 : i32 to index
      %get3A_240 = tpu.vector_load %arg8[%get3A_239] {strides = array<i32>} : memref<4096xf32, #tpu.memory_space<vmem>>, vector<16xf32>,
      %scan3A_241 = arith.constant 0 : i32
      %scan3A_242 = arith.constant 0 : i32
      %scan3A_243 = arith.constant 4 : i32
      %scan3A_244 = arith.addi %scan3A_242, %scan3A_243 : i32
      %scan3A_245 = arith.constant 1 : i32
      %scan3A_246 = scf.for %scan3A_249 = %scan3A_242 to %scan3A_244 step %scan3A_245 iter_args(%scan3A_250 = %scan3A_241) -> (i32)  : i32 {
        %mul3A_251 = arith.constant 16 : i32
        %mul3A_252 = arith.muli %scan3A_249, %mul3A_251 : i32
        %get3A_253 = arith.index_cast %mul3A_252 : i32 to index
        %get3A_254 = tpu.vector_load %arg9[%get3A_253] {strides = array<i32>} : memref<64xf32, #tpu.memory_space<vmem>>, vector<16xf32>,
        %bitcast_convert_type3A = tpu.bitcast %get3A_254 : vector<16xf32> -> vector<16xi32>
        %shift_right_logical3A = arith.constant 16 : i32
        %shift_right_logical3A_255 = vector.broadcast %shift_right_logical3A : i32 to vector<16xi32>
        %shift_right_logical3A_256 = arith.shrui %bitcast_convert_type3A, %shift_right_logical3A_255 : vector<16xi32>
        %and3A_257 = arith.constant 1 : i32
        %and3A_258 = vector.broadcast %and3A_257 : i32 to vector<16xi32>
        %and3A_259 = arith.andi %shift_right_logical3A_256, %and3A_258 : vector<16xi32>
        %add3A_260 = arith.constant 32767 : i32
        %add3A_261 = vector.broadcast %add3A_260 : i32 to vector<16xi32>
        %add3A_262 = arith.addi %bitcast_convert_type3A, %add3A_261 : vector<16xi32>
        %add3A_263 = arith.addi %add3A_262, %and3A_259 : vector<16xi32>
        %and3A_264 = arith.constant -65536 : i32
        %and3A_265 = vector.broadcast %and3A_264 : i32 to vector<16xi32>
        %and3A_266 = arith.andi %add3A_263, %and3A_265 : vector<16xi32>
        %bitcast_convert_type3A_267 = tpu.bitcast %and3A_266 : vector<16xi32> -> vector<16xf32>
        %mul3A_268 = arith.constant -2.000000e+00 : f32
        %mul3A_269 = vector.broadcast %mul3A_268 : f32 to vector<16xf32>
        %mul3A_270 = arith.mulf %mul3A_269, %bitcast_convert_type3A_267 : vector<16xf32>
        %get3A_271 = arith.index_cast %mul3A_252 : i32 to index
        %get3A_272 = tpu.vector_load %arg10[%get3A_271] {strides = array<i32>} : memref<64xf32, #tpu.memory_space<vmem>>, vector<16xf32>,
        %bitcast_convert_type3A_273 = tpu.bitcast %get3A_272 : vector<16xf32> -> vector<16xi32>
        %shift_right_logical3A_274 = arith.constant 16 : i32
        %shift_right_logical3A_275 = vector.broadcast %shift_right_logical3A_274 : i32 to vector<16xi32>
        %shift_right_logical3A_276 = arith.shrui %bitcast_convert_type3A_273, %shift_right_logical3A_275 : vector<16xi32>
        %and3A_277 = arith.constant 1 : i32
        %and3A_278 = vector.broadcast %and3A_277 : i32 to vector<16xi32>
        %and3A_279 = arith.andi %shift_right_logical3A_276, %and3A_278 : vector<16xi32>
        %add3A_280 = arith.constant 32767 : i32
        %add3A_281 = vector.broadcast %add3A_280 : i32 to vector<16xi32>
        %add3A_282 = arith.addi %bitcast_convert_type3A_273, %add3A_281 : vector<16xi32>
        %add3A_283 = arith.addi %add3A_282, %and3A_279 : vector<16xi32>
        %and3A_284 = arith.constant -65536 : i32
        %and3A_285 = vector.broadcast %and3A_284 : i32 to vector<16xi32>
        %and3A_286 = arith.andi %add3A_283, %and3A_285 : vector<16xi32>
        %bitcast_convert_type3A_287 = tpu.bitcast %and3A_286 : vector<16xi32> -> vector<16xf32>
        %mul3A_288 = arith.constant -2.000000e+00 : f32
        %mul3A_289 = vector.broadcast %mul3A_288 : f32 to vector<16xf32>
        %mul3A_290 = arith.mulf %mul3A_289, %bitcast_convert_type3A_287 : vector<16xf32>
        %get3A_291 = arith.index_cast %mul3A_252 : i32 to index
        %get3A_292 = tpu.vector_load %arg11[%get3A_291] {strides = array<i32>} : memref<64xf32, #tpu.memory_space<vmem>>, vector<16xf32>,
        %bitcast_convert_type3A_293 = tpu.bitcast %get3A_292 : vector<16xf32> -> vector<16xi32>
        %shift_right_logical3A_294 = arith.constant 16 : i32
        %shift_right_logical3A_295 = vector.broadcast %shift_right_logical3A_294 : i32 to vector<16xi32>
        %shift_right_logical3A_296 = arith.shrui %bitcast_convert_type3A_293, %shift_right_logical3A_295 : vector<16xi32>
        %and3A_297 = arith.constant 1 : i32
        %and3A_298 = vector.broadcast %and3A_297 : i32 to vector<16xi32>
        %and3A_299 = arith.andi %shift_right_logical3A_296, %and3A_298 : vector<16xi32>
        %add3A_300 = arith.constant 32767 : i32
        %add3A_301 = vector.broadcast %add3A_300 : i32 to vector<16xi32>
        %add3A_302 = arith.addi %bitcast_convert_type3A_293, %add3A_301 : vector<16xi32>
        %add3A_303 = arith.addi %add3A_302, %and3A_299 : vector<16xi32>
        %and3A_304 = arith.constant -65536 : i32
        %and3A_305 = vector.broadcast %and3A_304 : i32 to vector<16xi32>
        %and3A_306 = arith.andi %add3A_303, %and3A_305 : vector<16xi32>
        %bitcast_convert_type3A_307 = tpu.bitcast %and3A_306 : vector<16xi32> -> vector<16xf32>
        %mul3A_308 = arith.constant -2.000000e+00 : f32
        %mul3A_309 = vector.broadcast %mul3A_308 : f32 to vector<16xf32>
        %mul3A_310 = arith.mulf %mul3A_309, %bitcast_convert_type3A_307 : vector<16xf32>
        %slice3A = vector.extract_strided_slice %mul3A_270 {offsets = [0], sizes = [1], strides = [1]} : vector<16xf32> to vector<1xf32>
        %squeeze3A = vector.extract %slice3A[0] : f32 from vector<1xf32>
        %slice3A_311 = vector.extract_strided_slice %mul3A_290 {offsets = [0], sizes = [1], strides = [1]} : vector<16xf32> to vector<1xf32>
        %squeeze3A_312 = vector.extract %slice3A_311[0] : f32 from vector<1xf32>
        %slice3A_313 = vector.extract_strided_slice %mul3A_310 {offsets = [0], sizes = [1], strides = [1]} : vector<16xf32> to vector<1xf32>
        %squeeze3A_314 = vector.extract %slice3A_313[0] : f32 from vector<1xf32>
        %add3A_315 = arith.constant 0 : i32
        %add3A_316 = arith.addi %mul3A_252, %add3A_315 : i32
        %mul3A_317 = arith.constant 16 : i32
        %mul3A_318 = arith.muli %add3A_316, %mul3A_317 : i32
        %get3A_319 = arith.index_cast %mul3A_318 : i32 to index
        %get3A_320 = tpu.vector_load %arg12[%get3A_319] {strides = array<i32>} : memref<1024xf32, #tpu.memory_space<vmem>>, vector<16xf32>,
        %mul3A_321 = vector.broadcast %squeeze3A : f32 to vector<16xf32>
        %mul3A_322 = arith.mulf %mul3A_321, %get3A_116 : vector<16xf32>
        %add3A_323 = arith.addf %get3A_212, %mul3A_322 : vector<16xf32>
        %mul3A_324 = vector.broadcast %squeeze3A_312 : f32 to vector<16xf32>
        %mul3A_325 = arith.mulf %mul3A_324, %get3A_148 : vector<16xf32>
        %mul3A_326 = vector.broadcast %squeeze3A_314 : f32 to vector<16xf32>
        %mul3A_327 = arith.mulf %mul3A_326, %get3A_180 : vector<16xf32>
        %add3A_328 = arith.addf %mul3A_325, %mul3A_327 : vector<16xf32>
        %add3A_329 = arith.addf %add3A_323, %add3A_328 : vector<16xf32>
        %mul3A_330 = vector.broadcast %squeeze3A : f32 to vector<16xf32>
        %mul3A_331 = arith.mulf %mul3A_330, %get3A_120 : vector<16xf32>
        %add3A_332 = arith.addf %get3A_216, %mul3A_331 : vector<16xf32>
        %mul3A_333 = vector.broadcast %squeeze3A_312 : f32 to vector<16xf32>
        %mul3A_334 = arith.mulf %mul3A_333, %get3A_152 : vector<16xf32>
        %mul3A_335 = vector.broadcast %squeeze3A_314 : f32 to vector<16xf32>
        %mul3A_336 = arith.mulf %mul3A_335, %get3A_184 : vector<16xf32>
        %add3A_337 = arith.addf %mul3A_334, %mul3A_336 : vector<16xf32>
        %add3A_338 = arith.addf %add3A_332, %add3A_337 : vector<16xf32>
        %mul3A_339 = vector.broadcast %squeeze3A : f32 to vector<16xf32>
        %mul3A_340 = arith.mulf %mul3A_339, %get3A_124 : vector<16xf32>
        %add3A_341 = arith.addf %get3A_220, %mul3A_340 : vector<16xf32>
        %mul3A_342 = vector.broadcast %squeeze3A_312 : f32 to vector<16xf32>
        %mul3A_343 = arith.mulf %mul3A_342, %get3A_156 : vector<16xf32>
        %mul3A_344 = vector.broadcast %squeeze3A_314 : f32 to vector<16xf32>
        %mul3A_345 = arith.mulf %mul3A_344, %get3A_188 : vector<16xf32>
        %add3A_346 = arith.addf %mul3A_343, %mul3A_345 : vector<16xf32>
        %add3A_347 = arith.addf %add3A_341, %add3A_346 : vector<16xf32>
        %mul3A_348 = vector.broadcast %squeeze3A : f32 to vector<16xf32>
        %mul3A_349 = arith.mulf %mul3A_348, %get3A_128 : vector<16xf32>
        %add3A_350 = arith.addf %get3A_224, %mul3A_349 : vector<16xf32>
        %mul3A_351 = vector.broadcast %squeeze3A_312 : f32 to vector<16xf32>
        %mul3A_352 = arith.mulf %mul3A_351, %get3A_160 : vector<16xf32>
        %mul3A_353 = vector.broadcast %squeeze3A_314 : f32 to vector<16xf32>
        %mul3A_354 = arith.mulf %mul3A_353, %get3A_192 : vector<16xf32>
        %add3A_355 = arith.addf %mul3A_352, %mul3A_354 : vector<16xf32>
        %add3A_356 = arith.addf %add3A_350, %add3A_355 : vector<16xf32>
        %mul3A_357 = vector.broadcast %squeeze3A : f32 to vector<16xf32>
        %mul3A_358 = arith.mulf %mul3A_357, %get3A_132 : vector<16xf32>
        %add3A_359 = arith.addf %get3A_228, %mul3A_358 : vector<16xf32>
        %mul3A_360 = vector.broadcast %squeeze3A_312 : f32 to vector<16xf32>
        %mul3A_361 = arith.mulf %mul3A_360, %get3A_164 : vector<16xf32>
        %mul3A_362 = vector.broadcast %squeeze3A_314 : f32 to vector<16xf32>
        %mul3A_363 = arith.mulf %mul3A_362, %get3A_196 : vector<16xf32>
        %add3A_364 = arith.addf %mul3A_361, %mul3A_363 : vector<16xf32>
        %add3A_365 = arith.addf %add3A_359, %add3A_364 : vector<16xf32>
        %mul3A_366 = vector.broadcast %squeeze3A : f32 to vector<16xf32>
        %mul3A_367 = arith.mulf %mul3A_366, %get3A_136 : vector<16xf32>
        %add3A_368 = arith.addf %get3A_232, %mul3A_367 : vector<16xf32>
        %mul3A_369 = vector.broadcast %squeeze3A_312 : f32 to vector<16xf32>
        %mul3A_370 = arith.mulf %mul3A_369, %get3A_168 : vector<16xf32>
        %mul3A_371 = vector.broadcast %squeeze3A_314 : f32 to vector<16xf32>
        %mul3A_372 = arith.mulf %mul3A_371, %get3A_200 : vector<16xf32>
        %add3A_373 = arith.addf %mul3A_370, %mul3A_372 : vector<16xf32>
        %add3A_374 = arith.addf %add3A_368, %add3A_373 : vector<16xf32>
        %mul3A_375 = vector.broadcast %squeeze3A : f32 to vector<16xf32>
        %mul3A_376 = arith.mulf %mul3A_375, %get3A_140 : vector<16xf32>
        %add3A_377 = arith.addf %get3A_236, %mul3A_376 : vector<16xf32>
        %mul3A_378 = vector.broadcast %squeeze3A_312 : f32 to vector<16xf32>
        %mul3A_379 = arith.mulf %mul3A_378, %get3A_172 : vector<16xf32>
        %mul3A_380 = vector.broadcast %squeeze3A_314 : f32 to vector<16xf32>
        %mul3A_381 = arith.mulf %mul3A_380, %get3A_204 : vector<16xf32>
        %add3A_382 = arith.addf %mul3A_379, %mul3A_381 : vector<16xf32>
        %add3A_383 = arith.addf %add3A_377, %add3A_382 : vector<16xf32>
        %mul3A_384 = vector.broadcast %squeeze3A : f32 to vector<16xf32>
        %mul3A_385 = arith.mulf %mul3A_384, %get3A_144 : vector<16xf32>
        %add3A_386 = arith.addf %get3A_240, %mul3A_385 : vector<16xf32>
        %mul3A_387 = vector.broadcast %squeeze3A_312 : f32 to vector<16xf32>
        %mul3A_388 = arith.mulf %mul3A_387, %get3A_176 : vector<16xf32>
        %mul3A_389 = vector.broadcast %squeeze3A_314 : f32 to vector<16xf32>
        %mul3A_390 = arith.mulf %mul3A_389, %get3A_208 : vector<16xf32>
        %add3A_391 = arith.addf %mul3A_388, %mul3A_390 : vector<16xf32>
        %add3A_392 = arith.addf %add3A_386, %add3A_391 : vector<16xf32>
        %min3A = arith.minimumf %add3A_329, %add3A_338 : vector<16xf32>
        %min3A_393 = arith.minimumf %add3A_347, %add3A_356 : vector<16xf32>
        %min3A_394 = arith.minimumf %add3A_365, %add3A_374 : vector<16xf32>
        %min3A_395 = arith.minimumf %add3A_383, %add3A_392 : vector<16xf32>
        %min3A_396 = arith.minimumf %min3A, %min3A_393 : vector<16xf32>
        %min3A_397 = arith.minimumf %min3A_394, %min3A_395 : vector<16xf32>
        %min3A_398 = arith.minimumf %min3A_396, %min3A_397 : vector<16xf32>
        %min3A_399 = arith.minimumf %get3A_320, %min3A_398 : vector<16xf32>
        %add3A_400 = arith.constant 0 : i32
        %add3A_401 = arith.addi %mul3A_252, %add3A_400 : i32
        %mul3A_402 = arith.constant 16 : i32
        %mul3A_403 = arith.muli %add3A_401, %mul3A_402 : i32
        %swap3A_404 = arith.index_cast %mul3A_403 : i32 to index
        %swap3A_405 = tpu.vector_load %arg12[%swap3A_404] {strides = array<i32>} : memref<1024xf32, #tpu.memory_space<vmem>>, vector<16xf32>,
        tpu.vector_store %arg12[%swap3A_404], %min3A_399 {strides = array<i32>} : memref<1024xf32, #tpu.memory_space<vmem>>, vector<16xf32>,
        %slice3A_406 = vector.extract_strided_slice %mul3A_270 {offsets = [1], sizes = [1], strides = [1]} : vector<16xf32> to vector<1xf32>
        %squeeze3A_407 = vector.extract %slice3A_406[0] : f32 from vector<1xf32>
        %slice3A_408 = vector.extract_strided_slice %mul3A_290 {offsets = [1], sizes = [1], strides = [1]} : vector<16xf32> to vector<1xf32>
        %squeeze3A_409 = vector.extract %slice3A_408[0] : f32 from vector<1xf32>
        %slice3A_410 = vector.extract_strided_slice %mul3A_310 {offsets = [1], sizes = [1], strides = [1]} : vector<16xf32> to vector<1xf32>
        %squeeze3A_411 = vector.extract %slice3A_410[0] : f32 from vector<1xf32>
        %add3A_412 = arith.constant 1 : i32
        %add3A_413 = arith.addi %mul3A_252, %add3A_412 : i32
        %mul3A_414 = arith.constant 16 : i32
        %mul3A_415 = arith.muli %add3A_413, %mul3A_414 : i32
        %get3A_416 = arith.index_cast %mul3A_415 : i32 to index
        %get3A_417 = tpu.vector_load %arg12[%get3A_416] {strides = array<i32>} : memref<1024xf32, #tpu.memory_space<vmem>>, vector<16xf32>,
        %mul3A_418 = vector.broadcast %squeeze3A_407 : f32 to vector<16xf32>
        %mul3A_419 = arith.mulf %mul3A_418, %get3A_116 : vector<16xf32>
        %add3A_420 = arith.addf %get3A_212, %mul3A_419 : vector<16xf32>
        %mul3A_421 = vector.broadcast %squeeze3A_409 : f32 to vector<16xf32>
        %mul3A_422 = arith.mulf %mul3A_421, %get3A_148 : vector<16xf32>
        %mul3A_423 = vector.broadcast %squeeze3A_411 : f32 to vector<16xf32>
        %mul3A_424 = arith.mulf %mul3A_423, %get3A_180 : vector<16xf32>
        %add3A_425 = arith.addf %mul3A_422, %mul3A_424 : vector<16xf32>
        %add3A_426 = arith.addf %add3A_420, %add3A_425 : vector<16xf32>
        %mul3A_427 = vector.broadcast %squeeze3A_407 : f32 to vector<16xf32>
        %mul3A_428 = arith.mulf %mul3A_427, %get3A_120 : vector<16xf32>
        %add3A_429 = arith.addf %get3A_216, %mul3A_428 : vector<16xf32>
        %mul3A_430 = vector.broadcast %squeeze3A_409 : f32 to vector<16xf32>
        %mul3A_431 = arith.mulf %mul3A_430, %get3A_152 : vector<16xf32>
        %mul3A_432 = vector.broadcast %squeeze3A_411 : f32 to vector<16xf32>
        %mul3A_433 = arith.mulf %mul3A_432, %get3A_184 : vector<16xf32>
        %add3A_434 = arith.addf %mul3A_431, %mul3A_433 : vector<16xf32>
        %add3A_435 = arith.addf %add3A_429, %add3A_434 : vector<16xf32>
        %mul3A_436 = vector.broadcast %squeeze3A_407 : f32 to vector<16xf32>
        %mul3A_437 = arith.mulf %mul3A_436, %get3A_124 : vector<16xf32>
        %add3A_438 = arith.addf %get3A_220, %mul3A_437 : vector<16xf32>
        %mul3A_439 = vector.broadcast %squeeze3A_409 : f32 to vector<16xf32>
        %mul3A_440 = arith.mulf %mul3A_439, %get3A_156 : vector<16xf32>
        %mul3A_441 = vector.broadcast %squeeze3A_411 : f32 to vector<16xf32>
        %mul3A_442 = arith.mulf %mul3A_441, %get3A_188 : vector<16xf32>
        %add3A_443 = arith.addf %mul3A_440, %mul3A_442 : vector<16xf32>
        %add3A_444 = arith.addf %add3A_438, %add3A_443 : vector<16xf32>
        %mul3A_445 = vector.broadcast %squeeze3A_407 : f32 to vector<16xf32>
        %mul3A_446 = arith.mulf %mul3A_445, %get3A_128 : vector<16xf32>
        %add3A_447 = arith.addf %get3A_224, %mul3A_446 : vector<16xf32>
        %mul3A_448 = vector.broadcast %squeeze3A_409 : f32 to vector<16xf32>
        %mul3A_449 = arith.mulf %mul3A_448, %get3A_160 : vector<16xf32>
        %mul3A_450 = vector.broadcast %squeeze3A_411 : f32 to vector<16xf32>
        %mul3A_451 = arith.mulf %mul3A_450, %get3A_192 : vector<16xf32>
        %add3A_452 = arith.addf %mul3A_449, %mul3A_451 : vector<16xf32>
        %add3A_453 = arith.addf %add3A_447, %add3A_452 : vector<16xf32>
        %mul3A_454 = vector.broadcast %squeeze3A_407 : f32 to vector<16xf32>
        %mul3A_455 = arith.mulf %mul3A_454, %get3A_132 : vector<16xf32>
        %add3A_456 = arith.addf %get3A_228, %mul3A_455 : vector<16xf32>
        %mul3A_457 = vector.broadcast %squeeze3A_409 : f32 to vector<16xf32>
        %mul3A_458 = arith.mulf %mul3A_457, %get3A_164 : vector<16xf32>
        %mul3A_459 = vector.broadcast %squeeze3A_411 : f32 to vector<16xf32>
        %mul3A_460 = arith.mulf %mul3A_459, %get3A_196 : vector<16xf32>
        %add3A_461 = arith.addf %mul3A_458, %mul3A_460 : vector<16xf32>
        %add3A_462 = arith.addf %add3A_456, %add3A_461 : vector<16xf32>
        %mul3A_463 = vector.broadcast %squeeze3A_407 : f32 to vector<16xf32>
        %mul3A_464 = arith.mulf %mul3A_463, %get3A_136 : vector<16xf32>
        %add3A_465 = arith.addf %get3A_232, %mul3A_464 : vector<16xf32>
        %mul3A_466 = vector.broadcast %squeeze3A_409 : f32 to vector<16xf32>
        %mul3A_467 = arith.mulf %mul3A_466, %get3A_168 : vector<16xf32>
        %mul3A_468 = vector.broadcast %squeeze3A_411 : f32 to vector<16xf32>
        %mul3A_469 = arith.mulf %mul3A_468, %get3A_200 : vector<16xf32>
        %add3A_470 = arith.addf %mul3A_467, %mul3A_469 : vector<16xf32>
        %add3A_471 = arith.addf %add3A_465, %add3A_470 : vector<16xf32>
        %mul3A_472 = vector.broadcast %squeeze3A_407 : f32 to vector<16xf32>
        %mul3A_473 = arith.mulf %mul3A_472, %get3A_140 : vector<16xf32>
        %add3A_474 = arith.addf %get3A_236, %mul3A_473 : vector<16xf32>
        %mul3A_475 = vector.broadcast %squeeze3A_409 : f32 to vector<16xf32>
        %mul3A_476 = arith.mulf %mul3A_475, %get3A_172 : vector<16xf32>
        %mul3A_477 = vector.broadcast %squeeze3A_411 : f32 to vector<16xf32>
        %mul3A_478 = arith.mulf %mul3A_477, %get3A_204 : vector<16xf32>
        %add3A_479 = arith.addf %mul3A_476, %mul3A_478 : vector<16xf32>
        %add3A_480 = arith.addf %add3A_474, %add3A_479 : vector<16xf32>
        %mul3A_481 = vector.broadcast %squeeze3A_407 : f32 to vector<16xf32>
        %mul3A_482 = arith.mulf %mul3A_481, %get3A_144 : vector<16xf32>
        %add3A_483 = arith.addf %get3A_240, %mul3A_482 : vector<16xf32>
        %mul3A_484 = vector.broadcast %squeeze3A_409 : f32 to vector<16xf32>
        %mul3A_485 = arith.mulf %mul3A_484, %get3A_176 : vector<16xf32>
        %mul3A_486 = vector.broadcast %squeeze3A_411 : f32 to vector<16xf32>
        %mul3A_487 = arith.mulf %mul3A_486, %get3A_208 : vector<16xf32>
        %add3A_488 = arith.addf %mul3A_485, %mul3A_487 : vector<16xf32>
        %add3A_489 = arith.addf %add3A_483, %add3A_488 : vector<16xf32>
        %min3A_490 = arith.minimumf %add3A_426, %add3A_435 : vector<16xf32>
        %min3A_491 = arith.minimumf %add3A_444, %add3A_453 : vector<16xf32>
        %min3A_492 = arith.minimumf %add3A_462, %add3A_471 : vector<16xf32>
        %min3A_493 = arith.minimumf %add3A_480, %add3A_489 : vector<16xf32>
        %min3A_494 = arith.minimumf %min3A_490, %min3A_491 : vector<16xf32>
        %min3A_495 = arith.minimumf %min3A_492, %min3A_493 : vector<16xf32>
        %min3A_496 = arith.minimumf %min3A_494, %min3A_495 : vector<16xf32>
        %min3A_497 = arith.minimumf %get3A_417, %min3A_496 : vector<16xf32>
        %add3A_498 = arith.constant 1 : i32
        %add3A_499 = arith.addi %mul3A_252, %add3A_498 : i32
        %mul3A_500 = arith.constant 16 : i32
        %mul3A_501 = arith.muli %add3A_499, %mul3A_500 : i32
        %swap3A_502 = arith.index_cast %mul3A_501 : i32 to index
        %swap3A_503 = tpu.vector_load %arg12[%swap3A_502] {strides = array<i32>} : memref<1024xf32, #tpu.memory_space<vmem>>, vector<16xf32>,
        tpu.vector_store %arg12[%swap3A_502], %min3A_497 {strides = array<i32>} : memref<1024xf32, #tpu.memory_space<vmem>>, vector<16xf32>,
        %slice3A_504 = vector.extract_strided_slice %mul3A_270 {offsets = [2], sizes = [1], strides = [1]} : vector<16xf32> to vector<1xf32>
        %squeeze3A_505 = vector.extract %slice3A_504[0] : f32 from vector<1xf32>
        %slice3A_506 = vector.extract_strided_slice %mul3A_290 {offsets = [2], sizes = [1], strides = [1]} : vector<16xf32> to vector<1xf32>
        %squeeze3A_507 = vector.extract %slice3A_506[0] : f32 from vector<1xf32>
        %slice3A_508 = vector.extract_strided_slice %mul3A_310 {offsets = [2], sizes = [1], strides = [1]} : vector<16xf32> to vector<1xf32>
        %squeeze3A_509 = vector.extract %slice3A_508[0] : f32 from vector<1xf32>
        %add3A_510 = arith.constant 2 : i32
        %add3A_511 = arith.addi %mul3A_252, %add3A_510 : i32
        %mul3A_512 = arith.constant 16 : i32
        %mul3A_513 = arith.muli %add3A_511, %mul3A_512 : i32
        %get3A_514 = arith.index_cast %mul3A_513 : i32 to index
        %get3A_515 = tpu.vector_load %arg12[%get3A_514] {strides = array<i32>} : memref<1024xf32, #tpu.memory_space<vmem>>, vector<16xf32>,
        %mul3A_516 = vector.broadcast %squeeze3A_505 : f32 to vector<16xf32>
        %mul3A_517 = arith.mulf %mul3A_516, %get3A_116 : vector<16xf32>
        %add3A_518 = arith.addf %get3A_212, %mul3A_517 : vector<16xf32>
        %mul3A_519 = vector.broadcast %squeeze3A_507 : f32 to vector<16xf32>
        %mul3A_520 = arith.mulf %mul3A_519, %get3A_148 : vector<16xf32>
        %mul3A_521 = vector.broadcast %squeeze3A_509 : f32 to vector<16xf32>
        %mul3A_522 = arith.mulf %mul3A_521, %get3A_180 : vector<16xf32>
        %add3A_523 = arith.addf %mul3A_520, %mul3A_522 : vector<16xf32>
        %add3A_524 = arith.addf %add3A_518, %add3A_523 : vector<16xf32>
        %mul3A_525 = vector.broadcast %squeeze3A_505 : f32 to vector<16xf32>
        %mul3A_526 = arith.mulf %mul3A_525, %get3A_120 : vector<16xf32>
        %add3A_527 = arith.addf %get3A_216, %mul3A_526 : vector<16xf32>
        %mul3A_528 = vector.broadcast %squeeze3A_507 : f32 to vector<16xf32>
        %mul3A_529 = arith.mulf %mul3A_528, %get3A_152 : vector<16xf32>
        %mul3A_530 = vector.broadcast %squeeze3A_509 : f32 to vector<16xf32>
        %mul3A_531 = arith.mulf %mul3A_530, %get3A_184 : vector<16xf32>
        %add3A_532 = arith.addf %mul3A_529, %mul3A_531 : vector<16xf32>
        %add3A_533 = arith.addf %add3A_527, %add3A_532 : vector<16xf32>
        %mul3A_534 = vector.broadcast %squeeze3A_505 : f32 to vector<16xf32>
        %mul3A_535 = arith.mulf %mul3A_534, %get3A_124 : vector<16xf32>
        %add3A_536 = arith.addf %get3A_220, %mul3A_535 : vector<16xf32>
        %mul3A_537 = vector.broadcast %squeeze3A_507 : f32 to vector<16xf32>
        %mul3A_538 = arith.mulf %mul3A_537, %get3A_156 : vector<16xf32>
        %mul3A_539 = vector.broadcast %squeeze3A_509 : f32 to vector<16xf32>
        %mul3A_540 = arith.mulf %mul3A_539, %get3A_188 : vector<16xf32>
        %add3A_541 = arith.addf %mul3A_538, %mul3A_540 : vector<16xf32>
        %add3A_542 = arith.addf %add3A_536, %add3A_541 : vector<16xf32>
        %mul3A_543 = vector.broadcast %squeeze3A_505 : f32 to vector<16xf32>
        %mul3A_544 = arith.mulf %mul3A_543, %get3A_128 : vector<16xf32>
        %add3A_545 = arith.addf %get3A_224, %mul3A_544 : vector<16xf32>
        %mul3A_546 = vector.broadcast %squeeze3A_507 : f32 to vector<16xf32>
        %mul3A_547 = arith.mulf %mul3A_546, %get3A_160 : vector<16xf32>
        %mul3A_548 = vector.broadcast %squeeze3A_509 : f32 to vector<16xf32>
        %mul3A_549 = arith.mulf %mul3A_548, %get3A_192 : vector<16xf32>
        %add3A_550 = arith.addf %mul3A_547, %mul3A_549 : vector<16xf32>
        %add3A_551 = arith.addf %add3A_545, %add3A_550 : vector<16xf32>
        %mul3A_552 = vector.broadcast %squeeze3A_505 : f32 to vector<16xf32>
        %mul3A_553 = arith.mulf %mul3A_552, %get3A_132 : vector<16xf32>
        %add3A_554 = arith.addf %get3A_228, %mul3A_553 : vector<16xf32>
        %mul3A_555 = vector.broadcast %squeeze3A_507 : f32 to vector<16xf32>
        %mul3A_556 = arith.mulf %mul3A_555, %get3A_164 : vector<16xf32>
        %mul3A_557 = vector.broadcast %squeeze3A_509 : f32 to vector<16xf32>
        %mul3A_558 = arith.mulf %mul3A_557, %get3A_196 : vector<16xf32>
        %add3A_559 = arith.addf %mul3A_556, %mul3A_558 : vector<16xf32>
        %add3A_560 = arith.addf %add3A_554, %add3A_559 : vector<16xf32>
        %mul3A_561 = vector.broadcast %squeeze3A_505 : f32 to vector<16xf32>
        %mul3A_562 = arith.mulf %mul3A_561, %get3A_136 : vector<16xf32>
        %add3A_563 = arith.addf %get3A_232, %mul3A_562 : vector<16xf32>
        %mul3A_564 = vector.broadcast %squeeze3A_507 : f32 to vector<16xf32>
        %mul3A_565 = arith.mulf %mul3A_564, %get3A_168 : vector<16xf32>
        %mul3A_566 = vector.broadcast %squeeze3A_509 : f32 to vector<16xf32>
        %mul3A_567 = arith.mulf %mul3A_566, %get3A_200 : vector<16xf32>
        %add3A_568 = arith.addf %mul3A_565, %mul3A_567 : vector<16xf32>
        %add3A_569 = arith.addf %add3A_563, %add3A_568 : vector<16xf32>
        %mul3A_570 = vector.broadcast %squeeze3A_505 : f32 to vector<16xf32>
        %mul3A_571 = arith.mulf %mul3A_570, %get3A_140 : vector<16xf32>
        %add3A_572 = arith.addf %get3A_236, %mul3A_571 : vector<16xf32>
        %mul3A_573 = vector.broadcast %squeeze3A_507 : f32 to vector<16xf32>
        %mul3A_574 = arith.mulf %mul3A_573, %get3A_172 : vector<16xf32>
        %mul3A_575 = vector.broadcast %squeeze3A_509 : f32 to vector<16xf32>
        %mul3A_576 = arith.mulf %mul3A_575, %get3A_204 : vector<16xf32>
        %add3A_577 = arith.addf %mul3A_574, %mul3A_576 : vector<16xf32>
        %add3A_578 = arith.addf %add3A_572, %add3A_577 : vector<16xf32>
        %mul3A_579 = vector.broadcast %squeeze3A_505 : f32 to vector<16xf32>
        %mul3A_580 = arith.mulf %mul3A_579, %get3A_144 : vector<16xf32>
        %add3A_581 = arith.addf %get3A_240, %mul3A_580 : vector<16xf32>
        %mul3A_582 = vector.broadcast %squeeze3A_507 : f32 to vector<16xf32>
        %mul3A_583 = arith.mulf %mul3A_582, %get3A_176 : vector<16xf32>
        %mul3A_584 = vector.broadcast %squeeze3A_509 : f32 to vector<16xf32>
        %mul3A_585 = arith.mulf %mul3A_584, %get3A_208 : vector<16xf32>
        %add3A_586 = arith.addf %mul3A_583, %mul3A_585 : vector<16xf32>
        %add3A_587 = arith.addf %add3A_581, %add3A_586 : vector<16xf32>
        %min3A_588 = arith.minimumf %add3A_524, %add3A_533 : vector<16xf32>
        %min3A_589 = arith.minimumf %add3A_542, %add3A_551 : vector<16xf32>
        %min3A_590 = arith.minimumf %add3A_560, %add3A_569 : vector<16xf32>
        %min3A_591 = arith.minimumf %add3A_578, %add3A_587 : vector<16xf32>
        %min3A_592 = arith.minimumf %min3A_588, %min3A_589 : vector<16xf32>
        %min3A_593 = arith.minimumf %min3A_590, %min3A_591 : vector<16xf32>
        %min3A_594 = arith.minimumf %min3A_592, %min3A_593 : vector<16xf32>
        %min3A_595 = arith.minimumf %get3A_515, %min3A_594 : vector<16xf32>
        %add3A_596 = arith.constant 2 : i32
        %add3A_597 = arith.addi %mul3A_252, %add3A_596 : i32
        %mul3A_598 = arith.constant 16 : i32
        %mul3A_599 = arith.muli %add3A_597, %mul3A_598 : i32
        %swap3A_600 = arith.index_cast %mul3A_599 : i32 to index
        %swap3A_601 = tpu.vector_load %arg12[%swap3A_600] {strides = array<i32>} : memref<1024xf32, #tpu.memory_space<vmem>>, vector<16xf32>,
        tpu.vector_store %arg12[%swap3A_600], %min3A_595 {strides = array<i32>} : memref<1024xf32, #tpu.memory_space<vmem>>, vector<16xf32>,
        %slice3A_602 = vector.extract_strided_slice %mul3A_270 {offsets = [3], sizes = [1], strides = [1]} : vector<16xf32> to vector<1xf32>
        %squeeze3A_603 = vector.extract %slice3A_602[0] : f32 from vector<1xf32>
        %slice3A_604 = vector.extract_strided_slice %mul3A_290 {offsets = [3], sizes = [1], strides = [1]} : vector<16xf32> to vector<1xf32>
        %squeeze3A_605 = vector.extract %slice3A_604[0] : f32 from vector<1xf32>
        %slice3A_606 = vector.extract_strided_slice %mul3A_310 {offsets = [3], sizes = [1], strides = [1]} : vector<16xf32> to vector<1xf32>
        %squeeze3A_607 = vector.extract %slice3A_606[0] : f32 from vector<1xf32>
        %add3A_608 = arith.constant 3 : i32
        %add3A_609 = arith.addi %mul3A_252, %add3A_608 : i32
        %mul3A_610 = arith.constant 16 : i32
        %mul3A_611 = arith.muli %add3A_609, %mul3A_610 : i32
        %get3A_612 = arith.index_cast %mul3A_611 : i32 to index
        %get3A_613 = tpu.vector_load %arg12[%get3A_612] {strides = array<i32>} : memref<1024xf32, #tpu.memory_space<vmem>>, vector<16xf32>,
        %mul3A_614 = vector.broadcast %squeeze3A_603 : f32 to vector<16xf32>
        %mul3A_615 = arith.mulf %mul3A_614, %get3A_116 : vector<16xf32>
        %add3A_616 = arith.addf %get3A_212, %mul3A_615 : vector<16xf32>
        %mul3A_617 = vector.broadcast %squeeze3A_605 : f32 to vector<16xf32>
        %mul3A_618 = arith.mulf %mul3A_617, %get3A_148 : vector<16xf32>
        %mul3A_619 = vector.broadcast %squeeze3A_607 : f32 to vector<16xf32>
        %mul3A_620 = arith.mulf %mul3A_619, %get3A_180 : vector<16xf32>
        %add3A_621 = arith.addf %mul3A_618, %mul3A_620 : vector<16xf32>
        %add3A_622 = arith.addf %add3A_616, %add3A_621 : vector<16xf32>
        %mul3A_623 = vector.broadcast %squeeze3A_603 : f32 to vector<16xf32>
        %mul3A_624 = arith.mulf %mul3A_623, %get3A_120 : vector<16xf32>
        %add3A_625 = arith.addf %get3A_216, %mul3A_624 : vector<16xf32>
        %mul3A_626 = vector.broadcast %squeeze3A_605 : f32 to vector<16xf32>
        %mul3A_627 = arith.mulf %mul3A_626, %get3A_152 : vector<16xf32>
        %mul3A_628 = vector.broadcast %squeeze3A_607 : f32 to vector<16xf32>
        %mul3A_629 = arith.mulf %mul3A_628, %get3A_184 : vector<16xf32>
        %add3A_630 = arith.addf %mul3A_627, %mul3A_629 : vector<16xf32>
        %add3A_631 = arith.addf %add3A_625, %add3A_630 : vector<16xf32>
        %mul3A_632 = vector.broadcast %squeeze3A_603 : f32 to vector<16xf32>
        %mul3A_633 = arith.mulf %mul3A_632, %get3A_124 : vector<16xf32>
        %add3A_634 = arith.addf %get3A_220, %mul3A_633 : vector<16xf32>
        %mul3A_635 = vector.broadcast %squeeze3A_605 : f32 to vector<16xf32>
        %mul3A_636 = arith.mulf %mul3A_635, %get3A_156 : vector<16xf32>
        %mul3A_637 = vector.broadcast %squeeze3A_607 : f32 to vector<16xf32>
        %mul3A_638 = arith.mulf %mul3A_637, %get3A_188 : vector<16xf32>
        %add3A_639 = arith.addf %mul3A_636, %mul3A_638 : vector<16xf32>
        %add3A_640 = arith.addf %add3A_634, %add3A_639 : vector<16xf32>
        %mul3A_641 = vector.broadcast %squeeze3A_603 : f32 to vector<16xf32>
        %mul3A_642 = arith.mulf %mul3A_641, %get3A_128 : vector<16xf32>
        %add3A_643 = arith.addf %get3A_224, %mul3A_642 : vector<16xf32>
        %mul3A_644 = vector.broadcast %squeeze3A_605 : f32 to vector<16xf32>
        %mul3A_645 = arith.mulf %mul3A_644, %get3A_160 : vector<16xf32>
        %mul3A_646 = vector.broadcast %squeeze3A_607 : f32 to vector<16xf32>
        %mul3A_647 = arith.mulf %mul3A_646, %get3A_192 : vector<16xf32>
        %add3A_648 = arith.addf %mul3A_645, %mul3A_647 : vector<16xf32>
        %add3A_649 = arith.addf %add3A_643, %add3A_648 : vector<16xf32>
        %mul3A_650 = vector.broadcast %squeeze3A_603 : f32 to vector<16xf32>
        %mul3A_651 = arith.mulf %mul3A_650, %get3A_132 : vector<16xf32>
        %add3A_652 = arith.addf %get3A_228, %mul3A_651 : vector<16xf32>
        %mul3A_653 = vector.broadcast %squeeze3A_605 : f32 to vector<16xf32>
        %mul3A_654 = arith.mulf %mul3A_653, %get3A_164 : vector<16xf32>
        %mul3A_655 = vector.broadcast %squeeze3A_607 : f32 to vector<16xf32>
        %mul3A_656 = arith.mulf %mul3A_655, %get3A_196 : vector<16xf32>
        %add3A_657 = arith.addf %mul3A_654, %mul3A_656 : vector<16xf32>
        %add3A_658 = arith.addf %add3A_652, %add3A_657 : vector<16xf32>
        %mul3A_659 = vector.broadcast %squeeze3A_603 : f32 to vector<16xf32>
        %mul3A_660 = arith.mulf %mul3A_659, %get3A_136 : vector<16xf32>
        %add3A_661 = arith.addf %get3A_232, %mul3A_660 : vector<16xf32>
        %mul3A_662 = vector.broadcast %squeeze3A_605 : f32 to vector<16xf32>
        %mul3A_663 = arith.mulf %mul3A_662, %get3A_168 : vector<16xf32>
        %mul3A_664 = vector.broadcast %squeeze3A_607 : f32 to vector<16xf32>
        %mul3A_665 = arith.mulf %mul3A_664, %get3A_200 : vector<16xf32>
        %add3A_666 = arith.addf %mul3A_663, %mul3A_665 : vector<16xf32>
        %add3A_667 = arith.addf %add3A_661, %add3A_666 : vector<16xf32>
        %mul3A_668 = vector.broadcast %squeeze3A_603 : f32 to vector<16xf32>
        %mul3A_669 = arith.mulf %mul3A_668, %get3A_140 : vector<16xf32>
        %add3A_670 = arith.addf %get3A_236, %mul3A_669 : vector<16xf32>
        %mul3A_671 = vector.broadcast %squeeze3A_605 : f32 to vector<16xf32>
        %mul3A_672 = arith.mulf %mul3A_671, %get3A_172 : vector<16xf32>
        %mul3A_673 = vector.broadcast %squeeze3A_607 : f32 to vector<16xf32>
        %mul3A_674 = arith.mulf %mul3A_673, %get3A_204 : vector<16xf32>
        %add3A_675 = arith.addf %mul3A_672, %mul3A_674 : vector<16xf32>
        %add3A_676 = arith.addf %add3A_670, %add3A_675 : vector<16xf32>
        %mul3A_677 = vector.broadcast %squeeze3A_603 : f32 to vector<16xf32>
        %mul3A_678 = arith.mulf %mul3A_677, %get3A_144 : vector<16xf32>
        %add3A_679 = arith.addf %get3A_240, %mul3A_678 : vector<16xf32>
        %mul3A_680 = vector.broadcast %squeeze3A_605 : f32 to vector<16xf32>
        %mul3A_681 = arith.mulf %mul3A_680, %get3A_176 : vector<16xf32>
        %mul3A_682 = vector.broadcast %squeeze3A_607 : f32 to vector<16xf32>
        %mul3A_683 = arith.mulf %mul3A_682, %get3A_208 : vector<16xf32>
        %add3A_684 = arith.addf %mul3A_681, %mul3A_683 : vector<16xf32>
        %add3A_685 = arith.addf %add3A_679, %add3A_684 : vector<16xf32>
        %min3A_686 = arith.minimumf %add3A_622, %add3A_631 : vector<16xf32>
        %min3A_687 = arith.minimumf %add3A_640, %add3A_649 : vector<16xf32>
        %min3A_688 = arith.minimumf %add3A_658, %add3A_667 : vector<16xf32>
        %min3A_689 = arith.minimumf %add3A_676, %add3A_685 : vector<16xf32>
        %min3A_690 = arith.minimumf %min3A_686, %min3A_687 : vector<16xf32>
        %min3A_691 = arith.minimumf %min3A_688, %min3A_689 : vector<16xf32>
        %min3A_692 = arith.minimumf %min3A_690, %min3A_691 : vector<16xf32>
        %min3A_693 = arith.minimumf %get3A_613, %min3A_692 : vector<16xf32>
        %add3A_694 = arith.constant 3 : i32
        %add3A_695 = arith.addi %mul3A_252, %add3A_694 : i32
        %mul3A_696 = arith.constant 16 : i32
        %mul3A_697 = arith.muli %add3A_695, %mul3A_696 : i32
        %swap3A_698 = arith.index_cast %mul3A_697 : i32 to index
        %swap3A_699 = tpu.vector_load %arg12[%swap3A_698] {strides = array<i32>} : memref<1024xf32, #tpu.memory_space<vmem>>, vector<16xf32>,
        tpu.vector_store %arg12[%swap3A_698], %min3A_693 {strides = array<i32>} : memref<1024xf32, #tpu.memory_space<vmem>>, vector<16xf32>,
        %slice3A_700 = vector.extract_strided_slice %mul3A_270 {offsets = [4], sizes = [1], strides = [1]} : vector<16xf32> to vector<1xf32>
        %squeeze3A_701 = vector.extract %slice3A_700[0] : f32 from vector<1xf32>
        %slice3A_702 = vector.extract_strided_slice %mul3A_290 {offsets = [4], sizes = [1], strides = [1]} : vector<16xf32> to vector<1xf32>
        %squeeze3A_703 = vector.extract %slice3A_702[0] : f32 from vector<1xf32>
        %slice3A_704 = vector.extract_strided_slice %mul3A_310 {offsets = [4], sizes = [1], strides = [1]} : vector<16xf32> to vector<1xf32>
        %squeeze3A_705 = vector.extract %slice3A_704[0] : f32 from vector<1xf32>
        %add3A_706 = arith.constant 4 : i32
        %add3A_707 = arith.addi %mul3A_252, %add3A_706 : i32
        %mul3A_708 = arith.constant 16 : i32
        %mul3A_709 = arith.muli %add3A_707, %mul3A_708 : i32
        %get3A_710 = arith.index_cast %mul3A_709 : i32 to index
        %get3A_711 = tpu.vector_load %arg12[%get3A_710] {strides = array<i32>} : memref<1024xf32, #tpu.memory_space<vmem>>, vector<16xf32>,
        %mul3A_712 = vector.broadcast %squeeze3A_701 : f32 to vector<16xf32>
        %mul3A_713 = arith.mulf %mul3A_712, %get3A_116 : vector<16xf32>
        %add3A_714 = arith.addf %get3A_212, %mul3A_713 : vector<16xf32>
        %mul3A_715 = vector.broadcast %squeeze3A_703 : f32 to vector<16xf32>
        %mul3A_716 = arith.mulf %mul3A_715, %get3A_148 : vector<16xf32>
        %mul3A_717 = vector.broadcast %squeeze3A_705 : f32 to vector<16xf32>
        %mul3A_718 = arith.mulf %mul3A_717, %get3A_180 : vector<16xf32>
        %add3A_719 = arith.addf %mul3A_716, %mul3A_718 : vector<16xf32>
        %add3A_720 = arith.addf %add3A_714, %add3A_719 : vector<16xf32>
        %mul3A_721 = vector.broadcast %squeeze3A_701 : f32 to vector<16xf32>
        %mul3A_722 = arith.mulf %mul3A_721, %get3A_120 : vector<16xf32>
        %add3A_723 = arith.addf %get3A_216, %mul3A_722 : vector<16xf32>
        %mul3A_724 = vector.broadcast %squeeze3A_703 : f32 to vector<16xf32>
        %mul3A_725 = arith.mulf %mul3A_724, %get3A_152 : vector<16xf32>
        %mul3A_726 = vector.broadcast %squeeze3A_705 : f32 to vector<16xf32>
        %mul3A_727 = arith.mulf %mul3A_726, %get3A_184 : vector<16xf32>
        %add3A_728 = arith.addf %mul3A_725, %mul3A_727 : vector<16xf32>
        %add3A_729 = arith.addf %add3A_723, %add3A_728 : vector<16xf32>
        %mul3A_730 = vector.broadcast %squeeze3A_701 : f32 to vector<16xf32>
        %mul3A_731 = arith.mulf %mul3A_730, %get3A_124 : vector<16xf32>
        %add3A_732 = arith.addf %get3A_220, %mul3A_731 : vector<16xf32>
        %mul3A_733 = vector.broadcast %squeeze3A_703 : f32 to vector<16xf32>
        %mul3A_734 = arith.mulf %mul3A_733, %get3A_156 : vector<16xf32>
        %mul3A_735 = vector.broadcast %squeeze3A_705 : f32 to vector<16xf32>
        %mul3A_736 = arith.mulf %mul3A_735, %get3A_188 : vector<16xf32>
        %add3A_737 = arith.addf %mul3A_734, %mul3A_736 : vector<16xf32>
        %add3A_738 = arith.addf %add3A_732, %add3A_737 : vector<16xf32>
        %mul3A_739 = vector.broadcast %squeeze3A_701 : f32 to vector<16xf32>
        %mul3A_740 = arith.mulf %mul3A_739, %get3A_128 : vector<16xf32>
        %add3A_741 = arith.addf %get3A_224, %mul3A_740 : vector<16xf32>
        %mul3A_742 = vector.broadcast %squeeze3A_703 : f32 to vector<16xf32>
        %mul3A_743 = arith.mulf %mul3A_742, %get3A_160 : vector<16xf32>
        %mul3A_744 = vector.broadcast %squeeze3A_705 : f32 to vector<16xf32>
        %mul3A_745 = arith.mulf %mul3A_744, %get3A_192 : vector<16xf32>
        %add3A_746 = arith.addf %mul3A_743, %mul3A_745 : vector<16xf32>
        %add3A_747 = arith.addf %add3A_741, %add3A_746 : vector<16xf32>
        %mul3A_748 = vector.broadcast %squeeze3A_701 : f32 to vector<16xf32>
        %mul3A_749 = arith.mulf %mul3A_748, %get3A_132 : vector<16xf32>
        %add3A_750 = arith.addf %get3A_228, %mul3A_749 : vector<16xf32>
        %mul3A_751 = vector.broadcast %squeeze3A_703 : f32 to vector<16xf32>
        %mul3A_752 = arith.mulf %mul3A_751, %get3A_164 : vector<16xf32>
        %mul3A_753 = vector.broadcast %squeeze3A_705 : f32 to vector<16xf32>
        %mul3A_754 = arith.mulf %mul3A_753, %get3A_196 : vector<16xf32>
        %add3A_755 = arith.addf %mul3A_752, %mul3A_754 : vector<16xf32>
        %add3A_756 = arith.addf %add3A_750, %add3A_755 : vector<16xf32>
        %mul3A_757 = vector.broadcast %squeeze3A_701 : f32 to vector<16xf32>
        %mul3A_758 = arith.mulf %mul3A_757, %get3A_136 : vector<16xf32>
        %add3A_759 = arith.addf %get3A_232, %mul3A_758 : vector<16xf32>
        %mul3A_760 = vector.broadcast %squeeze3A_703 : f32 to vector<16xf32>
        %mul3A_761 = arith.mulf %mul3A_760, %get3A_168 : vector<16xf32>
        %mul3A_762 = vector.broadcast %squeeze3A_705 : f32 to vector<16xf32>
        %mul3A_763 = arith.mulf %mul3A_762, %get3A_200 : vector<16xf32>
        %add3A_764 = arith.addf %mul3A_761, %mul3A_763 : vector<16xf32>
        %add3A_765 = arith.addf %add3A_759, %add3A_764 : vector<16xf32>
        %mul3A_766 = vector.broadcast %squeeze3A_701 : f32 to vector<16xf32>
        %mul3A_767 = arith.mulf %mul3A_766, %get3A_140 : vector<16xf32>
        %add3A_768 = arith.addf %get3A_236, %mul3A_767 : vector<16xf32>
        %mul3A_769 = vector.broadcast %squeeze3A_703 : f32 to vector<16xf32>
        %mul3A_770 = arith.mulf %mul3A_769, %get3A_172 : vector<16xf32>
        %mul3A_771 = vector.broadcast %squeeze3A_705 : f32 to vector<16xf32>
        %mul3A_772 = arith.mulf %mul3A_771, %get3A_204 : vector<16xf32>
        %add3A_773 = arith.addf %mul3A_770, %mul3A_772 : vector<16xf32>
        %add3A_774 = arith.addf %add3A_768, %add3A_773 : vector<16xf32>
        %mul3A_775 = vector.broadcast %squeeze3A_701 : f32 to vector<16xf32>
        %mul3A_776 = arith.mulf %mul3A_775, %get3A_144 : vector<16xf32>
        %add3A_777 = arith.addf %get3A_240, %mul3A_776 : vector<16xf32>
        %mul3A_778 = vector.broadcast %squeeze3A_703 : f32 to vector<16xf32>
        %mul3A_779 = arith.mulf %mul3A_778, %get3A_176 : vector<16xf32>
        %mul3A_780 = vector.broadcast %squeeze3A_705 : f32 to vector<16xf32>
        %mul3A_781 = arith.mulf %mul3A_780, %get3A_208 : vector<16xf32>
        %add3A_782 = arith.addf %mul3A_779, %mul3A_781 : vector<16xf32>
        %add3A_783 = arith.addf %add3A_777, %add3A_782 : vector<16xf32>
        %min3A_784 = arith.minimumf %add3A_720, %add3A_729 : vector<16xf32>
        %min3A_785 = arith.minimumf %add3A_738, %add3A_747 : vector<16xf32>
        %min3A_786 = arith.minimumf %add3A_756, %add3A_765 : vector<16xf32>
        %min3A_787 = arith.minimumf %add3A_774, %add3A_783 : vector<16xf32>
        %min3A_788 = arith.minimumf %min3A_784, %min3A_785 : vector<16xf32>
        %min3A_789 = arith.minimumf %min3A_786, %min3A_787 : vector<16xf32>
        %min3A_790 = arith.minimumf %min3A_788, %min3A_789 : vector<16xf32>
        %min3A_791 = arith.minimumf %get3A_711, %min3A_790 : vector<16xf32>
        %add3A_792 = arith.constant 4 : i32
        %add3A_793 = arith.addi %mul3A_252, %add3A_792 : i32
        %mul3A_794 = arith.constant 16 : i32
        %mul3A_795 = arith.muli %add3A_793, %mul3A_794 : i32
        %swap3A_796 = arith.index_cast %mul3A_795 : i32 to index
        %swap3A_797 = tpu.vector_load %arg12[%swap3A_796] {strides = array<i32>} : memref<1024xf32, #tpu.memory_space<vmem>>, vector<16xf32>,
        tpu.vector_store %arg12[%swap3A_796], %min3A_791 {strides = array<i32>} : memref<1024xf32, #tpu.memory_space<vmem>>, vector<16xf32>,
        %slice3A_798 = vector.extract_strided_slice %mul3A_270 {offsets = [5], sizes = [1], strides = [1]} : vector<16xf32> to vector<1xf32>
        %squeeze3A_799 = vector.extract %slice3A_798[0] : f32 from vector<1xf32>
        %slice3A_800 = vector.extract_strided_slice %mul3A_290 {offsets = [5], sizes = [1], strides = [1]} : vector<16xf32> to vector<1xf32>
        %squeeze3A_801 = vector.extract %slice3A_800[0] : f32 from vector<1xf32>
        %slice3A_802 = vector.extract_strided_slice %mul3A_310 {offsets = [5], sizes = [1], strides = [1]} : vector<16xf32> to vector<1xf32>
        %squeeze3A_803 = vector.extract %slice3A_802[0] : f32 from vector<1xf32>
        %add3A_804 = arith.constant 5 : i32
        %add3A_805 = arith.addi %mul3A_252, %add3A_804 : i32
        %mul3A_806 = arith.constant 16 : i32
        %mul3A_807 = arith.muli %add3A_805, %mul3A_806 : i32
        %get3A_808 = arith.index_cast %mul3A_807 : i32 to index
        %get3A_809 = tpu.vector_load %arg12[%get3A_808] {strides = array<i32>} : memref<1024xf32, #tpu.memory_space<vmem>>, vector<16xf32>,
        %mul3A_810 = vector.broadcast %squeeze3A_799 : f32 to vector<16xf32>
        %mul3A_811 = arith.mulf %mul3A_810, %get3A_116 : vector<16xf32>
        %add3A_812 = arith.addf %get3A_212, %mul3A_811 : vector<16xf32>
        %mul3A_813 = vector.broadcast %squeeze3A_801 : f32 to vector<16xf32>
        %mul3A_814 = arith.mulf %mul3A_813, %get3A_148 : vector<16xf32>
        %mul3A_815 = vector.broadcast %squeeze3A_803 : f32 to vector<16xf32>
        %mul3A_816 = arith.mulf %mul3A_815, %get3A_180 : vector<16xf32>
        %add3A_817 = arith.addf %mul3A_814, %mul3A_816 : vector<16xf32>
        %add3A_818 = arith.addf %add3A_812, %add3A_817 : vector<16xf32>
        %mul3A_819 = vector.broadcast %squeeze3A_799 : f32 to vector<16xf32>
        %mul3A_820 = arith.mulf %mul3A_819, %get3A_120 : vector<16xf32>
        %add3A_821 = arith.addf %get3A_216, %mul3A_820 : vector<16xf32>
        %mul3A_822 = vector.broadcast %squeeze3A_801 : f32 to vector<16xf32>
        %mul3A_823 = arith.mulf %mul3A_822, %get3A_152 : vector<16xf32>
        %mul3A_824 = vector.broadcast %squeeze3A_803 : f32 to vector<16xf32>
        %mul3A_825 = arith.mulf %mul3A_824, %get3A_184 : vector<16xf32>
        %add3A_826 = arith.addf %mul3A_823, %mul3A_825 : vector<16xf32>
        %add3A_827 = arith.addf %add3A_821, %add3A_826 : vector<16xf32>
        %mul3A_828 = vector.broadcast %squeeze3A_799 : f32 to vector<16xf32>
        %mul3A_829 = arith.mulf %mul3A_828, %get3A_124 : vector<16xf32>
        %add3A_830 = arith.addf %get3A_220, %mul3A_829 : vector<16xf32>
        %mul3A_831 = vector.broadcast %squeeze3A_801 : f32 to vector<16xf32>
        %mul3A_832 = arith.mulf %mul3A_831, %get3A_156 : vector<16xf32>
        %mul3A_833 = vector.broadcast %squeeze3A_803 : f32 to vector<16xf32>
        %mul3A_834 = arith.mulf %mul3A_833, %get3A_188 : vector<16xf32>
        %add3A_835 = arith.addf %mul3A_832, %mul3A_834 : vector<16xf32>
        %add3A_836 = arith.addf %add3A_830, %add3A_835 : vector<16xf32>
        %mul3A_837 = vector.broadcast %squeeze3A_799 : f32 to vector<16xf32>
        %mul3A_838 = arith.mulf %mul3A_837, %get3A_128 : vector<16xf32>
        %add3A_839 = arith.addf %get3A_224, %mul3A_838 : vector<16xf32>
        %mul3A_840 = vector.broadcast %squeeze3A_801 : f32 to vector<16xf32>
        %mul3A_841 = arith.mulf %mul3A_840, %get3A_160 : vector<16xf32>
        %mul3A_842 = vector.broadcast %squeeze3A_803 : f32 to vector<16xf32>
        %mul3A_843 = arith.mulf %mul3A_842, %get3A_192 : vector<16xf32>
        %add3A_844 = arith.addf %mul3A_841, %mul3A_843 : vector<16xf32>
        %add3A_845 = arith.addf %add3A_839, %add3A_844 : vector<16xf32>
        %mul3A_846 = vector.broadcast %squeeze3A_799 : f32 to vector<16xf32>
        %mul3A_847 = arith.mulf %mul3A_846, %get3A_132 : vector<16xf32>
        %add3A_848 = arith.addf %get3A_228, %mul3A_847 : vector<16xf32>
        %mul3A_849 = vector.broadcast %squeeze3A_801 : f32 to vector<16xf32>
        %mul3A_850 = arith.mulf %mul3A_849, %get3A_164 : vector<16xf32>
        %mul3A_851 = vector.broadcast %squeeze3A_803 : f32 to vector<16xf32>
        %mul3A_852 = arith.mulf %mul3A_851, %get3A_196 : vector<16xf32>
        %add3A_853 = arith.addf %mul3A_850, %mul3A_852 : vector<16xf32>
        %add3A_854 = arith.addf %add3A_848, %add3A_853 : vector<16xf32>
        %mul3A_855 = vector.broadcast %squeeze3A_799 : f32 to vector<16xf32>
        %mul3A_856 = arith.mulf %mul3A_855, %get3A_136 : vector<16xf32>
        %add3A_857 = arith.addf %get3A_232, %mul3A_856 : vector<16xf32>
        %mul3A_858 = vector.broadcast %squeeze3A_801 : f32 to vector<16xf32>
        %mul3A_859 = arith.mulf %mul3A_858, %get3A_168 : vector<16xf32>
        %mul3A_860 = vector.broadcast %squeeze3A_803 : f32 to vector<16xf32>
        %mul3A_861 = arith.mulf %mul3A_860, %get3A_200 : vector<16xf32>
        %add3A_862 = arith.addf %mul3A_859, %mul3A_861 : vector<16xf32>
        %add3A_863 = arith.addf %add3A_857, %add3A_862 : vector<16xf32>
        %mul3A_864 = vector.broadcast %squeeze3A_799 : f32 to vector<16xf32>
        %mul3A_865 = arith.mulf %mul3A_864, %get3A_140 : vector<16xf32>
        %add3A_866 = arith.addf %get3A_236, %mul3A_865 : vector<16xf32>
        %mul3A_867 = vector.broadcast %squeeze3A_801 : f32 to vector<16xf32>
        %mul3A_868 = arith.mulf %mul3A_867, %get3A_172 : vector<16xf32>
        %mul3A_869 = vector.broadcast %squeeze3A_803 : f32 to vector<16xf32>
        %mul3A_870 = arith.mulf %mul3A_869, %get3A_204 : vector<16xf32>
        %add3A_871 = arith.addf %mul3A_868, %mul3A_870 : vector<16xf32>
        %add3A_872 = arith.addf %add3A_866, %add3A_871 : vector<16xf32>
        %mul3A_873 = vector.broadcast %squeeze3A_799 : f32 to vector<16xf32>
        %mul3A_874 = arith.mulf %mul3A_873, %get3A_144 : vector<16xf32>
        %add3A_875 = arith.addf %get3A_240, %mul3A_874 : vector<16xf32>
        %mul3A_876 = vector.broadcast %squeeze3A_801 : f32 to vector<16xf32>
        %mul3A_877 = arith.mulf %mul3A_876, %get3A_176 : vector<16xf32>
        %mul3A_878 = vector.broadcast %squeeze3A_803 : f32 to vector<16xf32>
        %mul3A_879 = arith.mulf %mul3A_878, %get3A_208 : vector<16xf32>
        %add3A_880 = arith.addf %mul3A_877, %mul3A_879 : vector<16xf32>
        %add3A_881 = arith.addf %add3A_875, %add3A_880 : vector<16xf32>
        %min3A_882 = arith.minimumf %add3A_818, %add3A_827 : vector<16xf32>
        %min3A_883 = arith.minimumf %add3A_836, %add3A_845 : vector<16xf32>
        %min3A_884 = arith.minimumf %add3A_854, %add3A_863 : vector<16xf32>
        %min3A_885 = arith.minimumf %add3A_872, %add3A_881 : vector<16xf32>
        %min3A_886 = arith.minimumf %min3A_882, %min3A_883 : vector<16xf32>
        %min3A_887 = arith.minimumf %min3A_884, %min3A_885 : vector<16xf32>
        %min3A_888 = arith.minimumf %min3A_886, %min3A_887 : vector<16xf32>
        %min3A_889 = arith.minimumf %get3A_809, %min3A_888 : vector<16xf32>
        %add3A_890 = arith.constant 5 : i32
        %add3A_891 = arith.addi %mul3A_252, %add3A_890 : i32
        %mul3A_892 = arith.constant 16 : i32
        %mul3A_893 = arith.muli %add3A_891, %mul3A_892 : i32
        %swap3A_894 = arith.index_cast %mul3A_893 : i32 to index
        %swap3A_895 = tpu.vector_load %arg12[%swap3A_894] {strides = array<i32>} : memref<1024xf32, #tpu.memory_space<vmem>>, vector<16xf32>,
        tpu.vector_store %arg12[%swap3A_894], %min3A_889 {strides = array<i32>} : memref<1024xf32, #tpu.memory_space<vmem>>, vector<16xf32>,
        %slice3A_896 = vector.extract_strided_slice %mul3A_270 {offsets = [6], sizes = [1], strides = [1]} : vector<16xf32> to vector<1xf32>
        %squeeze3A_897 = vector.extract %slice3A_896[0] : f32 from vector<1xf32>
        %slice3A_898 = vector.extract_strided_slice %mul3A_290 {offsets = [6], sizes = [1], strides = [1]} : vector<16xf32> to vector<1xf32>
        %squeeze3A_899 = vector.extract %slice3A_898[0] : f32 from vector<1xf32>
        %slice3A_900 = vector.extract_strided_slice %mul3A_310 {offsets = [6], sizes = [1], strides = [1]} : vector<16xf32> to vector<1xf32>
        %squeeze3A_901 = vector.extract %slice3A_900[0] : f32 from vector<1xf32>
        %add3A_902 = arith.constant 6 : i32
        %add3A_903 = arith.addi %mul3A_252, %add3A_902 : i32
        %mul3A_904 = arith.constant 16 : i32
        %mul3A_905 = arith.muli %add3A_903, %mul3A_904 : i32
        %get3A_906 = arith.index_cast %mul3A_905 : i32 to index
        %get3A_907 = tpu.vector_load %arg12[%get3A_906] {strides = array<i32>} : memref<1024xf32, #tpu.memory_space<vmem>>, vector<16xf32>,
        %mul3A_908 = vector.broadcast %squeeze3A_897 : f32 to vector<16xf32>
        %mul3A_909 = arith.mulf %mul3A_908, %get3A_116 : vector<16xf32>
        %add3A_910 = arith.addf %get3A_212, %mul3A_909 : vector<16xf32>
        %mul3A_911 = vector.broadcast %squeeze3A_899 : f32 to vector<16xf32>
        %mul3A_912 = arith.mulf %mul3A_911, %get3A_148 : vector<16xf32>
        %mul3A_913 = vector.broadcast %squeeze3A_901 : f32 to vector<16xf32>
        %mul3A_914 = arith.mulf %mul3A_913, %get3A_180 : vector<16xf32>
        %add3A_915 = arith.addf %mul3A_912, %mul3A_914 : vector<16xf32>
        %add3A_916 = arith.addf %add3A_910, %add3A_915 : vector<16xf32>
        %mul3A_917 = vector.broadcast %squeeze3A_897 : f32 to vector<16xf32>
        %mul3A_918 = arith.mulf %mul3A_917, %get3A_120 : vector<16xf32>
        %add3A_919 = arith.addf %get3A_216, %mul3A_918 : vector<16xf32>
        %mul3A_920 = vector.broadcast %squeeze3A_899 : f32 to vector<16xf32>
        %mul3A_921 = arith.mulf %mul3A_920, %get3A_152 : vector<16xf32>
        %mul3A_922 = vector.broadcast %squeeze3A_901 : f32 to vector<16xf32>
        %mul3A_923 = arith.mulf %mul3A_922, %get3A_184 : vector<16xf32>
        %add3A_924 = arith.addf %mul3A_921, %mul3A_923 : vector<16xf32>
        %add3A_925 = arith.addf %add3A_919, %add3A_924 : vector<16xf32>
        %mul3A_926 = vector.broadcast %squeeze3A_897 : f32 to vector<16xf32>
        %mul3A_927 = arith.mulf %mul3A_926, %get3A_124 : vector<16xf32>
        %add3A_928 = arith.addf %get3A_220, %mul3A_927 : vector<16xf32>
        %mul3A_929 = vector.broadcast %squeeze3A_899 : f32 to vector<16xf32>
        %mul3A_930 = arith.mulf %mul3A_929, %get3A_156 : vector<16xf32>
        %mul3A_931 = vector.broadcast %squeeze3A_901 : f32 to vector<16xf32>
        %mul3A_932 = arith.mulf %mul3A_931, %get3A_188 : vector<16xf32>
        %add3A_933 = arith.addf %mul3A_930, %mul3A_932 : vector<16xf32>
        %add3A_934 = arith.addf %add3A_928, %add3A_933 : vector<16xf32>
        %mul3A_935 = vector.broadcast %squeeze3A_897 : f32 to vector<16xf32>
        %mul3A_936 = arith.mulf %mul3A_935, %get3A_128 : vector<16xf32>
        %add3A_937 = arith.addf %get3A_224, %mul3A_936 : vector<16xf32>
        %mul3A_938 = vector.broadcast %squeeze3A_899 : f32 to vector<16xf32>
        %mul3A_939 = arith.mulf %mul3A_938, %get3A_160 : vector<16xf32>
        %mul3A_940 = vector.broadcast %squeeze3A_901 : f32 to vector<16xf32>
        %mul3A_941 = arith.mulf %mul3A_940, %get3A_192 : vector<16xf32>
        %add3A_942 = arith.addf %mul3A_939, %mul3A_941 : vector<16xf32>
        %add3A_943 = arith.addf %add3A_937, %add3A_942 : vector<16xf32>
        %mul3A_944 = vector.broadcast %squeeze3A_897 : f32 to vector<16xf32>
        %mul3A_945 = arith.mulf %mul3A_944, %get3A_132 : vector<16xf32>
        %add3A_946 = arith.addf %get3A_228, %mul3A_945 : vector<16xf32>
        %mul3A_947 = vector.broadcast %squeeze3A_899 : f32 to vector<16xf32>
        %mul3A_948 = arith.mulf %mul3A_947, %get3A_164 : vector<16xf32>
        %mul3A_949 = vector.broadcast %squeeze3A_901 : f32 to vector<16xf32>
        %mul3A_950 = arith.mulf %mul3A_949, %get3A_196 : vector<16xf32>
        %add3A_951 = arith.addf %mul3A_948, %mul3A_950 : vector<16xf32>
        %add3A_952 = arith.addf %add3A_946, %add3A_951 : vector<16xf32>
        %mul3A_953 = vector.broadcast %squeeze3A_897 : f32 to vector<16xf32>
        %mul3A_954 = arith.mulf %mul3A_953, %get3A_136 : vector<16xf32>
        %add3A_955 = arith.addf %get3A_232, %mul3A_954 : vector<16xf32>
        %mul3A_956 = vector.broadcast %squeeze3A_899 : f32 to vector<16xf32>
        %mul3A_957 = arith.mulf %mul3A_956, %get3A_168 : vector<16xf32>
        %mul3A_958 = vector.broadcast %squeeze3A_901 : f32 to vector<16xf32>
        %mul3A_959 = arith.mulf %mul3A_958, %get3A_200 : vector<16xf32>
        %add3A_960 = arith.addf %mul3A_957, %mul3A_959 : vector<16xf32>
        %add3A_961 = arith.addf %add3A_955, %add3A_960 : vector<16xf32>
        %mul3A_962 = vector.broadcast %squeeze3A_897 : f32 to vector<16xf32>
        %mul3A_963 = arith.mulf %mul3A_962, %get3A_140 : vector<16xf32>
        %add3A_964 = arith.addf %get3A_236, %mul3A_963 : vector<16xf32>
        %mul3A_965 = vector.broadcast %squeeze3A_899 : f32 to vector<16xf32>
        %mul3A_966 = arith.mulf %mul3A_965, %get3A_172 : vector<16xf32>
        %mul3A_967 = vector.broadcast %squeeze3A_901 : f32 to vector<16xf32>
        %mul3A_968 = arith.mulf %mul3A_967, %get3A_204 : vector<16xf32>
        %add3A_969 = arith.addf %mul3A_966, %mul3A_968 : vector<16xf32>
        %add3A_970 = arith.addf %add3A_964, %add3A_969 : vector<16xf32>
        %mul3A_971 = vector.broadcast %squeeze3A_897 : f32 to vector<16xf32>
        %mul3A_972 = arith.mulf %mul3A_971, %get3A_144 : vector<16xf32>
        %add3A_973 = arith.addf %get3A_240, %mul3A_972 : vector<16xf32>
        %mul3A_974 = vector.broadcast %squeeze3A_899 : f32 to vector<16xf32>
        %mul3A_975 = arith.mulf %mul3A_974, %get3A_176 : vector<16xf32>
        %mul3A_976 = vector.broadcast %squeeze3A_901 : f32 to vector<16xf32>
        %mul3A_977 = arith.mulf %mul3A_976, %get3A_208 : vector<16xf32>
        %add3A_978 = arith.addf %mul3A_975, %mul3A_977 : vector<16xf32>
        %add3A_979 = arith.addf %add3A_973, %add3A_978 : vector<16xf32>
        %min3A_980 = arith.minimumf %add3A_916, %add3A_925 : vector<16xf32>
        %min3A_981 = arith.minimumf %add3A_934, %add3A_943 : vector<16xf32>
        %min3A_982 = arith.minimumf %add3A_952, %add3A_961 : vector<16xf32>
        %min3A_983 = arith.minimumf %add3A_970, %add3A_979 : vector<16xf32>
        %min3A_984 = arith.minimumf %min3A_980, %min3A_981 : vector<16xf32>
        %min3A_985 = arith.minimumf %min3A_982, %min3A_983 : vector<16xf32>
        %min3A_986 = arith.minimumf %min3A_984, %min3A_985 : vector<16xf32>
        %min3A_987 = arith.minimumf %get3A_907, %min3A_986 : vector<16xf32>
        %add3A_988 = arith.constant 6 : i32
        %add3A_989 = arith.addi %mul3A_252, %add3A_988 : i32
        %mul3A_990 = arith.constant 16 : i32
        %mul3A_991 = arith.muli %add3A_989, %mul3A_990 : i32
        %swap3A_992 = arith.index_cast %mul3A_991 : i32 to index
        %swap3A_993 = tpu.vector_load %arg12[%swap3A_992] {strides = array<i32>} : memref<1024xf32, #tpu.memory_space<vmem>>, vector<16xf32>,
        tpu.vector_store %arg12[%swap3A_992], %min3A_987 {strides = array<i32>} : memref<1024xf32, #tpu.memory_space<vmem>>, vector<16xf32>,
        %slice3A_994 = vector.extract_strided_slice %mul3A_270 {offsets = [7], sizes = [1], strides = [1]} : vector<16xf32> to vector<1xf32>
        %squeeze3A_995 = vector.extract %slice3A_994[0] : f32 from vector<1xf32>
        %slice3A_996 = vector.extract_strided_slice %mul3A_290 {offsets = [7], sizes = [1], strides = [1]} : vector<16xf32> to vector<1xf32>
        %squeeze3A_997 = vector.extract %slice3A_996[0] : f32 from vector<1xf32>
        %slice3A_998 = vector.extract_strided_slice %mul3A_310 {offsets = [7], sizes = [1], strides = [1]} : vector<16xf32> to vector<1xf32>
        %squeeze3A_999 = vector.extract %slice3A_998[0] : f32 from vector<1xf32>
        %add3A_1000 = arith.constant 7 : i32
        %add3A_1001 = arith.addi %mul3A_252, %add3A_1000 : i32
        %mul3A_1002 = arith.constant 16 : i32
        %mul3A_1003 = arith.muli %add3A_1001, %mul3A_1002 : i32
        %get3A_1004 = arith.index_cast %mul3A_1003 : i32 to index
        %get3A_1005 = tpu.vector_load %arg12[%get3A_1004] {strides = array<i32>} : memref<1024xf32, #tpu.memory_space<vmem>>, vector<16xf32>,
        %mul3A_1006 = vector.broadcast %squeeze3A_995 : f32 to vector<16xf32>
        %mul3A_1007 = arith.mulf %mul3A_1006, %get3A_116 : vector<16xf32>
        %add3A_1008 = arith.addf %get3A_212, %mul3A_1007 : vector<16xf32>
        %mul3A_1009 = vector.broadcast %squeeze3A_997 : f32 to vector<16xf32>
        %mul3A_1010 = arith.mulf %mul3A_1009, %get3A_148 : vector<16xf32>
        %mul3A_1011 = vector.broadcast %squeeze3A_999 : f32 to vector<16xf32>
        %mul3A_1012 = arith.mulf %mul3A_1011, %get3A_180 : vector<16xf32>
        %add3A_1013 = arith.addf %mul3A_1010, %mul3A_1012 : vector<16xf32>
        %add3A_1014 = arith.addf %add3A_1008, %add3A_1013 : vector<16xf32>
        %mul3A_1015 = vector.broadcast %squeeze3A_995 : f32 to vector<16xf32>
        %mul3A_1016 = arith.mulf %mul3A_1015, %get3A_120 : vector<16xf32>
        %add3A_1017 = arith.addf %get3A_216, %mul3A_1016 : vector<16xf32>
        %mul3A_1018 = vector.broadcast %squeeze3A_997 : f32 to vector<16xf32>
        %mul3A_1019 = arith.mulf %mul3A_1018, %get3A_152 : vector<16xf32>
        %mul3A_1020 = vector.broadcast %squeeze3A_999 : f32 to vector<16xf32>
        %mul3A_1021 = arith.mulf %mul3A_1020, %get3A_184 : vector<16xf32>
        %add3A_1022 = arith.addf %mul3A_1019, %mul3A_1021 : vector<16xf32>
        %add3A_1023 = arith.addf %add3A_1017, %add3A_1022 : vector<16xf32>
        %mul3A_1024 = vector.broadcast %squeeze3A_995 : f32 to vector<16xf32>
        %mul3A_1025 = arith.mulf %mul3A_1024, %get3A_124 : vector<16xf32>
        %add3A_1026 = arith.addf %get3A_220, %mul3A_1025 : vector<16xf32>
        %mul3A_1027 = vector.broadcast %squeeze3A_997 : f32 to vector<16xf32>
        %mul3A_1028 = arith.mulf %mul3A_1027, %get3A_156 : vector<16xf32>
        %mul3A_1029 = vector.broadcast %squeeze3A_999 : f32 to vector<16xf32>
        %mul3A_1030 = arith.mulf %mul3A_1029, %get3A_188 : vector<16xf32>
        %add3A_1031 = arith.addf %mul3A_1028, %mul3A_1030 : vector<16xf32>
        %add3A_1032 = arith.addf %add3A_1026, %add3A_1031 : vector<16xf32>
        %mul3A_1033 = vector.broadcast %squeeze3A_995 : f32 to vector<16xf32>
        %mul3A_1034 = arith.mulf %mul3A_1033, %get3A_128 : vector<16xf32>
        %add3A_1035 = arith.addf %get3A_224, %mul3A_1034 : vector<16xf32>
        %mul3A_1036 = vector.broadcast %squeeze3A_997 : f32 to vector<16xf32>
        %mul3A_1037 = arith.mulf %mul3A_1036, %get3A_160 : vector<16xf32>
        %mul3A_1038 = vector.broadcast %squeeze3A_999 : f32 to vector<16xf32>
        %mul3A_1039 = arith.mulf %mul3A_1038, %get3A_192 : vector<16xf32>
        %add3A_1040 = arith.addf %mul3A_1037, %mul3A_1039 : vector<16xf32>
        %add3A_1041 = arith.addf %add3A_1035, %add3A_1040 : vector<16xf32>
        %mul3A_1042 = vector.broadcast %squeeze3A_995 : f32 to vector<16xf32>
        %mul3A_1043 = arith.mulf %mul3A_1042, %get3A_132 : vector<16xf32>
        %add3A_1044 = arith.addf %get3A_228, %mul3A_1043 : vector<16xf32>
        %mul3A_1045 = vector.broadcast %squeeze3A_997 : f32 to vector<16xf32>
        %mul3A_1046 = arith.mulf %mul3A_1045, %get3A_164 : vector<16xf32>
        %mul3A_1047 = vector.broadcast %squeeze3A_999 : f32 to vector<16xf32>
        %mul3A_1048 = arith.mulf %mul3A_1047, %get3A_196 : vector<16xf32>
        %add3A_1049 = arith.addf %mul3A_1046, %mul3A_1048 : vector<16xf32>
        %add3A_1050 = arith.addf %add3A_1044, %add3A_1049 : vector<16xf32>
        %mul3A_1051 = vector.broadcast %squeeze3A_995 : f32 to vector<16xf32>
        %mul3A_1052 = arith.mulf %mul3A_1051, %get3A_136 : vector<16xf32>
        %add3A_1053 = arith.addf %get3A_232, %mul3A_1052 : vector<16xf32>
        %mul3A_1054 = vector.broadcast %squeeze3A_997 : f32 to vector<16xf32>
        %mul3A_1055 = arith.mulf %mul3A_1054, %get3A_168 : vector<16xf32>
        %mul3A_1056 = vector.broadcast %squeeze3A_999 : f32 to vector<16xf32>
        %mul3A_1057 = arith.mulf %mul3A_1056, %get3A_200 : vector<16xf32>
        %add3A_1058 = arith.addf %mul3A_1055, %mul3A_1057 : vector<16xf32>
        %add3A_1059 = arith.addf %add3A_1053, %add3A_1058 : vector<16xf32>
        %mul3A_1060 = vector.broadcast %squeeze3A_995 : f32 to vector<16xf32>
        %mul3A_1061 = arith.mulf %mul3A_1060, %get3A_140 : vector<16xf32>
        %add3A_1062 = arith.addf %get3A_236, %mul3A_1061 : vector<16xf32>
        %mul3A_1063 = vector.broadcast %squeeze3A_997 : f32 to vector<16xf32>
        %mul3A_1064 = arith.mulf %mul3A_1063, %get3A_172 : vector<16xf32>
        %mul3A_1065 = vector.broadcast %squeeze3A_999 : f32 to vector<16xf32>
        %mul3A_1066 = arith.mulf %mul3A_1065, %get3A_204 : vector<16xf32>
        %add3A_1067 = arith.addf %mul3A_1064, %mul3A_1066 : vector<16xf32>
        %add3A_1068 = arith.addf %add3A_1062, %add3A_1067 : vector<16xf32>
        %mul3A_1069 = vector.broadcast %squeeze3A_995 : f32 to vector<16xf32>
        %mul3A_1070 = arith.mulf %mul3A_1069, %get3A_144 : vector<16xf32>
        %add3A_1071 = arith.addf %get3A_240, %mul3A_1070 : vector<16xf32>
        %mul3A_1072 = vector.broadcast %squeeze3A_997 : f32 to vector<16xf32>
        %mul3A_1073 = arith.mulf %mul3A_1072, %get3A_176 : vector<16xf32>
        %mul3A_1074 = vector.broadcast %squeeze3A_999 : f32 to vector<16xf32>
        %mul3A_1075 = arith.mulf %mul3A_1074, %get3A_208 : vector<16xf32>
        %add3A_1076 = arith.addf %mul3A_1073, %mul3A_1075 : vector<16xf32>
        %add3A_1077 = arith.addf %add3A_1071, %add3A_1076 : vector<16xf32>
        %min3A_1078 = arith.minimumf %add3A_1014, %add3A_1023 : vector<16xf32>
        %min3A_1079 = arith.minimumf %add3A_1032, %add3A_1041 : vector<16xf32>
        %min3A_1080 = arith.minimumf %add3A_1050, %add3A_1059 : vector<16xf32>
        %min3A_1081 = arith.minimumf %add3A_1068, %add3A_1077 : vector<16xf32>
        %min3A_1082 = arith.minimumf %min3A_1078, %min3A_1079 : vector<16xf32>
        %min3A_1083 = arith.minimumf %min3A_1080, %min3A_1081 : vector<16xf32>
        %min3A_1084 = arith.minimumf %min3A_1082, %min3A_1083 : vector<16xf32>
        %min3A_1085 = arith.minimumf %get3A_1005, %min3A_1084 : vector<16xf32>
        %add3A_1086 = arith.constant 7 : i32
        %add3A_1087 = arith.addi %mul3A_252, %add3A_1086 : i32
        %mul3A_1088 = arith.constant 16 : i32
        %mul3A_1089 = arith.muli %add3A_1087, %mul3A_1088 : i32
        %swap3A_1090 = arith.index_cast %mul3A_1089 : i32 to index
        %swap3A_1091 = tpu.vector_load %arg12[%swap3A_1090] {strides = array<i32>} : memref<1024xf32, #tpu.memory_space<vmem>>, vector<16xf32>,
        tpu.vector_store %arg12[%swap3A_1090], %min3A_1085 {strides = array<i32>} : memref<1024xf32, #tpu.memory_space<vmem>>, vector<16xf32>,
        %slice3A_1092 = vector.extract_strided_slice %mul3A_270 {offsets = [8], sizes = [1], strides = [1]} : vector<16xf32> to vector<1xf32>
        %squeeze3A_1093 = vector.extract %slice3A_1092[0] : f32 from vector<1xf32>
        %slice3A_1094 = vector.extract_strided_slice %mul3A_290 {offsets = [8], sizes = [1], strides = [1]} : vector<16xf32> to vector<1xf32>
        %squeeze3A_1095 = vector.extract %slice3A_1094[0] : f32 from vector<1xf32>
        %slice3A_1096 = vector.extract_strided_slice %mul3A_310 {offsets = [8], sizes = [1], strides = [1]} : vector<16xf32> to vector<1xf32>
        %squeeze3A_1097 = vector.extract %slice3A_1096[0] : f32 from vector<1xf32>
        %add3A_1098 = arith.constant 8 : i32
        %add3A_1099 = arith.addi %mul3A_252, %add3A_1098 : i32
        %mul3A_1100 = arith.constant 16 : i32
        %mul3A_1101 = arith.muli %add3A_1099, %mul3A_1100 : i32
        %get3A_1102 = arith.index_cast %mul3A_1101 : i32 to index
        %get3A_1103 = tpu.vector_load %arg12[%get3A_1102] {strides = array<i32>} : memref<1024xf32, #tpu.memory_space<vmem>>, vector<16xf32>,
        %mul3A_1104 = vector.broadcast %squeeze3A_1093 : f32 to vector<16xf32>
        %mul3A_1105 = arith.mulf %mul3A_1104, %get3A_116 : vector<16xf32>
        %add3A_1106 = arith.addf %get3A_212, %mul3A_1105 : vector<16xf32>
        %mul3A_1107 = vector.broadcast %squeeze3A_1095 : f32 to vector<16xf32>
        %mul3A_1108 = arith.mulf %mul3A_1107, %get3A_148 : vector<16xf32>
        %mul3A_1109 = vector.broadcast %squeeze3A_1097 : f32 to vector<16xf32>
        %mul3A_1110 = arith.mulf %mul3A_1109, %get3A_180 : vector<16xf32>
        %add3A_1111 = arith.addf %mul3A_1108, %mul3A_1110 : vector<16xf32>
        %add3A_1112 = arith.addf %add3A_1106, %add3A_1111 : vector<16xf32>
        %mul3A_1113 = vector.broadcast %squeeze3A_1093 : f32 to vector<16xf32>
        %mul3A_1114 = arith.mulf %mul3A_1113, %get3A_120 : vector<16xf32>
        %add3A_1115 = arith.addf %get3A_216, %mul3A_1114 : vector<16xf32>
        %mul3A_1116 = vector.broadcast %squeeze3A_1095 : f32 to vector<16xf32>
        %mul3A_1117 = arith.mulf %mul3A_1116, %get3A_152 : vector<16xf32>
        %mul3A_1118 = vector.broadcast %squeeze3A_1097 : f32 to vector<16xf32>
        %mul3A_1119 = arith.mulf %mul3A_1118, %get3A_184 : vector<16xf32>
        %add3A_1120 = arith.addf %mul3A_1117, %mul3A_1119 : vector<16xf32>
        %add3A_1121 = arith.addf %add3A_1115, %add3A_1120 : vector<16xf32>
        %mul3A_1122 = vector.broadcast %squeeze3A_1093 : f32 to vector<16xf32>
        %mul3A_1123 = arith.mulf %mul3A_1122, %get3A_124 : vector<16xf32>
        %add3A_1124 = arith.addf %get3A_220, %mul3A_1123 : vector<16xf32>
        %mul3A_1125 = vector.broadcast %squeeze3A_1095 : f32 to vector<16xf32>
        %mul3A_1126 = arith.mulf %mul3A_1125, %get3A_156 : vector<16xf32>
        %mul3A_1127 = vector.broadcast %squeeze3A_1097 : f32 to vector<16xf32>
        %mul3A_1128 = arith.mulf %mul3A_1127, %get3A_188 : vector<16xf32>
        %add3A_1129 = arith.addf %mul3A_1126, %mul3A_1128 : vector<16xf32>
        %add3A_1130 = arith.addf %add3A_1124, %add3A_1129 : vector<16xf32>
        %mul3A_1131 = vector.broadcast %squeeze3A_1093 : f32 to vector<16xf32>
        %mul3A_1132 = arith.mulf %mul3A_1131, %get3A_128 : vector<16xf32>
        %add3A_1133 = arith.addf %get3A_224, %mul3A_1132 : vector<16xf32>
        %mul3A_1134 = vector.broadcast %squeeze3A_1095 : f32 to vector<16xf32>
        %mul3A_1135 = arith.mulf %mul3A_1134, %get3A_160 : vector<16xf32>
        %mul3A_1136 = vector.broadcast %squeeze3A_1097 : f32 to vector<16xf32>
        %mul3A_1137 = arith.mulf %mul3A_1136, %get3A_192 : vector<16xf32>
        %add3A_1138 = arith.addf %mul3A_1135, %mul3A_1137 : vector<16xf32>
        %add3A_1139 = arith.addf %add3A_1133, %add3A_1138 : vector<16xf32>
        %mul3A_1140 = vector.broadcast %squeeze3A_1093 : f32 to vector<16xf32>
        %mul3A_1141 = arith.mulf %mul3A_1140, %get3A_132 : vector<16xf32>
        %add3A_1142 = arith.addf %get3A_228, %mul3A_1141 : vector<16xf32>
        %mul3A_1143 = vector.broadcast %squeeze3A_1095 : f32 to vector<16xf32>
        %mul3A_1144 = arith.mulf %mul3A_1143, %get3A_164 : vector<16xf32>
        %mul3A_1145 = vector.broadcast %squeeze3A_1097 : f32 to vector<16xf32>
        %mul3A_1146 = arith.mulf %mul3A_1145, %get3A_196 : vector<16xf32>
        %add3A_1147 = arith.addf %mul3A_1144, %mul3A_1146 : vector<16xf32>
        %add3A_1148 = arith.addf %add3A_1142, %add3A_1147 : vector<16xf32>
        %mul3A_1149 = vector.broadcast %squeeze3A_1093 : f32 to vector<16xf32>
        %mul3A_1150 = arith.mulf %mul3A_1149, %get3A_136 : vector<16xf32>
        %add3A_1151 = arith.addf %get3A_232, %mul3A_1150 : vector<16xf32>
        %mul3A_1152 = vector.broadcast %squeeze3A_1095 : f32 to vector<16xf32>
        %mul3A_1153 = arith.mulf %mul3A_1152, %get3A_168 : vector<16xf32>
        %mul3A_1154 = vector.broadcast %squeeze3A_1097 : f32 to vector<16xf32>
        %mul3A_1155 = arith.mulf %mul3A_1154, %get3A_200 : vector<16xf32>
        %add3A_1156 = arith.addf %mul3A_1153, %mul3A_1155 : vector<16xf32>
        %add3A_1157 = arith.addf %add3A_1151, %add3A_1156 : vector<16xf32>
        %mul3A_1158 = vector.broadcast %squeeze3A_1093 : f32 to vector<16xf32>
        %mul3A_1159 = arith.mulf %mul3A_1158, %get3A_140 : vector<16xf32>
        %add3A_1160 = arith.addf %get3A_236, %mul3A_1159 : vector<16xf32>
        %mul3A_1161 = vector.broadcast %squeeze3A_1095 : f32 to vector<16xf32>
        %mul3A_1162 = arith.mulf %mul3A_1161, %get3A_172 : vector<16xf32>
        %mul3A_1163 = vector.broadcast %squeeze3A_1097 : f32 to vector<16xf32>
        %mul3A_1164 = arith.mulf %mul3A_1163, %get3A_204 : vector<16xf32>
        %add3A_1165 = arith.addf %mul3A_1162, %mul3A_1164 : vector<16xf32>
        %add3A_1166 = arith.addf %add3A_1160, %add3A_1165 : vector<16xf32>
        %mul3A_1167 = vector.broadcast %squeeze3A_1093 : f32 to vector<16xf32>
        %mul3A_1168 = arith.mulf %mul3A_1167, %get3A_144 : vector<16xf32>
        %add3A_1169 = arith.addf %get3A_240, %mul3A_1168 : vector<16xf32>
        %mul3A_1170 = vector.broadcast %squeeze3A_1095 : f32 to vector<16xf32>
        %mul3A_1171 = arith.mulf %mul3A_1170, %get3A_176 : vector<16xf32>
        %mul3A_1172 = vector.broadcast %squeeze3A_1097 : f32 to vector<16xf32>
        %mul3A_1173 = arith.mulf %mul3A_1172, %get3A_208 : vector<16xf32>
        %add3A_1174 = arith.addf %mul3A_1171, %mul3A_1173 : vector<16xf32>
        %add3A_1175 = arith.addf %add3A_1169, %add3A_1174 : vector<16xf32>
        %min3A_1176 = arith.minimumf %add3A_1112, %add3A_1121 : vector<16xf32>
        %min3A_1177 = arith.minimumf %add3A_1130, %add3A_1139 : vector<16xf32>
        %min3A_1178 = arith.minimumf %add3A_1148, %add3A_1157 : vector<16xf32>
        %min3A_1179 = arith.minimumf %add3A_1166, %add3A_1175 : vector<16xf32>
        %min3A_1180 = arith.minimumf %min3A_1176, %min3A_1177 : vector<16xf32>
        %min3A_1181 = arith.minimumf %min3A_1178, %min3A_1179 : vector<16xf32>
        %min3A_1182 = arith.minimumf %min3A_1180, %min3A_1181 : vector<16xf32>
        %min3A_1183 = arith.minimumf %get3A_1103, %min3A_1182 : vector<16xf32>
        %add3A_1184 = arith.constant 8 : i32
        %add3A_1185 = arith.addi %mul3A_252, %add3A_1184 : i32
        %mul3A_1186 = arith.constant 16 : i32
        %mul3A_1187 = arith.muli %add3A_1185, %mul3A_1186 : i32
        %swap3A_1188 = arith.index_cast %mul3A_1187 : i32 to index
        %swap3A_1189 = tpu.vector_load %arg12[%swap3A_1188] {strides = array<i32>} : memref<1024xf32, #tpu.memory_space<vmem>>, vector<16xf32>,
        tpu.vector_store %arg12[%swap3A_1188], %min3A_1183 {strides = array<i32>} : memref<1024xf32, #tpu.memory_space<vmem>>, vector<16xf32>,
        %slice3A_1190 = vector.extract_strided_slice %mul3A_270 {offsets = [9], sizes = [1], strides = [1]} : vector<16xf32> to vector<1xf32>
        %squeeze3A_1191 = vector.extract %slice3A_1190[0] : f32 from vector<1xf32>
        %slice3A_1192 = vector.extract_strided_slice %mul3A_290 {offsets = [9], sizes = [1], strides = [1]} : vector<16xf32> to vector<1xf32>
        %squeeze3A_1193 = vector.extract %slice3A_1192[0] : f32 from vector<1xf32>
        %slice3A_1194 = vector.extract_strided_slice %mul3A_310 {offsets = [9], sizes = [1], strides = [1]} : vector<16xf32> to vector<1xf32>
        %squeeze3A_1195 = vector.extract %slice3A_1194[0] : f32 from vector<1xf32>
        %add3A_1196 = arith.constant 9 : i32
        %add3A_1197 = arith.addi %mul3A_252, %add3A_1196 : i32
        %mul3A_1198 = arith.constant 16 : i32
        %mul3A_1199 = arith.muli %add3A_1197, %mul3A_1198 : i32
        %get3A_1200 = arith.index_cast %mul3A_1199 : i32 to index
        %get3A_1201 = tpu.vector_load %arg12[%get3A_1200] {strides = array<i32>} : memref<1024xf32, #tpu.memory_space<vmem>>, vector<16xf32>,
        %mul3A_1202 = vector.broadcast %squeeze3A_1191 : f32 to vector<16xf32>
        %mul3A_1203 = arith.mulf %mul3A_1202, %get3A_116 : vector<16xf32>
        %add3A_1204 = arith.addf %get3A_212, %mul3A_1203 : vector<16xf32>
        %mul3A_1205 = vector.broadcast %squeeze3A_1193 : f32 to vector<16xf32>
        %mul3A_1206 = arith.mulf %mul3A_1205, %get3A_148 : vector<16xf32>
        %mul3A_1207 = vector.broadcast %squeeze3A_1195 : f32 to vector<16xf32>
        %mul3A_1208 = arith.mulf %mul3A_1207, %get3A_180 : vector<16xf32>
        %add3A_1209 = arith.addf %mul3A_1206, %mul3A_1208 : vector<16xf32>
        %add3A_1210 = arith.addf %add3A_1204, %add3A_1209 : vector<16xf32>
        %mul3A_1211 = vector.broadcast %squeeze3A_1191 : f32 to vector<16xf32>
        %mul3A_1212 = arith.mulf %mul3A_1211, %get3A_120 : vector<16xf32>
        %add3A_1213 = arith.addf %get3A_216, %mul3A_1212 : vector<16xf32>
        %mul3A_1214 = vector.broadcast %squeeze3A_1193 : f32 to vector<16xf32>
        %mul3A_1215 = arith.mulf %mul3A_1214, %get3A_152 : vector<16xf32>
        %mul3A_1216 = vector.broadcast %squeeze3A_1195 : f32 to vector<16xf32>
        %mul3A_1217 = arith.mulf %mul3A_1216, %get3A_184 : vector<16xf32>
        %add3A_1218 = arith.addf %mul3A_1215, %mul3A_1217 : vector<16xf32>
        %add3A_1219 = arith.addf %add3A_1213, %add3A_1218 : vector<16xf32>
        %mul3A_1220 = vector.broadcast %squeeze3A_1191 : f32 to vector<16xf32>
        %mul3A_1221 = arith.mulf %mul3A_1220, %get3A_124 : vector<16xf32>
        %add3A_1222 = arith.addf %get3A_220, %mul3A_1221 : vector<16xf32>
        %mul3A_1223 = vector.broadcast %squeeze3A_1193 : f32 to vector<16xf32>
        %mul3A_1224 = arith.mulf %mul3A_1223, %get3A_156 : vector<16xf32>
        %mul3A_1225 = vector.broadcast %squeeze3A_1195 : f32 to vector<16xf32>
        %mul3A_1226 = arith.mulf %mul3A_1225, %get3A_188 : vector<16xf32>
        %add3A_1227 = arith.addf %mul3A_1224, %mul3A_1226 : vector<16xf32>
        %add3A_1228 = arith.addf %add3A_1222, %add3A_1227 : vector<16xf32>
        %mul3A_1229 = vector.broadcast %squeeze3A_1191 : f32 to vector<16xf32>
        %mul3A_1230 = arith.mulf %mul3A_1229, %get3A_128 : vector<16xf32>
        %add3A_1231 = arith.addf %get3A_224, %mul3A_1230 : vector<16xf32>
        %mul3A_1232 = vector.broadcast %squeeze3A_1193 : f32 to vector<16xf32>
        %mul3A_1233 = arith.mulf %mul3A_1232, %get3A_160 : vector<16xf32>
        %mul3A_1234 = vector.broadcast %squeeze3A_1195 : f32 to vector<16xf32>
        %mul3A_1235 = arith.mulf %mul3A_1234, %get3A_192 : vector<16xf32>
        %add3A_1236 = arith.addf %mul3A_1233, %mul3A_1235 : vector<16xf32>
        %add3A_1237 = arith.addf %add3A_1231, %add3A_1236 : vector<16xf32>
        %mul3A_1238 = vector.broadcast %squeeze3A_1191 : f32 to vector<16xf32>
        %mul3A_1239 = arith.mulf %mul3A_1238, %get3A_132 : vector<16xf32>
        %add3A_1240 = arith.addf %get3A_228, %mul3A_1239 : vector<16xf32>
        %mul3A_1241 = vector.broadcast %squeeze3A_1193 : f32 to vector<16xf32>
        %mul3A_1242 = arith.mulf %mul3A_1241, %get3A_164 : vector<16xf32>
        %mul3A_1243 = vector.broadcast %squeeze3A_1195 : f32 to vector<16xf32>
        %mul3A_1244 = arith.mulf %mul3A_1243, %get3A_196 : vector<16xf32>
        %add3A_1245 = arith.addf %mul3A_1242, %mul3A_1244 : vector<16xf32>
        %add3A_1246 = arith.addf %add3A_1240, %add3A_1245 : vector<16xf32>
        %mul3A_1247 = vector.broadcast %squeeze3A_1191 : f32 to vector<16xf32>
        %mul3A_1248 = arith.mulf %mul3A_1247, %get3A_136 : vector<16xf32>
        %add3A_1249 = arith.addf %get3A_232, %mul3A_1248 : vector<16xf32>
        %mul3A_1250 = vector.broadcast %squeeze3A_1193 : f32 to vector<16xf32>
        %mul3A_1251 = arith.mulf %mul3A_1250, %get3A_168 : vector<16xf32>
        %mul3A_1252 = vector.broadcast %squeeze3A_1195 : f32 to vector<16xf32>
        %mul3A_1253 = arith.mulf %mul3A_1252, %get3A_200 : vector<16xf32>
        %add3A_1254 = arith.addf %mul3A_1251, %mul3A_1253 : vector<16xf32>
        %add3A_1255 = arith.addf %add3A_1249, %add3A_1254 : vector<16xf32>
        %mul3A_1256 = vector.broadcast %squeeze3A_1191 : f32 to vector<16xf32>
        %mul3A_1257 = arith.mulf %mul3A_1256, %get3A_140 : vector<16xf32>
        %add3A_1258 = arith.addf %get3A_236, %mul3A_1257 : vector<16xf32>
        %mul3A_1259 = vector.broadcast %squeeze3A_1193 : f32 to vector<16xf32>
        %mul3A_1260 = arith.mulf %mul3A_1259, %get3A_172 : vector<16xf32>
        %mul3A_1261 = vector.broadcast %squeeze3A_1195 : f32 to vector<16xf32>
        %mul3A_1262 = arith.mulf %mul3A_1261, %get3A_204 : vector<16xf32>
        %add3A_1263 = arith.addf %mul3A_1260, %mul3A_1262 : vector<16xf32>
        %add3A_1264 = arith.addf %add3A_1258, %add3A_1263 : vector<16xf32>
        %mul3A_1265 = vector.broadcast %squeeze3A_1191 : f32 to vector<16xf32>
        %mul3A_1266 = arith.mulf %mul3A_1265, %get3A_144 : vector<16xf32>
        %add3A_1267 = arith.addf %get3A_240, %mul3A_1266 : vector<16xf32>
        %mul3A_1268 = vector.broadcast %squeeze3A_1193 : f32 to vector<16xf32>
        %mul3A_1269 = arith.mulf %mul3A_1268, %get3A_176 : vector<16xf32>
        %mul3A_1270 = vector.broadcast %squeeze3A_1195 : f32 to vector<16xf32>
        %mul3A_1271 = arith.mulf %mul3A_1270, %get3A_208 : vector<16xf32>
        %add3A_1272 = arith.addf %mul3A_1269, %mul3A_1271 : vector<16xf32>
        %add3A_1273 = arith.addf %add3A_1267, %add3A_1272 : vector<16xf32>
        %min3A_1274 = arith.minimumf %add3A_1210, %add3A_1219 : vector<16xf32>
        %min3A_1275 = arith.minimumf %add3A_1228, %add3A_1237 : vector<16xf32>
        %min3A_1276 = arith.minimumf %add3A_1246, %add3A_1255 : vector<16xf32>
        %min3A_1277 = arith.minimumf %add3A_1264, %add3A_1273 : vector<16xf32>
        %min3A_1278 = arith.minimumf %min3A_1274, %min3A_1275 : vector<16xf32>
        %min3A_1279 = arith.minimumf %min3A_1276, %min3A_1277 : vector<16xf32>
        %min3A_1280 = arith.minimumf %min3A_1278, %min3A_1279 : vector<16xf32>
        %min3A_1281 = arith.minimumf %get3A_1201, %min3A_1280 : vector<16xf32>
        %add3A_1282 = arith.constant 9 : i32
        %add3A_1283 = arith.addi %mul3A_252, %add3A_1282 : i32
        %mul3A_1284 = arith.constant 16 : i32
        %mul3A_1285 = arith.muli %add3A_1283, %mul3A_1284 : i32
        %swap3A_1286 = arith.index_cast %mul3A_1285 : i32 to index
        %swap3A_1287 = tpu.vector_load %arg12[%swap3A_1286] {strides = array<i32>} : memref<1024xf32, #tpu.memory_space<vmem>>, vector<16xf32>,
        tpu.vector_store %arg12[%swap3A_1286], %min3A_1281 {strides = array<i32>} : memref<1024xf32, #tpu.memory_space<vmem>>, vector<16xf32>,
        %slice3A_1288 = vector.extract_strided_slice %mul3A_270 {offsets = [10], sizes = [1], strides = [1]} : vector<16xf32> to vector<1xf32>
        %squeeze3A_1289 = vector.extract %slice3A_1288[0] : f32 from vector<1xf32>
        %slice3A_1290 = vector.extract_strided_slice %mul3A_290 {offsets = [10], sizes = [1], strides = [1]} : vector<16xf32> to vector<1xf32>
        %squeeze3A_1291 = vector.extract %slice3A_1290[0] : f32 from vector<1xf32>
        %slice3A_1292 = vector.extract_strided_slice %mul3A_310 {offsets = [10], sizes = [1], strides = [1]} : vector<16xf32> to vector<1xf32>
        %squeeze3A_1293 = vector.extract %slice3A_1292[0] : f32 from vector<1xf32>
        %add3A_1294 = arith.constant 10 : i32
        %add3A_1295 = arith.addi %mul3A_252, %add3A_1294 : i32
        %mul3A_1296 = arith.constant 16 : i32
        %mul3A_1297 = arith.muli %add3A_1295, %mul3A_1296 : i32
        %get3A_1298 = arith.index_cast %mul3A_1297 : i32 to index
        %get3A_1299 = tpu.vector_load %arg12[%get3A_1298] {strides = array<i32>} : memref<1024xf32, #tpu.memory_space<vmem>>, vector<16xf32>,
        %mul3A_1300 = vector.broadcast %squeeze3A_1289 : f32 to vector<16xf32>
        %mul3A_1301 = arith.mulf %mul3A_1300, %get3A_116 : vector<16xf32>
        %add3A_1302 = arith.addf %get3A_212, %mul3A_1301 : vector<16xf32>
        %mul3A_1303 = vector.broadcast %squeeze3A_1291 : f32 to vector<16xf32>
        %mul3A_1304 = arith.mulf %mul3A_1303, %get3A_148 : vector<16xf32>
        %mul3A_1305 = vector.broadcast %squeeze3A_1293 : f32 to vector<16xf32>
        %mul3A_1306 = arith.mulf %mul3A_1305, %get3A_180 : vector<16xf32>
        %add3A_1307 = arith.addf %mul3A_1304, %mul3A_1306 : vector<16xf32>
        %add3A_1308 = arith.addf %add3A_1302, %add3A_1307 : vector<16xf32>
        %mul3A_1309 = vector.broadcast %squeeze3A_1289 : f32 to vector<16xf32>
        %mul3A_1310 = arith.mulf %mul3A_1309, %get3A_120 : vector<16xf32>
        %add3A_1311 = arith.addf %get3A_216, %mul3A_1310 : vector<16xf32>
        %mul3A_1312 = vector.broadcast %squeeze3A_1291 : f32 to vector<16xf32>
        %mul3A_1313 = arith.mulf %mul3A_1312, %get3A_152 : vector<16xf32>
        %mul3A_1314 = vector.broadcast %squeeze3A_1293 : f32 to vector<16xf32>
        %mul3A_1315 = arith.mulf %mul3A_1314, %get3A_184 : vector<16xf32>
        %add3A_1316 = arith.addf %mul3A_1313, %mul3A_1315 : vector<16xf32>
        %add3A_1317 = arith.addf %add3A_1311, %add3A_1316 : vector<16xf32>
        %mul3A_1318 = vector.broadcast %squeeze3A_1289 : f32 to vector<16xf32>
        %mul3A_1319 = arith.mulf %mul3A_1318, %get3A_124 : vector<16xf32>
        %add3A_1320 = arith.addf %get3A_220, %mul3A_1319 : vector<16xf32>
        %mul3A_1321 = vector.broadcast %squeeze3A_1291 : f32 to vector<16xf32>
        %mul3A_1322 = arith.mulf %mul3A_1321, %get3A_156 : vector<16xf32>
        %mul3A_1323 = vector.broadcast %squeeze3A_1293 : f32 to vector<16xf32>
        %mul3A_1324 = arith.mulf %mul3A_1323, %get3A_188 : vector<16xf32>
        %add3A_1325 = arith.addf %mul3A_1322, %mul3A_1324 : vector<16xf32>
        %add3A_1326 = arith.addf %add3A_1320, %add3A_1325 : vector<16xf32>
        %mul3A_1327 = vector.broadcast %squeeze3A_1289 : f32 to vector<16xf32>
        %mul3A_1328 = arith.mulf %mul3A_1327, %get3A_128 : vector<16xf32>
        %add3A_1329 = arith.addf %get3A_224, %mul3A_1328 : vector<16xf32>
        %mul3A_1330 = vector.broadcast %squeeze3A_1291 : f32 to vector<16xf32>
        %mul3A_1331 = arith.mulf %mul3A_1330, %get3A_160 : vector<16xf32>
        %mul3A_1332 = vector.broadcast %squeeze3A_1293 : f32 to vector<16xf32>
        %mul3A_1333 = arith.mulf %mul3A_1332, %get3A_192 : vector<16xf32>
        %add3A_1334 = arith.addf %mul3A_1331, %mul3A_1333 : vector<16xf32>
        %add3A_1335 = arith.addf %add3A_1329, %add3A_1334 : vector<16xf32>
        %mul3A_1336 = vector.broadcast %squeeze3A_1289 : f32 to vector<16xf32>
        %mul3A_1337 = arith.mulf %mul3A_1336, %get3A_132 : vector<16xf32>
        %add3A_1338 = arith.addf %get3A_228, %mul3A_1337 : vector<16xf32>
        %mul3A_1339 = vector.broadcast %squeeze3A_1291 : f32 to vector<16xf32>
        %mul3A_1340 = arith.mulf %mul3A_1339, %get3A_164 : vector<16xf32>
        %mul3A_1341 = vector.broadcast %squeeze3A_1293 : f32 to vector<16xf32>
        %mul3A_1342 = arith.mulf %mul3A_1341, %get3A_196 : vector<16xf32>
        %add3A_1343 = arith.addf %mul3A_1340, %mul3A_1342 : vector<16xf32>
        %add3A_1344 = arith.addf %add3A_1338, %add3A_1343 : vector<16xf32>
        %mul3A_1345 = vector.broadcast %squeeze3A_1289 : f32 to vector<16xf32>
        %mul3A_1346 = arith.mulf %mul3A_1345, %get3A_136 : vector<16xf32>
        %add3A_1347 = arith.addf %get3A_232, %mul3A_1346 : vector<16xf32>
        %mul3A_1348 = vector.broadcast %squeeze3A_1291 : f32 to vector<16xf32>
        %mul3A_1349 = arith.mulf %mul3A_1348, %get3A_168 : vector<16xf32>
        %mul3A_1350 = vector.broadcast %squeeze3A_1293 : f32 to vector<16xf32>
        %mul3A_1351 = arith.mulf %mul3A_1350, %get3A_200 : vector<16xf32>
        %add3A_1352 = arith.addf %mul3A_1349, %mul3A_1351 : vector<16xf32>
        %add3A_1353 = arith.addf %add3A_1347, %add3A_1352 : vector<16xf32>
        %mul3A_1354 = vector.broadcast %squeeze3A_1289 : f32 to vector<16xf32>
        %mul3A_1355 = arith.mulf %mul3A_1354, %get3A_140 : vector<16xf32>
        %add3A_1356 = arith.addf %get3A_236, %mul3A_1355 : vector<16xf32>
        %mul3A_1357 = vector.broadcast %squeeze3A_1291 : f32 to vector<16xf32>
        %mul3A_1358 = arith.mulf %mul3A_1357, %get3A_172 : vector<16xf32>
        %mul3A_1359 = vector.broadcast %squeeze3A_1293 : f32 to vector<16xf32>
        %mul3A_1360 = arith.mulf %mul3A_1359, %get3A_204 : vector<16xf32>
        %add3A_1361 = arith.addf %mul3A_1358, %mul3A_1360 : vector<16xf32>
        %add3A_1362 = arith.addf %add3A_1356, %add3A_1361 : vector<16xf32>
        %mul3A_1363 = vector.broadcast %squeeze3A_1289 : f32 to vector<16xf32>
        %mul3A_1364 = arith.mulf %mul3A_1363, %get3A_144 : vector<16xf32>
        %add3A_1365 = arith.addf %get3A_240, %mul3A_1364 : vector<16xf32>
        %mul3A_1366 = vector.broadcast %squeeze3A_1291 : f32 to vector<16xf32>
        %mul3A_1367 = arith.mulf %mul3A_1366, %get3A_176 : vector<16xf32>
        %mul3A_1368 = vector.broadcast %squeeze3A_1293 : f32 to vector<16xf32>
        %mul3A_1369 = arith.mulf %mul3A_1368, %get3A_208 : vector<16xf32>
        %add3A_1370 = arith.addf %mul3A_1367, %mul3A_1369 : vector<16xf32>
        %add3A_1371 = arith.addf %add3A_1365, %add3A_1370 : vector<16xf32>
        %min3A_1372 = arith.minimumf %add3A_1308, %add3A_1317 : vector<16xf32>
        %min3A_1373 = arith.minimumf %add3A_1326, %add3A_1335 : vector<16xf32>
        %min3A_1374 = arith.minimumf %add3A_1344, %add3A_1353 : vector<16xf32>
        %min3A_1375 = arith.minimumf %add3A_1362, %add3A_1371 : vector<16xf32>
        %min3A_1376 = arith.minimumf %min3A_1372, %min3A_1373 : vector<16xf32>
        %min3A_1377 = arith.minimumf %min3A_1374, %min3A_1375 : vector<16xf32>
        %min3A_1378 = arith.minimumf %min3A_1376, %min3A_1377 : vector<16xf32>
        %min3A_1379 = arith.minimumf %get3A_1299, %min3A_1378 : vector<16xf32>
        %add3A_1380 = arith.constant 10 : i32
        %add3A_1381 = arith.addi %mul3A_252, %add3A_1380 : i32
        %mul3A_1382 = arith.constant 16 : i32
        %mul3A_1383 = arith.muli %add3A_1381, %mul3A_1382 : i32
        %swap3A_1384 = arith.index_cast %mul3A_1383 : i32 to index
        %swap3A_1385 = tpu.vector_load %arg12[%swap3A_1384] {strides = array<i32>} : memref<1024xf32, #tpu.memory_space<vmem>>, vector<16xf32>,
        tpu.vector_store %arg12[%swap3A_1384], %min3A_1379 {strides = array<i32>} : memref<1024xf32, #tpu.memory_space<vmem>>, vector<16xf32>,
        %slice3A_1386 = vector.extract_strided_slice %mul3A_270 {offsets = [11], sizes = [1], strides = [1]} : vector<16xf32> to vector<1xf32>
        %squeeze3A_1387 = vector.extract %slice3A_1386[0] : f32 from vector<1xf32>
        %slice3A_1388 = vector.extract_strided_slice %mul3A_290 {offsets = [11], sizes = [1], strides = [1]} : vector<16xf32> to vector<1xf32>
        %squeeze3A_1389 = vector.extract %slice3A_1388[0] : f32 from vector<1xf32>
        %slice3A_1390 = vector.extract_strided_slice %mul3A_310 {offsets = [11], sizes = [1], strides = [1]} : vector<16xf32> to vector<1xf32>
        %squeeze3A_1391 = vector.extract %slice3A_1390[0] : f32 from vector<1xf32>
        %add3A_1392 = arith.constant 11 : i32
        %add3A_1393 = arith.addi %mul3A_252, %add3A_1392 : i32
        %mul3A_1394 = arith.constant 16 : i32
        %mul3A_1395 = arith.muli %add3A_1393, %mul3A_1394 : i32
        %get3A_1396 = arith.index_cast %mul3A_1395 : i32 to index
        %get3A_1397 = tpu.vector_load %arg12[%get3A_1396] {strides = array<i32>} : memref<1024xf32, #tpu.memory_space<vmem>>, vector<16xf32>,
        %mul3A_1398 = vector.broadcast %squeeze3A_1387 : f32 to vector<16xf32>
        %mul3A_1399 = arith.mulf %mul3A_1398, %get3A_116 : vector<16xf32>
        %add3A_1400 = arith.addf %get3A_212, %mul3A_1399 : vector<16xf32>
        %mul3A_1401 = vector.broadcast %squeeze3A_1389 : f32 to vector<16xf32>
        %mul3A_1402 = arith.mulf %mul3A_1401, %get3A_148 : vector<16xf32>
        %mul3A_1403 = vector.broadcast %squeeze3A_1391 : f32 to vector<16xf32>
        %mul3A_1404 = arith.mulf %mul3A_1403, %get3A_180 : vector<16xf32>
        %add3A_1405 = arith.addf %mul3A_1402, %mul3A_1404 : vector<16xf32>
        %add3A_1406 = arith.addf %add3A_1400, %add3A_1405 : vector<16xf32>
        %mul3A_1407 = vector.broadcast %squeeze3A_1387 : f32 to vector<16xf32>
        %mul3A_1408 = arith.mulf %mul3A_1407, %get3A_120 : vector<16xf32>
        %add3A_1409 = arith.addf %get3A_216, %mul3A_1408 : vector<16xf32>
        %mul3A_1410 = vector.broadcast %squeeze3A_1389 : f32 to vector<16xf32>
        %mul3A_1411 = arith.mulf %mul3A_1410, %get3A_152 : vector<16xf32>
        %mul3A_1412 = vector.broadcast %squeeze3A_1391 : f32 to vector<16xf32>
        %mul3A_1413 = arith.mulf %mul3A_1412, %get3A_184 : vector<16xf32>
        %add3A_1414 = arith.addf %mul3A_1411, %mul3A_1413 : vector<16xf32>
        %add3A_1415 = arith.addf %add3A_1409, %add3A_1414 : vector<16xf32>
        %mul3A_1416 = vector.broadcast %squeeze3A_1387 : f32 to vector<16xf32>
        %mul3A_1417 = arith.mulf %mul3A_1416, %get3A_124 : vector<16xf32>
        %add3A_1418 = arith.addf %get3A_220, %mul3A_1417 : vector<16xf32>
        %mul3A_1419 = vector.broadcast %squeeze3A_1389 : f32 to vector<16xf32>
        %mul3A_1420 = arith.mulf %mul3A_1419, %get3A_156 : vector<16xf32>
        %mul3A_1421 = vector.broadcast %squeeze3A_1391 : f32 to vector<16xf32>
        %mul3A_1422 = arith.mulf %mul3A_1421, %get3A_188 : vector<16xf32>
        %add3A_1423 = arith.addf %mul3A_1420, %mul3A_1422 : vector<16xf32>
        %add3A_1424 = arith.addf %add3A_1418, %add3A_1423 : vector<16xf32>
        %mul3A_1425 = vector.broadcast %squeeze3A_1387 : f32 to vector<16xf32>
        %mul3A_1426 = arith.mulf %mul3A_1425, %get3A_128 : vector<16xf32>
        %add3A_1427 = arith.addf %get3A_224, %mul3A_1426 : vector<16xf32>
        %mul3A_1428 = vector.broadcast %squeeze3A_1389 : f32 to vector<16xf32>
        %mul3A_1429 = arith.mulf %mul3A_1428, %get3A_160 : vector<16xf32>
        %mul3A_1430 = vector.broadcast %squeeze3A_1391 : f32 to vector<16xf32>
        %mul3A_1431 = arith.mulf %mul3A_1430, %get3A_192 : vector<16xf32>
        %add3A_1432 = arith.addf %mul3A_1429, %mul3A_1431 : vector<16xf32>
        %add3A_1433 = arith.addf %add3A_1427, %add3A_1432 : vector<16xf32>
        %mul3A_1434 = vector.broadcast %squeeze3A_1387 : f32 to vector<16xf32>
        %mul3A_1435 = arith.mulf %mul3A_1434, %get3A_132 : vector<16xf32>
        %add3A_1436 = arith.addf %get3A_228, %mul3A_1435 : vector<16xf32>
        %mul3A_1437 = vector.broadcast %squeeze3A_1389 : f32 to vector<16xf32>
        %mul3A_1438 = arith.mulf %mul3A_1437, %get3A_164 : vector<16xf32>
        %mul3A_1439 = vector.broadcast %squeeze3A_1391 : f32 to vector<16xf32>
        %mul3A_1440 = arith.mulf %mul3A_1439, %get3A_196 : vector<16xf32>
        %add3A_1441 = arith.addf %mul3A_1438, %mul3A_1440 : vector<16xf32>
        %add3A_1442 = arith.addf %add3A_1436, %add3A_1441 : vector<16xf32>
        %mul3A_1443 = vector.broadcast %squeeze3A_1387 : f32 to vector<16xf32>
        %mul3A_1444 = arith.mulf %mul3A_1443, %get3A_136 : vector<16xf32>
        %add3A_1445 = arith.addf %get3A_232, %mul3A_1444 : vector<16xf32>
        %mul3A_1446 = vector.broadcast %squeeze3A_1389 : f32 to vector<16xf32>
        %mul3A_1447 = arith.mulf %mul3A_1446, %get3A_168 : vector<16xf32>
        %mul3A_1448 = vector.broadcast %squeeze3A_1391 : f32 to vector<16xf32>
        %mul3A_1449 = arith.mulf %mul3A_1448, %get3A_200 : vector<16xf32>
        %add3A_1450 = arith.addf %mul3A_1447, %mul3A_1449 : vector<16xf32>
        %add3A_1451 = arith.addf %add3A_1445, %add3A_1450 : vector<16xf32>
        %mul3A_1452 = vector.broadcast %squeeze3A_1387 : f32 to vector<16xf32>
        %mul3A_1453 = arith.mulf %mul3A_1452, %get3A_140 : vector<16xf32>
        %add3A_1454 = arith.addf %get3A_236, %mul3A_1453 : vector<16xf32>
        %mul3A_1455 = vector.broadcast %squeeze3A_1389 : f32 to vector<16xf32>
        %mul3A_1456 = arith.mulf %mul3A_1455, %get3A_172 : vector<16xf32>
        %mul3A_1457 = vector.broadcast %squeeze3A_1391 : f32 to vector<16xf32>
        %mul3A_1458 = arith.mulf %mul3A_1457, %get3A_204 : vector<16xf32>
        %add3A_1459 = arith.addf %mul3A_1456, %mul3A_1458 : vector<16xf32>
        %add3A_1460 = arith.addf %add3A_1454, %add3A_1459 : vector<16xf32>
        %mul3A_1461 = vector.broadcast %squeeze3A_1387 : f32 to vector<16xf32>
        %mul3A_1462 = arith.mulf %mul3A_1461, %get3A_144 : vector<16xf32>
        %add3A_1463 = arith.addf %get3A_240, %mul3A_1462 : vector<16xf32>
        %mul3A_1464 = vector.broadcast %squeeze3A_1389 : f32 to vector<16xf32>
        %mul3A_1465 = arith.mulf %mul3A_1464, %get3A_176 : vector<16xf32>
        %mul3A_1466 = vector.broadcast %squeeze3A_1391 : f32 to vector<16xf32>
        %mul3A_1467 = arith.mulf %mul3A_1466, %get3A_208 : vector<16xf32>
        %add3A_1468 = arith.addf %mul3A_1465, %mul3A_1467 : vector<16xf32>
        %add3A_1469 = arith.addf %add3A_1463, %add3A_1468 : vector<16xf32>
        %min3A_1470 = arith.minimumf %add3A_1406, %add3A_1415 : vector<16xf32>
        %min3A_1471 = arith.minimumf %add3A_1424, %add3A_1433 : vector<16xf32>
        %min3A_1472 = arith.minimumf %add3A_1442, %add3A_1451 : vector<16xf32>
        %min3A_1473 = arith.minimumf %add3A_1460, %add3A_1469 : vector<16xf32>
        %min3A_1474 = arith.minimumf %min3A_1470, %min3A_1471 : vector<16xf32>
        %min3A_1475 = arith.minimumf %min3A_1472, %min3A_1473 : vector<16xf32>
        %min3A_1476 = arith.minimumf %min3A_1474, %min3A_1475 : vector<16xf32>
        %min3A_1477 = arith.minimumf %get3A_1397, %min3A_1476 : vector<16xf32>
        %add3A_1478 = arith.constant 11 : i32
        %add3A_1479 = arith.addi %mul3A_252, %add3A_1478 : i32
        %mul3A_1480 = arith.constant 16 : i32
        %mul3A_1481 = arith.muli %add3A_1479, %mul3A_1480 : i32
        %swap3A_1482 = arith.index_cast %mul3A_1481 : i32 to index
        %swap3A_1483 = tpu.vector_load %arg12[%swap3A_1482] {strides = array<i32>} : memref<1024xf32, #tpu.memory_space<vmem>>, vector<16xf32>,
        tpu.vector_store %arg12[%swap3A_1482], %min3A_1477 {strides = array<i32>} : memref<1024xf32, #tpu.memory_space<vmem>>, vector<16xf32>,
        %slice3A_1484 = vector.extract_strided_slice %mul3A_270 {offsets = [12], sizes = [1], strides = [1]} : vector<16xf32> to vector<1xf32>
        %squeeze3A_1485 = vector.extract %slice3A_1484[0] : f32 from vector<1xf32>
        %slice3A_1486 = vector.extract_strided_slice %mul3A_290 {offsets = [12], sizes = [1], strides = [1]} : vector<16xf32> to vector<1xf32>
        %squeeze3A_1487 = vector.extract %slice3A_1486[0] : f32 from vector<1xf32>
        %slice3A_1488 = vector.extract_strided_slice %mul3A_310 {offsets = [12], sizes = [1], strides = [1]} : vector<16xf32> to vector<1xf32>
        %squeeze3A_1489 = vector.extract %slice3A_1488[0] : f32 from vector<1xf32>
        %add3A_1490 = arith.constant 12 : i32
        %add3A_1491 = arith.addi %mul3A_252, %add3A_1490 : i32
        %mul3A_1492 = arith.constant 16 : i32
        %mul3A_1493 = arith.muli %add3A_1491, %mul3A_1492 : i32
        %get3A_1494 = arith.index_cast %mul3A_1493 : i32 to index
        %get3A_1495 = tpu.vector_load %arg12[%get3A_1494] {strides = array<i32>} : memref<1024xf32, #tpu.memory_space<vmem>>, vector<16xf32>,
        %mul3A_1496 = vector.broadcast %squeeze3A_1485 : f32 to vector<16xf32>
        %mul3A_1497 = arith.mulf %mul3A_1496, %get3A_116 : vector<16xf32>
        %add3A_1498 = arith.addf %get3A_212, %mul3A_1497 : vector<16xf32>
        %mul3A_1499 = vector.broadcast %squeeze3A_1487 : f32 to vector<16xf32>
        %mul3A_1500 = arith.mulf %mul3A_1499, %get3A_148 : vector<16xf32>
        %mul3A_1501 = vector.broadcast %squeeze3A_1489 : f32 to vector<16xf32>
        %mul3A_1502 = arith.mulf %mul3A_1501, %get3A_180 : vector<16xf32>
        %add3A_1503 = arith.addf %mul3A_1500, %mul3A_1502 : vector<16xf32>
        %add3A_1504 = arith.addf %add3A_1498, %add3A_1503 : vector<16xf32>
        %mul3A_1505 = vector.broadcast %squeeze3A_1485 : f32 to vector<16xf32>
        %mul3A_1506 = arith.mulf %mul3A_1505, %get3A_120 : vector<16xf32>
        %add3A_1507 = arith.addf %get3A_216, %mul3A_1506 : vector<16xf32>
        %mul3A_1508 = vector.broadcast %squeeze3A_1487 : f32 to vector<16xf32>
        %mul3A_1509 = arith.mulf %mul3A_1508, %get3A_152 : vector<16xf32>
        %mul3A_1510 = vector.broadcast %squeeze3A_1489 : f32 to vector<16xf32>
        %mul3A_1511 = arith.mulf %mul3A_1510, %get3A_184 : vector<16xf32>
        %add3A_1512 = arith.addf %mul3A_1509, %mul3A_1511 : vector<16xf32>
        %add3A_1513 = arith.addf %add3A_1507, %add3A_1512 : vector<16xf32>
        %mul3A_1514 = vector.broadcast %squeeze3A_1485 : f32 to vector<16xf32>
        %mul3A_1515 = arith.mulf %mul3A_1514, %get3A_124 : vector<16xf32>
        %add3A_1516 = arith.addf %get3A_220, %mul3A_1515 : vector<16xf32>
        %mul3A_1517 = vector.broadcast %squeeze3A_1487 : f32 to vector<16xf32>
        %mul3A_1518 = arith.mulf %mul3A_1517, %get3A_156 : vector<16xf32>
        %mul3A_1519 = vector.broadcast %squeeze3A_1489 : f32 to vector<16xf32>
        %mul3A_1520 = arith.mulf %mul3A_1519, %get3A_188 : vector<16xf32>
        %add3A_1521 = arith.addf %mul3A_1518, %mul3A_1520 : vector<16xf32>
        %add3A_1522 = arith.addf %add3A_1516, %add3A_1521 : vector<16xf32>
        %mul3A_1523 = vector.broadcast %squeeze3A_1485 : f32 to vector<16xf32>
        %mul3A_1524 = arith.mulf %mul3A_1523, %get3A_128 : vector<16xf32>
        %add3A_1525 = arith.addf %get3A_224, %mul3A_1524 : vector<16xf32>
        %mul3A_1526 = vector.broadcast %squeeze3A_1487 : f32 to vector<16xf32>
        %mul3A_1527 = arith.mulf %mul3A_1526, %get3A_160 : vector<16xf32>
        %mul3A_1528 = vector.broadcast %squeeze3A_1489 : f32 to vector<16xf32>
        %mul3A_1529 = arith.mulf %mul3A_1528, %get3A_192 : vector<16xf32>
        %add3A_1530 = arith.addf %mul3A_1527, %mul3A_1529 : vector<16xf32>
        %add3A_1531 = arith.addf %add3A_1525, %add3A_1530 : vector<16xf32>
        %mul3A_1532 = vector.broadcast %squeeze3A_1485 : f32 to vector<16xf32>
        %mul3A_1533 = arith.mulf %mul3A_1532, %get3A_132 : vector<16xf32>
        %add3A_1534 = arith.addf %get3A_228, %mul3A_1533 : vector<16xf32>
        %mul3A_1535 = vector.broadcast %squeeze3A_1487 : f32 to vector<16xf32>
        %mul3A_1536 = arith.mulf %mul3A_1535, %get3A_164 : vector<16xf32>
        %mul3A_1537 = vector.broadcast %squeeze3A_1489 : f32 to vector<16xf32>
        %mul3A_1538 = arith.mulf %mul3A_1537, %get3A_196 : vector<16xf32>
        %add3A_1539 = arith.addf %mul3A_1536, %mul3A_1538 : vector<16xf32>
        %add3A_1540 = arith.addf %add3A_1534, %add3A_1539 : vector<16xf32>
        %mul3A_1541 = vector.broadcast %squeeze3A_1485 : f32 to vector<16xf32>
        %mul3A_1542 = arith.mulf %mul3A_1541, %get3A_136 : vector<16xf32>
        %add3A_1543 = arith.addf %get3A_232, %mul3A_1542 : vector<16xf32>
        %mul3A_1544 = vector.broadcast %squeeze3A_1487 : f32 to vector<16xf32>
        %mul3A_1545 = arith.mulf %mul3A_1544, %get3A_168 : vector<16xf32>
        %mul3A_1546 = vector.broadcast %squeeze3A_1489 : f32 to vector<16xf32>
        %mul3A_1547 = arith.mulf %mul3A_1546, %get3A_200 : vector<16xf32>
        %add3A_1548 = arith.addf %mul3A_1545, %mul3A_1547 : vector<16xf32>
        %add3A_1549 = arith.addf %add3A_1543, %add3A_1548 : vector<16xf32>
        %mul3A_1550 = vector.broadcast %squeeze3A_1485 : f32 to vector<16xf32>
        %mul3A_1551 = arith.mulf %mul3A_1550, %get3A_140 : vector<16xf32>
        %add3A_1552 = arith.addf %get3A_236, %mul3A_1551 : vector<16xf32>
        %mul3A_1553 = vector.broadcast %squeeze3A_1487 : f32 to vector<16xf32>
        %mul3A_1554 = arith.mulf %mul3A_1553, %get3A_172 : vector<16xf32>
        %mul3A_1555 = vector.broadcast %squeeze3A_1489 : f32 to vector<16xf32>
        %mul3A_1556 = arith.mulf %mul3A_1555, %get3A_204 : vector<16xf32>
        %add3A_1557 = arith.addf %mul3A_1554, %mul3A_1556 : vector<16xf32>
        %add3A_1558 = arith.addf %add3A_1552, %add3A_1557 : vector<16xf32>
        %mul3A_1559 = vector.broadcast %squeeze3A_1485 : f32 to vector<16xf32>
        %mul3A_1560 = arith.mulf %mul3A_1559, %get3A_144 : vector<16xf32>
        %add3A_1561 = arith.addf %get3A_240, %mul3A_1560 : vector<16xf32>
        %mul3A_1562 = vector.broadcast %squeeze3A_1487 : f32 to vector<16xf32>
        %mul3A_1563 = arith.mulf %mul3A_1562, %get3A_176 : vector<16xf32>
        %mul3A_1564 = vector.broadcast %squeeze3A_1489 : f32 to vector<16xf32>
        %mul3A_1565 = arith.mulf %mul3A_1564, %get3A_208 : vector<16xf32>
        %add3A_1566 = arith.addf %mul3A_1563, %mul3A_1565 : vector<16xf32>
        %add3A_1567 = arith.addf %add3A_1561, %add3A_1566 : vector<16xf32>
        %min3A_1568 = arith.minimumf %add3A_1504, %add3A_1513 : vector<16xf32>
        %min3A_1569 = arith.minimumf %add3A_1522, %add3A_1531 : vector<16xf32>
        %min3A_1570 = arith.minimumf %add3A_1540, %add3A_1549 : vector<16xf32>
        %min3A_1571 = arith.minimumf %add3A_1558, %add3A_1567 : vector<16xf32>
        %min3A_1572 = arith.minimumf %min3A_1568, %min3A_1569 : vector<16xf32>
        %min3A_1573 = arith.minimumf %min3A_1570, %min3A_1571 : vector<16xf32>
        %min3A_1574 = arith.minimumf %min3A_1572, %min3A_1573 : vector<16xf32>
        %min3A_1575 = arith.minimumf %get3A_1495, %min3A_1574 : vector<16xf32>
        %add3A_1576 = arith.constant 12 : i32
        %add3A_1577 = arith.addi %mul3A_252, %add3A_1576 : i32
        %mul3A_1578 = arith.constant 16 : i32
        %mul3A_1579 = arith.muli %add3A_1577, %mul3A_1578 : i32
        %swap3A_1580 = arith.index_cast %mul3A_1579 : i32 to index
        %swap3A_1581 = tpu.vector_load %arg12[%swap3A_1580] {strides = array<i32>} : memref<1024xf32, #tpu.memory_space<vmem>>, vector<16xf32>,
        tpu.vector_store %arg12[%swap3A_1580], %min3A_1575 {strides = array<i32>} : memref<1024xf32, #tpu.memory_space<vmem>>, vector<16xf32>,
        %slice3A_1582 = vector.extract_strided_slice %mul3A_270 {offsets = [13], sizes = [1], strides = [1]} : vector<16xf32> to vector<1xf32>
        %squeeze3A_1583 = vector.extract %slice3A_1582[0] : f32 from vector<1xf32>
        %slice3A_1584 = vector.extract_strided_slice %mul3A_290 {offsets = [13], sizes = [1], strides = [1]} : vector<16xf32> to vector<1xf32>
        %squeeze3A_1585 = vector.extract %slice3A_1584[0] : f32 from vector<1xf32>
        %slice3A_1586 = vector.extract_strided_slice %mul3A_310 {offsets = [13], sizes = [1], strides = [1]} : vector<16xf32> to vector<1xf32>
        %squeeze3A_1587 = vector.extract %slice3A_1586[0] : f32 from vector<1xf32>
        %add3A_1588 = arith.constant 13 : i32
        %add3A_1589 = arith.addi %mul3A_252, %add3A_1588 : i32
        %mul3A_1590 = arith.constant 16 : i32
        %mul3A_1591 = arith.muli %add3A_1589, %mul3A_1590 : i32
        %get3A_1592 = arith.index_cast %mul3A_1591 : i32 to index
        %get3A_1593 = tpu.vector_load %arg12[%get3A_1592] {strides = array<i32>} : memref<1024xf32, #tpu.memory_space<vmem>>, vector<16xf32>,
        %mul3A_1594 = vector.broadcast %squeeze3A_1583 : f32 to vector<16xf32>
        %mul3A_1595 = arith.mulf %mul3A_1594, %get3A_116 : vector<16xf32>
        %add3A_1596 = arith.addf %get3A_212, %mul3A_1595 : vector<16xf32>
        %mul3A_1597 = vector.broadcast %squeeze3A_1585 : f32 to vector<16xf32>
        %mul3A_1598 = arith.mulf %mul3A_1597, %get3A_148 : vector<16xf32>
        %mul3A_1599 = vector.broadcast %squeeze3A_1587 : f32 to vector<16xf32>
        %mul3A_1600 = arith.mulf %mul3A_1599, %get3A_180 : vector<16xf32>
        %add3A_1601 = arith.addf %mul3A_1598, %mul3A_1600 : vector<16xf32>
        %add3A_1602 = arith.addf %add3A_1596, %add3A_1601 : vector<16xf32>
        %mul3A_1603 = vector.broadcast %squeeze3A_1583 : f32 to vector<16xf32>
        %mul3A_1604 = arith.mulf %mul3A_1603, %get3A_120 : vector<16xf32>
        %add3A_1605 = arith.addf %get3A_216, %mul3A_1604 : vector<16xf32>
        %mul3A_1606 = vector.broadcast %squeeze3A_1585 : f32 to vector<16xf32>
        %mul3A_1607 = arith.mulf %mul3A_1606, %get3A_152 : vector<16xf32>
        %mul3A_1608 = vector.broadcast %squeeze3A_1587 : f32 to vector<16xf32>
        %mul3A_1609 = arith.mulf %mul3A_1608, %get3A_184 : vector<16xf32>
        %add3A_1610 = arith.addf %mul3A_1607, %mul3A_1609 : vector<16xf32>
        %add3A_1611 = arith.addf %add3A_1605, %add3A_1610 : vector<16xf32>
        %mul3A_1612 = vector.broadcast %squeeze3A_1583 : f32 to vector<16xf32>
        %mul3A_1613 = arith.mulf %mul3A_1612, %get3A_124 : vector<16xf32>
        %add3A_1614 = arith.addf %get3A_220, %mul3A_1613 : vector<16xf32>
        %mul3A_1615 = vector.broadcast %squeeze3A_1585 : f32 to vector<16xf32>
        %mul3A_1616 = arith.mulf %mul3A_1615, %get3A_156 : vector<16xf32>
        %mul3A_1617 = vector.broadcast %squeeze3A_1587 : f32 to vector<16xf32>
        %mul3A_1618 = arith.mulf %mul3A_1617, %get3A_188 : vector<16xf32>
        %add3A_1619 = arith.addf %mul3A_1616, %mul3A_1618 : vector<16xf32>
        %add3A_1620 = arith.addf %add3A_1614, %add3A_1619 : vector<16xf32>
        %mul3A_1621 = vector.broadcast %squeeze3A_1583 : f32 to vector<16xf32>
        %mul3A_1622 = arith.mulf %mul3A_1621, %get3A_128 : vector<16xf32>
        %add3A_1623 = arith.addf %get3A_224, %mul3A_1622 : vector<16xf32>
        %mul3A_1624 = vector.broadcast %squeeze3A_1585 : f32 to vector<16xf32>
        %mul3A_1625 = arith.mulf %mul3A_1624, %get3A_160 : vector<16xf32>
        %mul3A_1626 = vector.broadcast %squeeze3A_1587 : f32 to vector<16xf32>
        %mul3A_1627 = arith.mulf %mul3A_1626, %get3A_192 : vector<16xf32>
        %add3A_1628 = arith.addf %mul3A_1625, %mul3A_1627 : vector<16xf32>
        %add3A_1629 = arith.addf %add3A_1623, %add3A_1628 : vector<16xf32>
        %mul3A_1630 = vector.broadcast %squeeze3A_1583 : f32 to vector<16xf32>
        %mul3A_1631 = arith.mulf %mul3A_1630, %get3A_132 : vector<16xf32>
        %add3A_1632 = arith.addf %get3A_228, %mul3A_1631 : vector<16xf32>
        %mul3A_1633 = vector.broadcast %squeeze3A_1585 : f32 to vector<16xf32>
        %mul3A_1634 = arith.mulf %mul3A_1633, %get3A_164 : vector<16xf32>
        %mul3A_1635 = vector.broadcast %squeeze3A_1587 : f32 to vector<16xf32>
        %mul3A_1636 = arith.mulf %mul3A_1635, %get3A_196 : vector<16xf32>
        %add3A_1637 = arith.addf %mul3A_1634, %mul3A_1636 : vector<16xf32>
        %add3A_1638 = arith.addf %add3A_1632, %add3A_1637 : vector<16xf32>
        %mul3A_1639 = vector.broadcast %squeeze3A_1583 : f32 to vector<16xf32>
        %mul3A_1640 = arith.mulf %mul3A_1639, %get3A_136 : vector<16xf32>
        %add3A_1641 = arith.addf %get3A_232, %mul3A_1640 : vector<16xf32>
        %mul3A_1642 = vector.broadcast %squeeze3A_1585 : f32 to vector<16xf32>
        %mul3A_1643 = arith.mulf %mul3A_1642, %get3A_168 : vector<16xf32>
        %mul3A_1644 = vector.broadcast %squeeze3A_1587 : f32 to vector<16xf32>
        %mul3A_1645 = arith.mulf %mul3A_1644, %get3A_200 : vector<16xf32>
        %add3A_1646 = arith.addf %mul3A_1643, %mul3A_1645 : vector<16xf32>
        %add3A_1647 = arith.addf %add3A_1641, %add3A_1646 : vector<16xf32>
        %mul3A_1648 = vector.broadcast %squeeze3A_1583 : f32 to vector<16xf32>
        %mul3A_1649 = arith.mulf %mul3A_1648, %get3A_140 : vector<16xf32>
        %add3A_1650 = arith.addf %get3A_236, %mul3A_1649 : vector<16xf32>
        %mul3A_1651 = vector.broadcast %squeeze3A_1585 : f32 to vector<16xf32>
        %mul3A_1652 = arith.mulf %mul3A_1651, %get3A_172 : vector<16xf32>
        %mul3A_1653 = vector.broadcast %squeeze3A_1587 : f32 to vector<16xf32>
        %mul3A_1654 = arith.mulf %mul3A_1653, %get3A_204 : vector<16xf32>
        %add3A_1655 = arith.addf %mul3A_1652, %mul3A_1654 : vector<16xf32>
        %add3A_1656 = arith.addf %add3A_1650, %add3A_1655 : vector<16xf32>
        %mul3A_1657 = vector.broadcast %squeeze3A_1583 : f32 to vector<16xf32>
        %mul3A_1658 = arith.mulf %mul3A_1657, %get3A_144 : vector<16xf32>
        %add3A_1659 = arith.addf %get3A_240, %mul3A_1658 : vector<16xf32>
        %mul3A_1660 = vector.broadcast %squeeze3A_1585 : f32 to vector<16xf32>
        %mul3A_1661 = arith.mulf %mul3A_1660, %get3A_176 : vector<16xf32>
        %mul3A_1662 = vector.broadcast %squeeze3A_1587 : f32 to vector<16xf32>
        %mul3A_1663 = arith.mulf %mul3A_1662, %get3A_208 : vector<16xf32>
        %add3A_1664 = arith.addf %mul3A_1661, %mul3A_1663 : vector<16xf32>
        %add3A_1665 = arith.addf %add3A_1659, %add3A_1664 : vector<16xf32>
        %min3A_1666 = arith.minimumf %add3A_1602, %add3A_1611 : vector<16xf32>
        %min3A_1667 = arith.minimumf %add3A_1620, %add3A_1629 : vector<16xf32>
        %min3A_1668 = arith.minimumf %add3A_1638, %add3A_1647 : vector<16xf32>
        %min3A_1669 = arith.minimumf %add3A_1656, %add3A_1665 : vector<16xf32>
        %min3A_1670 = arith.minimumf %min3A_1666, %min3A_1667 : vector<16xf32>
        %min3A_1671 = arith.minimumf %min3A_1668, %min3A_1669 : vector<16xf32>
        %min3A_1672 = arith.minimumf %min3A_1670, %min3A_1671 : vector<16xf32>
        %min3A_1673 = arith.minimumf %get3A_1593, %min3A_1672 : vector<16xf32>
        %add3A_1674 = arith.constant 13 : i32
        %add3A_1675 = arith.addi %mul3A_252, %add3A_1674 : i32
        %mul3A_1676 = arith.constant 16 : i32
        %mul3A_1677 = arith.muli %add3A_1675, %mul3A_1676 : i32
        %swap3A_1678 = arith.index_cast %mul3A_1677 : i32 to index
        %swap3A_1679 = tpu.vector_load %arg12[%swap3A_1678] {strides = array<i32>} : memref<1024xf32, #tpu.memory_space<vmem>>, vector<16xf32>,
        tpu.vector_store %arg12[%swap3A_1678], %min3A_1673 {strides = array<i32>} : memref<1024xf32, #tpu.memory_space<vmem>>, vector<16xf32>,
        %slice3A_1680 = vector.extract_strided_slice %mul3A_270 {offsets = [14], sizes = [1], strides = [1]} : vector<16xf32> to vector<1xf32>
        %squeeze3A_1681 = vector.extract %slice3A_1680[0] : f32 from vector<1xf32>
        %slice3A_1682 = vector.extract_strided_slice %mul3A_290 {offsets = [14], sizes = [1], strides = [1]} : vector<16xf32> to vector<1xf32>
        %squeeze3A_1683 = vector.extract %slice3A_1682[0] : f32 from vector<1xf32>
        %slice3A_1684 = vector.extract_strided_slice %mul3A_310 {offsets = [14], sizes = [1], strides = [1]} : vector<16xf32> to vector<1xf32>
        %squeeze3A_1685 = vector.extract %slice3A_1684[0] : f32 from vector<1xf32>
        %add3A_1686 = arith.constant 14 : i32
        %add3A_1687 = arith.addi %mul3A_252, %add3A_1686 : i32
        %mul3A_1688 = arith.constant 16 : i32
        %mul3A_1689 = arith.muli %add3A_1687, %mul3A_1688 : i32
        %get3A_1690 = arith.index_cast %mul3A_1689 : i32 to index
        %get3A_1691 = tpu.vector_load %arg12[%get3A_1690] {strides = array<i32>} : memref<1024xf32, #tpu.memory_space<vmem>>, vector<16xf32>,
        %mul3A_1692 = vector.broadcast %squeeze3A_1681 : f32 to vector<16xf32>
        %mul3A_1693 = arith.mulf %mul3A_1692, %get3A_116 : vector<16xf32>
        %add3A_1694 = arith.addf %get3A_212, %mul3A_1693 : vector<16xf32>
        %mul3A_1695 = vector.broadcast %squeeze3A_1683 : f32 to vector<16xf32>
        %mul3A_1696 = arith.mulf %mul3A_1695, %get3A_148 : vector<16xf32>
        %mul3A_1697 = vector.broadcast %squeeze3A_1685 : f32 to vector<16xf32>
        %mul3A_1698 = arith.mulf %mul3A_1697, %get3A_180 : vector<16xf32>
        %add3A_1699 = arith.addf %mul3A_1696, %mul3A_1698 : vector<16xf32>
        %add3A_1700 = arith.addf %add3A_1694, %add3A_1699 : vector<16xf32>
        %mul3A_1701 = vector.broadcast %squeeze3A_1681 : f32 to vector<16xf32>
        %mul3A_1702 = arith.mulf %mul3A_1701, %get3A_120 : vector<16xf32>
        %add3A_1703 = arith.addf %get3A_216, %mul3A_1702 : vector<16xf32>
        %mul3A_1704 = vector.broadcast %squeeze3A_1683 : f32 to vector<16xf32>
        %mul3A_1705 = arith.mulf %mul3A_1704, %get3A_152 : vector<16xf32>
        %mul3A_1706 = vector.broadcast %squeeze3A_1685 : f32 to vector<16xf32>
        %mul3A_1707 = arith.mulf %mul3A_1706, %get3A_184 : vector<16xf32>
        %add3A_1708 = arith.addf %mul3A_1705, %mul3A_1707 : vector<16xf32>
        %add3A_1709 = arith.addf %add3A_1703, %add3A_1708 : vector<16xf32>
        %mul3A_1710 = vector.broadcast %squeeze3A_1681 : f32 to vector<16xf32>
        %mul3A_1711 = arith.mulf %mul3A_1710, %get3A_124 : vector<16xf32>
        %add3A_1712 = arith.addf %get3A_220, %mul3A_1711 : vector<16xf32>
        %mul3A_1713 = vector.broadcast %squeeze3A_1683 : f32 to vector<16xf32>
        %mul3A_1714 = arith.mulf %mul3A_1713, %get3A_156 : vector<16xf32>
        %mul3A_1715 = vector.broadcast %squeeze3A_1685 : f32 to vector<16xf32>
        %mul3A_1716 = arith.mulf %mul3A_1715, %get3A_188 : vector<16xf32>
        %add3A_1717 = arith.addf %mul3A_1714, %mul3A_1716 : vector<16xf32>
        %add3A_1718 = arith.addf %add3A_1712, %add3A_1717 : vector<16xf32>
        %mul3A_1719 = vector.broadcast %squeeze3A_1681 : f32 to vector<16xf32>
        %mul3A_1720 = arith.mulf %mul3A_1719, %get3A_128 : vector<16xf32>
        %add3A_1721 = arith.addf %get3A_224, %mul3A_1720 : vector<16xf32>
        %mul3A_1722 = vector.broadcast %squeeze3A_1683 : f32 to vector<16xf32>
        %mul3A_1723 = arith.mulf %mul3A_1722, %get3A_160 : vector<16xf32>
        %mul3A_1724 = vector.broadcast %squeeze3A_1685 : f32 to vector<16xf32>
        %mul3A_1725 = arith.mulf %mul3A_1724, %get3A_192 : vector<16xf32>
        %add3A_1726 = arith.addf %mul3A_1723, %mul3A_1725 : vector<16xf32>
        %add3A_1727 = arith.addf %add3A_1721, %add3A_1726 : vector<16xf32>
        %mul3A_1728 = vector.broadcast %squeeze3A_1681 : f32 to vector<16xf32>
        %mul3A_1729 = arith.mulf %mul3A_1728, %get3A_132 : vector<16xf32>
        %add3A_1730 = arith.addf %get3A_228, %mul3A_1729 : vector<16xf32>
        %mul3A_1731 = vector.broadcast %squeeze3A_1683 : f32 to vector<16xf32>
        %mul3A_1732 = arith.mulf %mul3A_1731, %get3A_164 : vector<16xf32>
        %mul3A_1733 = vector.broadcast %squeeze3A_1685 : f32 to vector<16xf32>
        %mul3A_1734 = arith.mulf %mul3A_1733, %get3A_196 : vector<16xf32>
        %add3A_1735 = arith.addf %mul3A_1732, %mul3A_1734 : vector<16xf32>
        %add3A_1736 = arith.addf %add3A_1730, %add3A_1735 : vector<16xf32>
        %mul3A_1737 = vector.broadcast %squeeze3A_1681 : f32 to vector<16xf32>
        %mul3A_1738 = arith.mulf %mul3A_1737, %get3A_136 : vector<16xf32>
        %add3A_1739 = arith.addf %get3A_232, %mul3A_1738 : vector<16xf32>
        %mul3A_1740 = vector.broadcast %squeeze3A_1683 : f32 to vector<16xf32>
        %mul3A_1741 = arith.mulf %mul3A_1740, %get3A_168 : vector<16xf32>
        %mul3A_1742 = vector.broadcast %squeeze3A_1685 : f32 to vector<16xf32>
        %mul3A_1743 = arith.mulf %mul3A_1742, %get3A_200 : vector<16xf32>
        %add3A_1744 = arith.addf %mul3A_1741, %mul3A_1743 : vector<16xf32>
        %add3A_1745 = arith.addf %add3A_1739, %add3A_1744 : vector<16xf32>
        %mul3A_1746 = vector.broadcast %squeeze3A_1681 : f32 to vector<16xf32>
        %mul3A_1747 = arith.mulf %mul3A_1746, %get3A_140 : vector<16xf32>
        %add3A_1748 = arith.addf %get3A_236, %mul3A_1747 : vector<16xf32>
        %mul3A_1749 = vector.broadcast %squeeze3A_1683 : f32 to vector<16xf32>
        %mul3A_1750 = arith.mulf %mul3A_1749, %get3A_172 : vector<16xf32>
        %mul3A_1751 = vector.broadcast %squeeze3A_1685 : f32 to vector<16xf32>
        %mul3A_1752 = arith.mulf %mul3A_1751, %get3A_204 : vector<16xf32>
        %add3A_1753 = arith.addf %mul3A_1750, %mul3A_1752 : vector<16xf32>
        %add3A_1754 = arith.addf %add3A_1748, %add3A_1753 : vector<16xf32>
        %mul3A_1755 = vector.broadcast %squeeze3A_1681 : f32 to vector<16xf32>
        %mul3A_1756 = arith.mulf %mul3A_1755, %get3A_144 : vector<16xf32>
        %add3A_1757 = arith.addf %get3A_240, %mul3A_1756 : vector<16xf32>
        %mul3A_1758 = vector.broadcast %squeeze3A_1683 : f32 to vector<16xf32>
        %mul3A_1759 = arith.mulf %mul3A_1758, %get3A_176 : vector<16xf32>
        %mul3A_1760 = vector.broadcast %squeeze3A_1685 : f32 to vector<16xf32>
        %mul3A_1761 = arith.mulf %mul3A_1760, %get3A_208 : vector<16xf32>
        %add3A_1762 = arith.addf %mul3A_1759, %mul3A_1761 : vector<16xf32>
        %add3A_1763 = arith.addf %add3A_1757, %add3A_1762 : vector<16xf32>
        %min3A_1764 = arith.minimumf %add3A_1700, %add3A_1709 : vector<16xf32>
        %min3A_1765 = arith.minimumf %add3A_1718, %add3A_1727 : vector<16xf32>
        %min3A_1766 = arith.minimumf %add3A_1736, %add3A_1745 : vector<16xf32>
        %min3A_1767 = arith.minimumf %add3A_1754, %add3A_1763 : vector<16xf32>
        %min3A_1768 = arith.minimumf %min3A_1764, %min3A_1765 : vector<16xf32>
        %min3A_1769 = arith.minimumf %min3A_1766, %min3A_1767 : vector<16xf32>
        %min3A_1770 = arith.minimumf %min3A_1768, %min3A_1769 : vector<16xf32>
        %min3A_1771 = arith.minimumf %get3A_1691, %min3A_1770 : vector<16xf32>
        %add3A_1772 = arith.constant 14 : i32
        %add3A_1773 = arith.addi %mul3A_252, %add3A_1772 : i32
        %mul3A_1774 = arith.constant 16 : i32
        %mul3A_1775 = arith.muli %add3A_1773, %mul3A_1774 : i32
        %swap3A_1776 = arith.index_cast %mul3A_1775 : i32 to index
        %swap3A_1777 = tpu.vector_load %arg12[%swap3A_1776] {strides = array<i32>} : memref<1024xf32, #tpu.memory_space<vmem>>, vector<16xf32>,
        tpu.vector_store %arg12[%swap3A_1776], %min3A_1771 {strides = array<i32>} : memref<1024xf32, #tpu.memory_space<vmem>>, vector<16xf32>,
        %slice3A_1778 = vector.extract_strided_slice %mul3A_270 {offsets = [15], sizes = [1], strides = [1]} : vector<16xf32> to vector<1xf32>
        %squeeze3A_1779 = vector.extract %slice3A_1778[0] : f32 from vector<1xf32>
        %slice3A_1780 = vector.extract_strided_slice %mul3A_290 {offsets = [15], sizes = [1], strides = [1]} : vector<16xf32> to vector<1xf32>
        %squeeze3A_1781 = vector.extract %slice3A_1780[0] : f32 from vector<1xf32>
        %slice3A_1782 = vector.extract_strided_slice %mul3A_310 {offsets = [15], sizes = [1], strides = [1]} : vector<16xf32> to vector<1xf32>
        %squeeze3A_1783 = vector.extract %slice3A_1782[0] : f32 from vector<1xf32>
        %add3A_1784 = arith.constant 15 : i32
        %add3A_1785 = arith.addi %mul3A_252, %add3A_1784 : i32
        %mul3A_1786 = arith.constant 16 : i32
        %mul3A_1787 = arith.muli %add3A_1785, %mul3A_1786 : i32
        %get3A_1788 = arith.index_cast %mul3A_1787 : i32 to index
        %get3A_1789 = tpu.vector_load %arg12[%get3A_1788] {strides = array<i32>} : memref<1024xf32, #tpu.memory_space<vmem>>, vector<16xf32>,
        %mul3A_1790 = vector.broadcast %squeeze3A_1779 : f32 to vector<16xf32>
        %mul3A_1791 = arith.mulf %mul3A_1790, %get3A_116 : vector<16xf32>
        %add3A_1792 = arith.addf %get3A_212, %mul3A_1791 : vector<16xf32>
        %mul3A_1793 = vector.broadcast %squeeze3A_1781 : f32 to vector<16xf32>
        %mul3A_1794 = arith.mulf %mul3A_1793, %get3A_148 : vector<16xf32>
        %mul3A_1795 = vector.broadcast %squeeze3A_1783 : f32 to vector<16xf32>
        %mul3A_1796 = arith.mulf %mul3A_1795, %get3A_180 : vector<16xf32>
        %add3A_1797 = arith.addf %mul3A_1794, %mul3A_1796 : vector<16xf32>
        %add3A_1798 = arith.addf %add3A_1792, %add3A_1797 : vector<16xf32>
        %mul3A_1799 = vector.broadcast %squeeze3A_1779 : f32 to vector<16xf32>
        %mul3A_1800 = arith.mulf %mul3A_1799, %get3A_120 : vector<16xf32>
        %add3A_1801 = arith.addf %get3A_216, %mul3A_1800 : vector<16xf32>
        %mul3A_1802 = vector.broadcast %squeeze3A_1781 : f32 to vector<16xf32>
        %mul3A_1803 = arith.mulf %mul3A_1802, %get3A_152 : vector<16xf32>
        %mul3A_1804 = vector.broadcast %squeeze3A_1783 : f32 to vector<16xf32>
        %mul3A_1805 = arith.mulf %mul3A_1804, %get3A_184 : vector<16xf32>
        %add3A_1806 = arith.addf %mul3A_1803, %mul3A_1805 : vector<16xf32>
        %add3A_1807 = arith.addf %add3A_1801, %add3A_1806 : vector<16xf32>
        %mul3A_1808 = vector.broadcast %squeeze3A_1779 : f32 to vector<16xf32>
        %mul3A_1809 = arith.mulf %mul3A_1808, %get3A_124 : vector<16xf32>
        %add3A_1810 = arith.addf %get3A_220, %mul3A_1809 : vector<16xf32>
        %mul3A_1811 = vector.broadcast %squeeze3A_1781 : f32 to vector<16xf32>
        %mul3A_1812 = arith.mulf %mul3A_1811, %get3A_156 : vector<16xf32>
        %mul3A_1813 = vector.broadcast %squeeze3A_1783 : f32 to vector<16xf32>
        %mul3A_1814 = arith.mulf %mul3A_1813, %get3A_188 : vector<16xf32>
        %add3A_1815 = arith.addf %mul3A_1812, %mul3A_1814 : vector<16xf32>
        %add3A_1816 = arith.addf %add3A_1810, %add3A_1815 : vector<16xf32>
        %mul3A_1817 = vector.broadcast %squeeze3A_1779 : f32 to vector<16xf32>
        %mul3A_1818 = arith.mulf %mul3A_1817, %get3A_128 : vector<16xf32>
        %add3A_1819 = arith.addf %get3A_224, %mul3A_1818 : vector<16xf32>
        %mul3A_1820 = vector.broadcast %squeeze3A_1781 : f32 to vector<16xf32>
        %mul3A_1821 = arith.mulf %mul3A_1820, %get3A_160 : vector<16xf32>
        %mul3A_1822 = vector.broadcast %squeeze3A_1783 : f32 to vector<16xf32>
        %mul3A_1823 = arith.mulf %mul3A_1822, %get3A_192 : vector<16xf32>
        %add3A_1824 = arith.addf %mul3A_1821, %mul3A_1823 : vector<16xf32>
        %add3A_1825 = arith.addf %add3A_1819, %add3A_1824 : vector<16xf32>
        %mul3A_1826 = vector.broadcast %squeeze3A_1779 : f32 to vector<16xf32>
        %mul3A_1827 = arith.mulf %mul3A_1826, %get3A_132 : vector<16xf32>
        %add3A_1828 = arith.addf %get3A_228, %mul3A_1827 : vector<16xf32>
        %mul3A_1829 = vector.broadcast %squeeze3A_1781 : f32 to vector<16xf32>
        %mul3A_1830 = arith.mulf %mul3A_1829, %get3A_164 : vector<16xf32>
        %mul3A_1831 = vector.broadcast %squeeze3A_1783 : f32 to vector<16xf32>
        %mul3A_1832 = arith.mulf %mul3A_1831, %get3A_196 : vector<16xf32>
        %add3A_1833 = arith.addf %mul3A_1830, %mul3A_1832 : vector<16xf32>
        %add3A_1834 = arith.addf %add3A_1828, %add3A_1833 : vector<16xf32>
        %mul3A_1835 = vector.broadcast %squeeze3A_1779 : f32 to vector<16xf32>
        %mul3A_1836 = arith.mulf %mul3A_1835, %get3A_136 : vector<16xf32>
        %add3A_1837 = arith.addf %get3A_232, %mul3A_1836 : vector<16xf32>
        %mul3A_1838 = vector.broadcast %squeeze3A_1781 : f32 to vector<16xf32>
        %mul3A_1839 = arith.mulf %mul3A_1838, %get3A_168 : vector<16xf32>
        %mul3A_1840 = vector.broadcast %squeeze3A_1783 : f32 to vector<16xf32>
        %mul3A_1841 = arith.mulf %mul3A_1840, %get3A_200 : vector<16xf32>
        %add3A_1842 = arith.addf %mul3A_1839, %mul3A_1841 : vector<16xf32>
        %add3A_1843 = arith.addf %add3A_1837, %add3A_1842 : vector<16xf32>
        %mul3A_1844 = vector.broadcast %squeeze3A_1779 : f32 to vector<16xf32>
        %mul3A_1845 = arith.mulf %mul3A_1844, %get3A_140 : vector<16xf32>
        %add3A_1846 = arith.addf %get3A_236, %mul3A_1845 : vector<16xf32>
        %mul3A_1847 = vector.broadcast %squeeze3A_1781 : f32 to vector<16xf32>
        %mul3A_1848 = arith.mulf %mul3A_1847, %get3A_172 : vector<16xf32>
        %mul3A_1849 = vector.broadcast %squeeze3A_1783 : f32 to vector<16xf32>
        %mul3A_1850 = arith.mulf %mul3A_1849, %get3A_204 : vector<16xf32>
        %add3A_1851 = arith.addf %mul3A_1848, %mul3A_1850 : vector<16xf32>
        %add3A_1852 = arith.addf %add3A_1846, %add3A_1851 : vector<16xf32>
        %mul3A_1853 = vector.broadcast %squeeze3A_1779 : f32 to vector<16xf32>
        %mul3A_1854 = arith.mulf %mul3A_1853, %get3A_144 : vector<16xf32>
        %add3A_1855 = arith.addf %get3A_240, %mul3A_1854 : vector<16xf32>
        %mul3A_1856 = vector.broadcast %squeeze3A_1781 : f32 to vector<16xf32>
        %mul3A_1857 = arith.mulf %mul3A_1856, %get3A_176 : vector<16xf32>
        %mul3A_1858 = vector.broadcast %squeeze3A_1783 : f32 to vector<16xf32>
        %mul3A_1859 = arith.mulf %mul3A_1858, %get3A_208 : vector<16xf32>
        %add3A_1860 = arith.addf %mul3A_1857, %mul3A_1859 : vector<16xf32>
        %add3A_1861 = arith.addf %add3A_1855, %add3A_1860 : vector<16xf32>
        %min3A_1862 = arith.minimumf %add3A_1798, %add3A_1807 : vector<16xf32>
        %min3A_1863 = arith.minimumf %add3A_1816, %add3A_1825 : vector<16xf32>
        %min3A_1864 = arith.minimumf %add3A_1834, %add3A_1843 : vector<16xf32>
        %min3A_1865 = arith.minimumf %add3A_1852, %add3A_1861 : vector<16xf32>
        %min3A_1866 = arith.minimumf %min3A_1862, %min3A_1863 : vector<16xf32>
        %min3A_1867 = arith.minimumf %min3A_1864, %min3A_1865 : vector<16xf32>
        %min3A_1868 = arith.minimumf %min3A_1866, %min3A_1867 : vector<16xf32>
        %min3A_1869 = arith.minimumf %get3A_1789, %min3A_1868 : vector<16xf32>
        %add3A_1870 = arith.constant 15 : i32
        %add3A_1871 = arith.addi %mul3A_252, %add3A_1870 : i32
        %mul3A_1872 = arith.constant 16 : i32
        %mul3A_1873 = arith.muli %add3A_1871, %mul3A_1872 : i32
        %swap3A_1874 = arith.index_cast %mul3A_1873 : i32 to index
        %swap3A_1875 = tpu.vector_load %arg12[%swap3A_1874] {strides = array<i32>} : memref<1024xf32, #tpu.memory_space<vmem>>, vector<16xf32>,
        tpu.vector_store %arg12[%swap3A_1874], %min3A_1869 {strides = array<i32>} : memref<1024xf32, #tpu.memory_space<vmem>>, vector<16xf32>,
        %scan3A_1876 = arith.constant 0 : i32
        scf.yield %scan3A_1876 : i32
      }
      %scan3A_247 = arith.constant 4 : i32
      %scan3A_248 = arith.constant 0 : i32
      scf.yield %scan3A_248 : i32
    }
    %scan3A_94 = arith.constant 32 : i32
    %broadcast_in_dim3A_95 = arith.constant 0.000000e+00 : f32
    %broadcast_in_dim3A_96 = vector.broadcast %broadcast_in_dim3A_95 : f32 to vector<16xf32>
    %scan3A_97 = arith.constant 0 : i32
    %scan3A_98 = arith.constant 4 : i32
    %scan3A_99 = arith.addi %scan3A_97, %scan3A_98 : i32
    %scan3A_100 = arith.constant 1 : i32
    %scan3A_101:2 = scf.for %scan3A_110 = %scan3A_97 to %scan3A_99 step %scan3A_100 iter_args(%scan3A_111 = %broadcast_in_dim3A_96, %scan3A_112 = %broadcast_in_dim3A_96) -> (vector<16xf32>, vector<16xf32>)  : i32 {
      %mul3A_113 = arith.constant 16 : i32
      %mul3A_114 = arith.muli %scan3A_110, %mul3A_113 : i32
      %get3A = arith.index_cast %mul3A_114 : i32 to index
      %get3A_115 = tpu.vector_load %arg9[%get3A] {strides = array<i32>} : memref<64xf32, #tpu.memory_space<vmem>>, vector<16xf32>,
      %get3A_116 = arith.index_cast %mul3A_114 : i32 to index
      %get3A_117 = tpu.vector_load %arg10[%get3A_116] {strides = array<i32>} : memref<64xf32, #tpu.memory_space<vmem>>, vector<16xf32>,
      %get3A_118 = arith.index_cast %mul3A_114 : i32 to index
      %get3A_119 = tpu.vector_load %arg11[%get3A_118] {strides = array<i32>} : memref<64xf32, #tpu.memory_space<vmem>>, vector<16xf32>,
      %mul3A_120 = arith.mulf %get3A_115, %get3A_115 : vector<16xf32>
      %mul3A_121 = arith.mulf %get3A_117, %get3A_117 : vector<16xf32>
      %add3A_122 = arith.addf %mul3A_120, %mul3A_121 : vector<16xf32>
      %mul3A_123 = arith.mulf %get3A_119, %get3A_119 : vector<16xf32>
      %add3A_124 = arith.addf %add3A_122, %mul3A_123 : vector<16xf32>
      %eq3A_125 = arith.constant 0.000000e+00 : f32
      %eq3A_126 = vector.broadcast %eq3A_125 : f32 to vector<16xf32>
      %eq3A_127 = arith.cmpf oeq, %get3A_115, %eq3A_126 : vector<16xf32>
      %eq3A_128 = arith.constant 0.000000e+00 : f32
      %eq3A_129 = vector.broadcast %eq3A_128 : f32 to vector<16xf32>
      %eq3A_130 = arith.cmpf oeq, %get3A_117, %eq3A_129 : vector<16xf32>
      %and3A_131 = arith.andi %eq3A_127, %eq3A_130 : vector<16xi1>
      %eq3A_132 = arith.constant 0.000000e+00 : f32
      %eq3A_133 = vector.broadcast %eq3A_132 : f32 to vector<16xf32>
      %eq3A_134 = arith.cmpf oeq, %get3A_119, %eq3A_133 : vector<16xf32>
      %and3A_135 = arith.andi %and3A_131, %eq3A_134 : vector<16xi1>
      %not3A = arith.constant dense<true> : vector<16xi1>
      %not3A_136 = arith.xori %and3A_135, %not3A : vector<16xi1>
      %jit3A_137 = arith.constant 1.000000e+00 : f32
      %jit3A_138 = arith.constant 0.000000e+00 : f32
      %broadcast_in_dim3A_139 = vector.broadcast %jit3A_137 : f32 to vector<16xf32>
      %broadcast_in_dim3A_140 = vector.broadcast %jit3A_138 : f32 to vector<16xf32>
      %select_n3A_141 = arith.select %not3A_136, %broadcast_in_dim3A_139, %broadcast_in_dim3A_140 : vector<16xi1>, vector<16xf32>
      %iota3A = tpu.iota {dimensions = array<i32: 0>} : vector<16xi32>
      %broadcast_in_dim3A_142 = arith.constant 0.000000e+00 : f32
      %broadcast_in_dim3A_143 = vector.broadcast %broadcast_in_dim3A_142 : f32 to vector<16xf32>
      %add3A_144 = arith.constant 0 : i32
      %add3A_145 = arith.addi %mul3A_114, %add3A_144 : i32
      %mul3A_146 = arith.constant 16 : i32
      %mul3A_147 = arith.muli %add3A_145, %mul3A_146 : i32
      %get3A_148 = arith.index_cast %mul3A_147 : i32 to index
      %get3A_149 = tpu.vector_load %arg12[%get3A_148] {strides = array<i32>} : memref<1024xf32, #tpu.memory_space<vmem>>, vector<16xf32>,
      %eq3A_150 = arith.constant 0 : i32
      %eq3A_151 = vector.broadcast %eq3A_150 : i32 to vector<16xi32>
      %eq3A_152 = arith.cmpi eq, %iota3A, %eq3A_151 : vector<16xi32>
      %sort3A = arith.constant dense<true> : vector<16xi1>
      %sort3A_153, %sort3A_154, %sort3A_155 = tpu.sort %get3A_149, %get3A_149 masked %sort3A : (vector<16xf32>, vector<16xf32>, vector<16xi1>) -> (vector<16xi1>, vector<16xf32>, vector<16xf32>)
      %slice3A = vector.extract_strided_slice %sort3A_154 {offsets = [0], sizes = [1], strides = [1]} : vector<16xf32> to vector<1xf32>
      %squeeze3A = vector.extract %slice3A[0] : f32 from vector<1xf32>
      %broadcast_in_dim3A_156 = vector.broadcast %squeeze3A : f32 to vector<16xf32>
      %select_n3A_157 = arith.select %eq3A_152, %broadcast_in_dim3A_156, %broadcast_in_dim3A_143 : vector<16xi1>, vector<16xf32>
      %add3A_158 = arith.constant 1 : i32
      %add3A_159 = arith.addi %mul3A_114, %add3A_158 : i32
      %mul3A_160 = arith.constant 16 : i32
      %mul3A_161 = arith.muli %add3A_159, %mul3A_160 : i32
      %get3A_162 = arith.index_cast %mul3A_161 : i32 to index
      %get3A_163 = tpu.vector_load %arg12[%get3A_162] {strides = array<i32>} : memref<1024xf32, #tpu.memory_space<vmem>>, vector<16xf32>,
      %eq3A_164 = arith.constant 1 : i32
      %eq3A_165 = vector.broadcast %eq3A_164 : i32 to vector<16xi32>
      %eq3A_166 = arith.cmpi eq, %iota3A, %eq3A_165 : vector<16xi32>
      %sort3A_167 = arith.constant dense<true> : vector<16xi1>
      %sort3A_168, %sort3A_169, %sort3A_170 = tpu.sort %get3A_163, %get3A_163 masked %sort3A_167 : (vector<16xf32>, vector<16xf32>, vector<16xi1>) -> (vector<16xi1>, vector<16xf32>, vector<16xf32>)
      %slice3A_171 = vector.extract_strided_slice %sort3A_169 {offsets = [0], sizes = [1], strides = [1]} : vector<16xf32> to vector<1xf32>
      %squeeze3A_172 = vector.extract %slice3A_171[0] : f32 from vector<1xf32>
      %broadcast_in_dim3A_173 = vector.broadcast %squeeze3A_172 : f32 to vector<16xf32>
      %select_n3A_174 = arith.select %eq3A_166, %broadcast_in_dim3A_173, %select_n3A_157 : vector<16xi1>, vector<16xf32>
      %add3A_175 = arith.constant 2 : i32
      %add3A_176 = arith.addi %mul3A_114, %add3A_175 : i32
      %mul3A_177 = arith.constant 16 : i32
      %mul3A_178 = arith.muli %add3A_176, %mul3A_177 : i32
      %get3A_179 = arith.index_cast %mul3A_178 : i32 to index
      %get3A_180 = tpu.vector_load %arg12[%get3A_179] {strides = array<i32>} : memref<1024xf32, #tpu.memory_space<vmem>>, vector<16xf32>,
      %eq3A_181 = arith.constant 2 : i32
      %eq3A_182 = vector.broadcast %eq3A_181 : i32 to vector<16xi32>
      %eq3A_183 = arith.cmpi eq, %iota3A, %eq3A_182 : vector<16xi32>
      %sort3A_184 = arith.constant dense<true> : vector<16xi1>
      %sort3A_185, %sort3A_186, %sort3A_187 = tpu.sort %get3A_180, %get3A_180 masked %sort3A_184 : (vector<16xf32>, vector<16xf32>, vector<16xi1>) -> (vector<16xi1>, vector<16xf32>, vector<16xf32>)
      %slice3A_188 = vector.extract_strided_slice %sort3A_186 {offsets = [0], sizes = [1], strides = [1]} : vector<16xf32> to vector<1xf32>
      %squeeze3A_189 = vector.extract %slice3A_188[0] : f32 from vector<1xf32>
      %broadcast_in_dim3A_190 = vector.broadcast %squeeze3A_189 : f32 to vector<16xf32>
      %select_n3A_191 = arith.select %eq3A_183, %broadcast_in_dim3A_190, %select_n3A_174 : vector<16xi1>, vector<16xf32>
      %add3A_192 = arith.constant 3 : i32
      %add3A_193 = arith.addi %mul3A_114, %add3A_192 : i32
      %mul3A_194 = arith.constant 16 : i32
      %mul3A_195 = arith.muli %add3A_193, %mul3A_194 : i32
      %get3A_196 = arith.index_cast %mul3A_195 : i32 to index
      %get3A_197 = tpu.vector_load %arg12[%get3A_196] {strides = array<i32>} : memref<1024xf32, #tpu.memory_space<vmem>>, vector<16xf32>,
      %eq3A_198 = arith.constant 3 : i32
      %eq3A_199 = vector.broadcast %eq3A_198 : i32 to vector<16xi32>
      %eq3A_200 = arith.cmpi eq, %iota3A, %eq3A_199 : vector<16xi32>
      %sort3A_201 = arith.constant dense<true> : vector<16xi1>
      %sort3A_202, %sort3A_203, %sort3A_204 = tpu.sort %get3A_197, %get3A_197 masked %sort3A_201 : (vector<16xf32>, vector<16xf32>, vector<16xi1>) -> (vector<16xi1>, vector<16xf32>, vector<16xf32>)
      %slice3A_205 = vector.extract_strided_slice %sort3A_203 {offsets = [0], sizes = [1], strides = [1]} : vector<16xf32> to vector<1xf32>
      %squeeze3A_206 = vector.extract %slice3A_205[0] : f32 from vector<1xf32>
      %broadcast_in_dim3A_207 = vector.broadcast %squeeze3A_206 : f32 to vector<16xf32>
      %select_n3A_208 = arith.select %eq3A_200, %broadcast_in_dim3A_207, %select_n3A_191 : vector<16xi1>, vector<16xf32>
      %add3A_209 = arith.constant 4 : i32
      %add3A_210 = arith.addi %mul3A_114, %add3A_209 : i32
      %mul3A_211 = arith.constant 16 : i32
      %mul3A_212 = arith.muli %add3A_210, %mul3A_211 : i32
      %get3A_213 = arith.index_cast %mul3A_212 : i32 to index
      %get3A_214 = tpu.vector_load %arg12[%get3A_213] {strides = array<i32>} : memref<1024xf32, #tpu.memory_space<vmem>>, vector<16xf32>,
      %eq3A_215 = arith.constant 4 : i32
      %eq3A_216 = vector.broadcast %eq3A_215 : i32 to vector<16xi32>
      %eq3A_217 = arith.cmpi eq, %iota3A, %eq3A_216 : vector<16xi32>
      %sort3A_218 = arith.constant dense<true> : vector<16xi1>
      %sort3A_219, %sort3A_220, %sort3A_221 = tpu.sort %get3A_214, %get3A_214 masked %sort3A_218 : (vector<16xf32>, vector<16xf32>, vector<16xi1>) -> (vector<16xi1>, vector<16xf32>, vector<16xf32>)
      %slice3A_222 = vector.extract_strided_slice %sort3A_220 {offsets = [0], sizes = [1], strides = [1]} : vector<16xf32> to vector<1xf32>
      %squeeze3A_223 = vector.extract %slice3A_222[0] : f32 from vector<1xf32>
      %broadcast_in_dim3A_224 = vector.broadcast %squeeze3A_223 : f32 to vector<16xf32>
      %select_n3A_225 = arith.select %eq3A_217, %broadcast_in_dim3A_224, %select_n3A_208 : vector<16xi1>, vector<16xf32>
      %add3A_226 = arith.constant 5 : i32
      %add3A_227 = arith.addi %mul3A_114, %add3A_226 : i32
      %mul3A_228 = arith.constant 16 : i32
      %mul3A_229 = arith.muli %add3A_227, %mul3A_228 : i32
      %get3A_230 = arith.index_cast %mul3A_229 : i32 to index
      %get3A_231 = tpu.vector_load %arg12[%get3A_230] {strides = array<i32>} : memref<1024xf32, #tpu.memory_space<vmem>>, vector<16xf32>,
      %eq3A_232 = arith.constant 5 : i32
      %eq3A_233 = vector.broadcast %eq3A_232 : i32 to vector<16xi32>
      %eq3A_234 = arith.cmpi eq, %iota3A, %eq3A_233 : vector<16xi32>
      %sort3A_235 = arith.constant dense<true> : vector<16xi1>
      %sort3A_236, %sort3A_237, %sort3A_238 = tpu.sort %get3A_231, %get3A_231 masked %sort3A_235 : (vector<16xf32>, vector<16xf32>, vector<16xi1>) -> (vector<16xi1>, vector<16xf32>, vector<16xf32>)
      %slice3A_239 = vector.extract_strided_slice %sort3A_237 {offsets = [0], sizes = [1], strides = [1]} : vector<16xf32> to vector<1xf32>
      %squeeze3A_240 = vector.extract %slice3A_239[0] : f32 from vector<1xf32>
      %broadcast_in_dim3A_241 = vector.broadcast %squeeze3A_240 : f32 to vector<16xf32>
      %select_n3A_242 = arith.select %eq3A_234, %broadcast_in_dim3A_241, %select_n3A_225 : vector<16xi1>, vector<16xf32>
      %add3A_243 = arith.constant 6 : i32
      %add3A_244 = arith.addi %mul3A_114, %add3A_243 : i32
      %mul3A_245 = arith.constant 16 : i32
      %mul3A_246 = arith.muli %add3A_244, %mul3A_245 : i32
      %get3A_247 = arith.index_cast %mul3A_246 : i32 to index
      %get3A_248 = tpu.vector_load %arg12[%get3A_247] {strides = array<i32>} : memref<1024xf32, #tpu.memory_space<vmem>>, vector<16xf32>,
      %eq3A_249 = arith.constant 6 : i32
      %eq3A_250 = vector.broadcast %eq3A_249 : i32 to vector<16xi32>
      %eq3A_251 = arith.cmpi eq, %iota3A, %eq3A_250 : vector<16xi32>
      %sort3A_252 = arith.constant dense<true> : vector<16xi1>
      %sort3A_253, %sort3A_254, %sort3A_255 = tpu.sort %get3A_248, %get3A_248 masked %sort3A_252 : (vector<16xf32>, vector<16xf32>, vector<16xi1>) -> (vector<16xi1>, vector<16xf32>, vector<16xf32>)
      %slice3A_256 = vector.extract_strided_slice %sort3A_254 {offsets = [0], sizes = [1], strides = [1]} : vector<16xf32> to vector<1xf32>
      %squeeze3A_257 = vector.extract %slice3A_256[0] : f32 from vector<1xf32>
      %broadcast_in_dim3A_258 = vector.broadcast %squeeze3A_257 : f32 to vector<16xf32>
      %select_n3A_259 = arith.select %eq3A_251, %broadcast_in_dim3A_258, %select_n3A_242 : vector<16xi1>, vector<16xf32>
      %add3A_260 = arith.constant 7 : i32
      %add3A_261 = arith.addi %mul3A_114, %add3A_260 : i32
      %mul3A_262 = arith.constant 16 : i32
      %mul3A_263 = arith.muli %add3A_261, %mul3A_262 : i32
      %get3A_264 = arith.index_cast %mul3A_263 : i32 to index
      %get3A_265 = tpu.vector_load %arg12[%get3A_264] {strides = array<i32>} : memref<1024xf32, #tpu.memory_space<vmem>>, vector<16xf32>,
      %eq3A_266 = arith.constant 7 : i32
      %eq3A_267 = vector.broadcast %eq3A_266 : i32 to vector<16xi32>
      %eq3A_268 = arith.cmpi eq, %iota3A, %eq3A_267 : vector<16xi32>
      %sort3A_269 = arith.constant dense<true> : vector<16xi1>
      %sort3A_270, %sort3A_271, %sort3A_272 = tpu.sort %get3A_265, %get3A_265 masked %sort3A_269 : (vector<16xf32>, vector<16xf32>, vector<16xi1>) -> (vector<16xi1>, vector<16xf32>, vector<16xf32>)
      %slice3A_273 = vector.extract_strided_slice %sort3A_271 {offsets = [0], sizes = [1], strides = [1]} : vector<16xf32> to vector<1xf32>
      %squeeze3A_274 = vector.extract %slice3A_273[0] : f32 from vector<1xf32>
      %broadcast_in_dim3A_275 = vector.broadcast %squeeze3A_274 : f32 to vector<16xf32>
      %select_n3A_276 = arith.select %eq3A_268, %broadcast_in_dim3A_275, %select_n3A_259 : vector<16xi1>, vector<16xf32>
      %add3A_277 = arith.constant 8 : i32
      %add3A_278 = arith.addi %mul3A_114, %add3A_277 : i32
      %mul3A_279 = arith.constant 16 : i32
      %mul3A_280 = arith.muli %add3A_278, %mul3A_279 : i32
      %get3A_281 = arith.index_cast %mul3A_280 : i32 to index
      %get3A_282 = tpu.vector_load %arg12[%get3A_281] {strides = array<i32>} : memref<1024xf32, #tpu.memory_space<vmem>>, vector<16xf32>,
      %eq3A_283 = arith.constant 8 : i32
      %eq3A_284 = vector.broadcast %eq3A_283 : i32 to vector<16xi32>
      %eq3A_285 = arith.cmpi eq, %iota3A, %eq3A_284 : vector<16xi32>
      %sort3A_286 = arith.constant dense<true> : vector<16xi1>
      %sort3A_287, %sort3A_288, %sort3A_289 = tpu.sort %get3A_282, %get3A_282 masked %sort3A_286 : (vector<16xf32>, vector<16xf32>, vector<16xi1>) -> (vector<16xi1>, vector<16xf32>, vector<16xf32>)
      %slice3A_290 = vector.extract_strided_slice %sort3A_288 {offsets = [0], sizes = [1], strides = [1]} : vector<16xf32> to vector<1xf32>
      %squeeze3A_291 = vector.extract %slice3A_290[0] : f32 from vector<1xf32>
      %broadcast_in_dim3A_292 = vector.broadcast %squeeze3A_291 : f32 to vector<16xf32>
      %select_n3A_293 = arith.select %eq3A_285, %broadcast_in_dim3A_292, %select_n3A_276 : vector<16xi1>, vector<16xf32>
      %add3A_294 = arith.constant 9 : i32
      %add3A_295 = arith.addi %mul3A_114, %add3A_294 : i32
      %mul3A_296 = arith.constant 16 : i32
      %mul3A_297 = arith.muli %add3A_295, %mul3A_296 : i32
      %get3A_298 = arith.index_cast %mul3A_297 : i32 to index
      %get3A_299 = tpu.vector_load %arg12[%get3A_298] {strides = array<i32>} : memref<1024xf32, #tpu.memory_space<vmem>>, vector<16xf32>,
      %eq3A_300 = arith.constant 9 : i32
      %eq3A_301 = vector.broadcast %eq3A_300 : i32 to vector<16xi32>
      %eq3A_302 = arith.cmpi eq, %iota3A, %eq3A_301 : vector<16xi32>
      %sort3A_303 = arith.constant dense<true> : vector<16xi1>
      %sort3A_304, %sort3A_305, %sort3A_306 = tpu.sort %get3A_299, %get3A_299 masked %sort3A_303 : (vector<16xf32>, vector<16xf32>, vector<16xi1>) -> (vector<16xi1>, vector<16xf32>, vector<16xf32>)
      %slice3A_307 = vector.extract_strided_slice %sort3A_305 {offsets = [0], sizes = [1], strides = [1]} : vector<16xf32> to vector<1xf32>
      %squeeze3A_308 = vector.extract %slice3A_307[0] : f32 from vector<1xf32>
      %broadcast_in_dim3A_309 = vector.broadcast %squeeze3A_308 : f32 to vector<16xf32>
      %select_n3A_310 = arith.select %eq3A_302, %broadcast_in_dim3A_309, %select_n3A_293 : vector<16xi1>, vector<16xf32>
      %add3A_311 = arith.constant 10 : i32
      %add3A_312 = arith.addi %mul3A_114, %add3A_311 : i32
      %mul3A_313 = arith.constant 16 : i32
      %mul3A_314 = arith.muli %add3A_312, %mul3A_313 : i32
      %get3A_315 = arith.index_cast %mul3A_314 : i32 to index
      %get3A_316 = tpu.vector_load %arg12[%get3A_315] {strides = array<i32>} : memref<1024xf32, #tpu.memory_space<vmem>>, vector<16xf32>,
      %eq3A_317 = arith.constant 10 : i32
      %eq3A_318 = vector.broadcast %eq3A_317 : i32 to vector<16xi32>
      %eq3A_319 = arith.cmpi eq, %iota3A, %eq3A_318 : vector<16xi32>
      %sort3A_320 = arith.constant dense<true> : vector<16xi1>
      %sort3A_321, %sort3A_322, %sort3A_323 = tpu.sort %get3A_316, %get3A_316 masked %sort3A_320 : (vector<16xf32>, vector<16xf32>, vector<16xi1>) -> (vector<16xi1>, vector<16xf32>, vector<16xf32>)
      %slice3A_324 = vector.extract_strided_slice %sort3A_322 {offsets = [0], sizes = [1], strides = [1]} : vector<16xf32> to vector<1xf32>
      %squeeze3A_325 = vector.extract %slice3A_324[0] : f32 from vector<1xf32>
      %broadcast_in_dim3A_326 = vector.broadcast %squeeze3A_325 : f32 to vector<16xf32>
      %select_n3A_327 = arith.select %eq3A_319, %broadcast_in_dim3A_326, %select_n3A_310 : vector<16xi1>, vector<16xf32>
      %add3A_328 = arith.constant 11 : i32
      %add3A_329 = arith.addi %mul3A_114, %add3A_328 : i32
      %mul3A_330 = arith.constant 16 : i32
      %mul3A_331 = arith.muli %add3A_329, %mul3A_330 : i32
      %get3A_332 = arith.index_cast %mul3A_331 : i32 to index
      %get3A_333 = tpu.vector_load %arg12[%get3A_332] {strides = array<i32>} : memref<1024xf32, #tpu.memory_space<vmem>>, vector<16xf32>,
      %eq3A_334 = arith.constant 11 : i32
      %eq3A_335 = vector.broadcast %eq3A_334 : i32 to vector<16xi32>
      %eq3A_336 = arith.cmpi eq, %iota3A, %eq3A_335 : vector<16xi32>
      %sort3A_337 = arith.constant dense<true> : vector<16xi1>
      %sort3A_338, %sort3A_339, %sort3A_340 = tpu.sort %get3A_333, %get3A_333 masked %sort3A_337 : (vector<16xf32>, vector<16xf32>, vector<16xi1>) -> (vector<16xi1>, vector<16xf32>, vector<16xf32>)
      %slice3A_341 = vector.extract_strided_slice %sort3A_339 {offsets = [0], sizes = [1], strides = [1]} : vector<16xf32> to vector<1xf32>
      %squeeze3A_342 = vector.extract %slice3A_341[0] : f32 from vector<1xf32>
      %broadcast_in_dim3A_343 = vector.broadcast %squeeze3A_342 : f32 to vector<16xf32>
      %select_n3A_344 = arith.select %eq3A_336, %broadcast_in_dim3A_343, %select_n3A_327 : vector<16xi1>, vector<16xf32>
      %add3A_345 = arith.constant 12 : i32
      %add3A_346 = arith.addi %mul3A_114, %add3A_345 : i32
      %mul3A_347 = arith.constant 16 : i32
      %mul3A_348 = arith.muli %add3A_346, %mul3A_347 : i32
      %get3A_349 = arith.index_cast %mul3A_348 : i32 to index
      %get3A_350 = tpu.vector_load %arg12[%get3A_349] {strides = array<i32>} : memref<1024xf32, #tpu.memory_space<vmem>>, vector<16xf32>,
      %eq3A_351 = arith.constant 12 : i32
      %eq3A_352 = vector.broadcast %eq3A_351 : i32 to vector<16xi32>
      %eq3A_353 = arith.cmpi eq, %iota3A, %eq3A_352 : vector<16xi32>
      %sort3A_354 = arith.constant dense<true> : vector<16xi1>
      %sort3A_355, %sort3A_356, %sort3A_357 = tpu.sort %get3A_350, %get3A_350 masked %sort3A_354 : (vector<16xf32>, vector<16xf32>, vector<16xi1>) -> (vector<16xi1>, vector<16xf32>, vector<16xf32>)
      %slice3A_358 = vector.extract_strided_slice %sort3A_356 {offsets = [0], sizes = [1], strides = [1]} : vector<16xf32> to vector<1xf32>
      %squeeze3A_359 = vector.extract %slice3A_358[0] : f32 from vector<1xf32>
      %broadcast_in_dim3A_360 = vector.broadcast %squeeze3A_359 : f32 to vector<16xf32>
      %select_n3A_361 = arith.select %eq3A_353, %broadcast_in_dim3A_360, %select_n3A_344 : vector<16xi1>, vector<16xf32>
      %add3A_362 = arith.constant 13 : i32
      %add3A_363 = arith.addi %mul3A_114, %add3A_362 : i32
      %mul3A_364 = arith.constant 16 : i32
      %mul3A_365 = arith.muli %add3A_363, %mul3A_364 : i32
      %get3A_366 = arith.index_cast %mul3A_365 : i32 to index
      %get3A_367 = tpu.vector_load %arg12[%get3A_366] {strides = array<i32>} : memref<1024xf32, #tpu.memory_space<vmem>>, vector<16xf32>,
      %eq3A_368 = arith.constant 13 : i32
      %eq3A_369 = vector.broadcast %eq3A_368 : i32 to vector<16xi32>
      %eq3A_370 = arith.cmpi eq, %iota3A, %eq3A_369 : vector<16xi32>
      %sort3A_371 = arith.constant dense<true> : vector<16xi1>
      %sort3A_372, %sort3A_373, %sort3A_374 = tpu.sort %get3A_367, %get3A_367 masked %sort3A_371 : (vector<16xf32>, vector<16xf32>, vector<16xi1>) -> (vector<16xi1>, vector<16xf32>, vector<16xf32>)
      %slice3A_375 = vector.extract_strided_slice %sort3A_373 {offsets = [0], sizes = [1], strides = [1]} : vector<16xf32> to vector<1xf32>
      %squeeze3A_376 = vector.extract %slice3A_375[0] : f32 from vector<1xf32>
      %broadcast_in_dim3A_377 = vector.broadcast %squeeze3A_376 : f32 to vector<16xf32>
      %select_n3A_378 = arith.select %eq3A_370, %broadcast_in_dim3A_377, %select_n3A_361 : vector<16xi1>, vector<16xf32>
      %add3A_379 = arith.constant 14 : i32
      %add3A_380 = arith.addi %mul3A_114, %add3A_379 : i32
      %mul3A_381 = arith.constant 16 : i32
      %mul3A_382 = arith.muli %add3A_380, %mul3A_381 : i32
      %get3A_383 = arith.index_cast %mul3A_382 : i32 to index
      %get3A_384 = tpu.vector_load %arg12[%get3A_383] {strides = array<i32>} : memref<1024xf32, #tpu.memory_space<vmem>>, vector<16xf32>,
      %eq3A_385 = arith.constant 14 : i32
      %eq3A_386 = vector.broadcast %eq3A_385 : i32 to vector<16xi32>
      %eq3A_387 = arith.cmpi eq, %iota3A, %eq3A_386 : vector<16xi32>
      %sort3A_388 = arith.constant dense<true> : vector<16xi1>
      %sort3A_389, %sort3A_390, %sort3A_391 = tpu.sort %get3A_384, %get3A_384 masked %sort3A_388 : (vector<16xf32>, vector<16xf32>, vector<16xi1>) -> (vector<16xi1>, vector<16xf32>, vector<16xf32>)
      %slice3A_392 = vector.extract_strided_slice %sort3A_390 {offsets = [0], sizes = [1], strides = [1]} : vector<16xf32> to vector<1xf32>
      %squeeze3A_393 = vector.extract %slice3A_392[0] : f32 from vector<1xf32>
      %broadcast_in_dim3A_394 = vector.broadcast %squeeze3A_393 : f32 to vector<16xf32>
      %select_n3A_395 = arith.select %eq3A_387, %broadcast_in_dim3A_394, %select_n3A_378 : vector<16xi1>, vector<16xf32>
      %add3A_396 = arith.constant 15 : i32
      %add3A_397 = arith.addi %mul3A_114, %add3A_396 : i32
      %mul3A_398 = arith.constant 16 : i32
      %mul3A_399 = arith.muli %add3A_397, %mul3A_398 : i32
      %get3A_400 = arith.index_cast %mul3A_399 : i32 to index
      %get3A_401 = tpu.vector_load %arg12[%get3A_400] {strides = array<i32>} : memref<1024xf32, #tpu.memory_space<vmem>>, vector<16xf32>,
      %eq3A_402 = arith.constant 15 : i32
      %eq3A_403 = vector.broadcast %eq3A_402 : i32 to vector<16xi32>
      %eq3A_404 = arith.cmpi eq, %iota3A, %eq3A_403 : vector<16xi32>
      %sort3A_405 = arith.constant dense<true> : vector<16xi1>
      %sort3A_406, %sort3A_407, %sort3A_408 = tpu.sort %get3A_401, %get3A_401 masked %sort3A_405 : (vector<16xf32>, vector<16xf32>, vector<16xi1>) -> (vector<16xi1>, vector<16xf32>, vector<16xf32>)
      %slice3A_409 = vector.extract_strided_slice %sort3A_407 {offsets = [0], sizes = [1], strides = [1]} : vector<16xf32> to vector<1xf32>
      %squeeze3A_410 = vector.extract %slice3A_409[0] : f32 from vector<1xf32>
      %broadcast_in_dim3A_411 = vector.broadcast %squeeze3A_410 : f32 to vector<16xf32>
      %select_n3A_412 = arith.select %eq3A_404, %broadcast_in_dim3A_411, %select_n3A_395 : vector<16xi1>, vector<16xf32>
      %add3A_413 = arith.addf %select_n3A_412, %add3A_124 : vector<16xf32>
      %max3A = arith.constant 0.000000e+00 : f32
      %max3A_414 = vector.broadcast %max3A : f32 to vector<16xf32>
      %max3A_415 = arith.maximumf %add3A_413, %max3A_414 : vector<16xf32>
      %mul3A_416 = arith.mulf %max3A_415, %select_n3A_141 : vector<16xf32>
      %add3A_417 = arith.addf %scan3A_111, %mul3A_416 : vector<16xf32>
      %add3A_418 = arith.addf %scan3A_112, %select_n3A_141 : vector<16xf32>
      scf.yield %add3A_417, %add3A_418 : vector<16xf32>, vector<16xf32>
    }
    %scan3A_102 = arith.constant 4 : i32
    %swap3A = arith.constant 0 : i32
    %swap3A_103 = arith.index_cast %swap3A : i32 to index
    %swap3A_104 = arith.constant 0 : index
    %swap3A_105 = tpu.vector_load %arg13[%swap3A_103, %swap3A_104] {strides = array<i32>} : memref<2x16xf32, #tpu.memory_space<vmem>>, vector<16xf32>,
    tpu.vector_store %arg13[%swap3A_103, %swap3A_104], %scan3A_101#0 {strides = array<i32>} : memref<2x16xf32, #tpu.memory_space<vmem>>, vector<16xf32>,
    %swap3A_106 = arith.constant 1 : i32
    %swap3A_107 = arith.index_cast %swap3A_106 : i32 to index
    %swap3A_108 = arith.constant 0 : index
    %swap3A_109 = tpu.vector_load %arg13[%swap3A_107, %swap3A_108] {strides = array<i32>} : memref<2x16xf32, #tpu.memory_space<vmem>>, vector<16xf32>,
    tpu.vector_store %arg13[%swap3A_107, %swap3A_108], %scan3A_101#1 {strides = array<i32>} : memref<2x16xf32, #tpu.memory_space<vmem>>, vector<16xf32>,
    "tpu.region"() ({
      %run_scoped3A = tpu.sem_alloc : memref<!tpu.dma_semaphore, #tpu.memory_space<semaphore_mem>>
      %dma_start3A = arith.constant 0 : i32
      %dma_start3A_110 = arith.constant 0 : i32
      %dma_start3A_111 = tpu.memref_slice %arg4[%add3A, %dma_start3A, %dma_start3A_110] : memref<32x2x16xf32, #tpu.memory_space<hbm>> -> memref<1x2x16xf32, #tpu.memory_space<hbm>>
      %dma_start3A_112 = tpu.memref_squeeze %dma_start3A_111 : memref<1x2x16xf32, #tpu.memory_space<hbm>> -> memref<2x16xf32, #tpu.memory_space<hbm>>
      %dma_start3A_113 = arith.constant 0 : i32
      %dma_start3A_114 = arith.constant 0 : i32
      %dma_start3A_115 = tpu.memref_slice %arg4[%add3A, %dma_start3A_113, %dma_start3A_114] : memref<32x2x16xf32, #tpu.memory_space<hbm>> -> memref<1x2x16xf32, #tpu.memory_space<hbm>>
      %dma_start3A_116 = tpu.memref_squeeze %dma_start3A_115 : memref<1x2x16xf32, #tpu.memory_space<hbm>> -> memref<2x16xf32, #tpu.memory_space<hbm>>
      tpu.enqueue_dma source(%arg13 : memref<2x16xf32, #tpu.memory_space<vmem>>) target(%dma_start3A_116 : memref<2x16xf32, #tpu.memory_space<hbm>>) target_semaphore(%run_scoped3A : memref<!tpu.dma_semaphore, #tpu.memory_space<semaphore_mem>>)
      %dma_wait3A = arith.constant 0 : i32
      %dma_wait3A_117 = arith.constant 0 : i32
      %dma_wait3A_118 = tpu.memref_slice %arg4[%add3A, %dma_wait3A, %dma_wait3A_117] : memref<32x2x16xf32, #tpu.memory_space<hbm>> -> memref<1x2x16xf32, #tpu.memory_space<hbm>>
      %dma_wait3A_119 = tpu.memref_squeeze %dma_wait3A_118 : memref<1x2x16xf32, #tpu.memory_space<hbm>> -> memref<2x16xf32, #tpu.memory_space<hbm>>
      %dma_wait3A_120 = arith.constant 0 : i32
      %dma_wait3A_121 = arith.constant 0 : i32
      %dma_wait3A_122 = tpu.memref_slice %arg4[%add3A, %dma_wait3A_120, %dma_wait3A_121] : memref<32x2x16xf32, #tpu.memory_space<hbm>> -> memref<1x2x16xf32, #tpu.memory_space<hbm>>
      %dma_wait3A_123 = tpu.memref_squeeze %dma_wait3A_122 : memref<1x2x16xf32, #tpu.memory_space<hbm>> -> memref<2x16xf32, #tpu.memory_space<hbm>>
      tpu.wait_dma2 semaphore(%run_scoped3A : memref<!tpu.dma_semaphore, #tpu.memory_space<semaphore_mem>>) src(%arg13 : memref<2x16xf32, #tpu.memory_space<vmem>>) dst(%dma_wait3A_123 : memref<2x16xf32, #tpu.memory_space<hbm>>)
      tpu.yield
    }) : () -> ()
    return
  }
}

module attributes {stable_mosaic.version = 14 : i64} {
  func.func @_tc_body(%arg0: i32, %arg1: i32, %arg2: memref<1x3x4096xf32, #tpu.memory_space<vmem>>, %arg3: memref<1x3x896xf32, #tpu.memory_space<vmem>>, %arg4: memref<1x8x128xf32, #tpu.memory_space<vmem>>) attributes {dimension_semantics = [#tpu.dimension_semantics<arbitrary>, #tpu.dimension_semantics<arbitrary>], iteration_bounds = array<i64: 4, 4>, scalar_prefetch = 0 : i64, scratch_operands = 0 : i64, tpu.core_type = #tpu.core_type<tc>, window_params = [{transform_indices = @transform_0, window_bounds = array<i64: 1, 3, 4096>}, {transform_indices = @transform_1, window_bounds = array<i64: 1, 3, 896>}, {transform_indices = @transform_2, window_bounds = array<i64: 1, 8, 128>}]} {
    %get3A = arith.constant 0 : index
    %get3A_0 = arith.constant 0 : index
    %get3A_1 = arith.constant 0 : index
    %get3A_2 = vector.load %arg2[%get3A, %get3A_0, %get3A_1] : memref<1x3x4096xf32, #tpu.memory_space<vmem>>, vector<1x3x4096xf32>
    %get3A_3 = vector.shape_cast %get3A_2 : vector<1x3x4096xf32> to vector<3x4096xf32>
    %get3A_4 = arith.constant 0 : index
    %get3A_5 = arith.constant 0 : index
    %get3A_6 = arith.constant 0 : index
    %get3A_7 = vector.load %arg3[%get3A_4, %get3A_5, %get3A_6] : memref<1x3x896xf32, #tpu.memory_space<vmem>>, vector<1x3x896xf32>
    %get3A_8 = vector.shape_cast %get3A_7 : vector<1x3x896xf32> to vector<3x896xf32>
    %bitcast_convert_type3A = tpu.bitcast %get3A_3 : vector<3x4096xf32> -> vector<3x4096xi32>
    %shift_right_logical3A = arith.constant 16 : i32
    %shift_right_logical3A_9 = vector.broadcast %shift_right_logical3A : i32 to vector<3x4096xi32>
    %shift_right_logical3A_10 = arith.shrui %bitcast_convert_type3A, %shift_right_logical3A_9 : vector<3x4096xi32>
    %and3A = arith.constant 1 : i32
    %and3A_11 = vector.broadcast %and3A : i32 to vector<3x4096xi32>
    %and3A_12 = arith.andi %shift_right_logical3A_10, %and3A_11 : vector<3x4096xi32>
    %add3A = arith.constant 32767 : i32
    %add3A_13 = vector.broadcast %add3A : i32 to vector<3x4096xi32>
    %add3A_14 = arith.addi %bitcast_convert_type3A, %add3A_13 : vector<3x4096xi32>
    %add3A_15 = arith.addi %add3A_14, %and3A_12 : vector<3x4096xi32>
    %and3A_16 = arith.constant -65536 : i32
    %and3A_17 = vector.broadcast %and3A_16 : i32 to vector<3x4096xi32>
    %and3A_18 = arith.andi %add3A_15, %and3A_17 : vector<3x4096xi32>
    %bitcast_convert_type3A_19 = tpu.bitcast %and3A_18 : vector<3x4096xi32> -> vector<3x4096xf32>
    %bitcast_convert_type3A_20 = tpu.bitcast %get3A_8 : vector<3x896xf32> -> vector<3x896xi32>
    %shift_right_logical3A_21 = arith.constant 16 : i32
    %shift_right_logical3A_22 = vector.broadcast %shift_right_logical3A_21 : i32 to vector<3x896xi32>
    %shift_right_logical3A_23 = arith.shrui %bitcast_convert_type3A_20, %shift_right_logical3A_22 : vector<3x896xi32>
    %and3A_24 = arith.constant 1 : i32
    %and3A_25 = vector.broadcast %and3A_24 : i32 to vector<3x896xi32>
    %and3A_26 = arith.andi %shift_right_logical3A_23, %and3A_25 : vector<3x896xi32>
    %add3A_27 = arith.constant 32767 : i32
    %add3A_28 = vector.broadcast %add3A_27 : i32 to vector<3x896xi32>
    %add3A_29 = arith.addi %bitcast_convert_type3A_20, %add3A_28 : vector<3x896xi32>
    %add3A_30 = arith.addi %add3A_29, %and3A_26 : vector<3x896xi32>
    %and3A_31 = arith.constant -65536 : i32
    %and3A_32 = vector.broadcast %and3A_31 : i32 to vector<3x896xi32>
    %and3A_33 = arith.andi %add3A_30, %and3A_32 : vector<3x896xi32>
    %bitcast_convert_type3A_34 = tpu.bitcast %and3A_33 : vector<3x896xi32> -> vector<3x896xf32>
    %mul3A = arith.mulf %get3A_3, %get3A_3 : vector<3x4096xf32>
    %reduce_sum3A = arith.constant dense<0.000000e+00> : vector<4096xf32>
    %reduce_sum3A_35 = vector.multi_reduction <add>, %mul3A, %reduce_sum3A [0] : vector<3x4096xf32> to vector<4096xf32>
    %broadcast_in_dim3A = vector.shape_cast %reduce_sum3A_35 : vector<4096xf32> to vector<1x4096xf32>
    %bitcast_convert_type3A_36 = tpu.bitcast %broadcast_in_dim3A : vector<1x4096xf32> -> vector<1x4096xi32>
    %shift_right_logical3A_37 = arith.constant 16 : i32
    %shift_right_logical3A_38 = vector.broadcast %shift_right_logical3A_37 : i32 to vector<1x4096xi32>
    %shift_right_logical3A_39 = arith.shrui %bitcast_convert_type3A_36, %shift_right_logical3A_38 : vector<1x4096xi32>
    %and3A_40 = arith.constant 1 : i32
    %and3A_41 = vector.broadcast %and3A_40 : i32 to vector<1x4096xi32>
    %and3A_42 = arith.andi %shift_right_logical3A_39, %and3A_41 : vector<1x4096xi32>
    %add3A_43 = arith.constant 32767 : i32
    %add3A_44 = vector.broadcast %add3A_43 : i32 to vector<1x4096xi32>
    %add3A_45 = arith.addi %bitcast_convert_type3A_36, %add3A_44 : vector<1x4096xi32>
    %add3A_46 = arith.addi %add3A_45, %and3A_42 : vector<1x4096xi32>
    %and3A_47 = arith.constant -65536 : i32
    %and3A_48 = vector.broadcast %and3A_47 : i32 to vector<1x4096xi32>
    %and3A_49 = arith.andi %add3A_46, %and3A_48 : vector<1x4096xi32>
    %bitcast_convert_type3A_50 = tpu.bitcast %and3A_49 : vector<1x4096xi32> -> vector<1x4096xf32>
    %sub3A = arith.subf %broadcast_in_dim3A, %bitcast_convert_type3A_50 : vector<1x4096xf32>
    %concatenate3A = tpu.concatenate %bitcast_convert_type3A_19, %bitcast_convert_type3A_50, %sub3A in 0 : vector<3x4096xf32>, vector<1x4096xf32>, vector<1x4096xf32> -> vector<5x4096xf32>
    %convert_element_type3A = arith.truncf %concatenate3A : vector<5x4096xf32> to vector<5x4096xbf16>
    %mul3A_51 = arith.constant -2.000000e+00 : f32
    %mul3A_52 = vector.broadcast %mul3A_51 : f32 to vector<3x896xf32>
    %mul3A_53 = arith.mulf %mul3A_52, %bitcast_convert_type3A_34 : vector<3x896xf32>
    %broadcast_in_dim3A_54 = arith.constant 1.000000e+00 : f32
    %broadcast_in_dim3A_55 = vector.broadcast %broadcast_in_dim3A_54 : f32 to vector<2x896xf32>
    %concatenate3A_56 = tpu.concatenate %mul3A_53, %broadcast_in_dim3A_55 in 0 : vector<3x896xf32>, vector<2x896xf32> -> vector<5x896xf32>
    %transpose3A = tpu.transpose %concatenate3A_56, [1, 0] : vector<5x896xf32> -> vector<896x5xf32>
    %convert_element_type3A_57 = arith.truncf %transpose3A : vector<896x5xf32> to vector<896x5xbf16>
    %slice3A = vector.extract_strided_slice %convert_element_type3A {offsets = [0, 0], sizes = [5, 1024], strides = [1, 1]} : vector<5x4096xbf16> to vector<5x1024xbf16>
    %dot_general3A = arith.constant dense<0.000000e+00> : vector<896x1024xf32>
    %dot_general3A_58 = tpu.matmul %convert_element_type3A_57, %slice3A, %dot_general3A {dimension_numbers = #tpu.dot_dimension_numbers<[1], [0], [0], [1], [0, 0, 1, 1], [], []>, transpose_lhs_hint = false} : vector<896x5xbf16>, vector<5x1024xbf16>, vector<896x1024xf32> -> vector<896x1024xf32>
    %reduce_min3A = arith.constant dense<0x7F800000> : vector<896xf32>
    %reduce_min3A_59 = vector.multi_reduction <minimumf>, %dot_general3A_58, %reduce_min3A [1] : vector<896x1024xf32> to vector<896xf32>
    %broadcast_in_dim3A_60 = vector.shape_cast %reduce_min3A_59 : vector<896xf32> to vector<896x1xf32>
    %slice3A_61 = vector.extract_strided_slice %convert_element_type3A {offsets = [0, 1024], sizes = [5, 1024], strides = [1, 1]} : vector<5x4096xbf16> to vector<5x1024xbf16>
    %dot_general3A_62 = arith.constant dense<0.000000e+00> : vector<896x1024xf32>
    %dot_general3A_63 = tpu.matmul %convert_element_type3A_57, %slice3A_61, %dot_general3A_62 {dimension_numbers = #tpu.dot_dimension_numbers<[1], [0], [0], [1], [0, 0, 1, 1], [], []>, transpose_lhs_hint = false} : vector<896x5xbf16>, vector<5x1024xbf16>, vector<896x1024xf32> -> vector<896x1024xf32>
    %reduce_min3A_64 = arith.constant dense<0x7F800000> : vector<896xf32>
    %reduce_min3A_65 = vector.multi_reduction <minimumf>, %dot_general3A_63, %reduce_min3A_64 [1] : vector<896x1024xf32> to vector<896xf32>
    %broadcast_in_dim3A_66 = vector.shape_cast %reduce_min3A_65 : vector<896xf32> to vector<896x1xf32>
    %slice3A_67 = vector.extract_strided_slice %convert_element_type3A {offsets = [0, 2048], sizes = [5, 1024], strides = [1, 1]} : vector<5x4096xbf16> to vector<5x1024xbf16>
    %dot_general3A_68 = arith.constant dense<0.000000e+00> : vector<896x1024xf32>
    %dot_general3A_69 = tpu.matmul %convert_element_type3A_57, %slice3A_67, %dot_general3A_68 {dimension_numbers = #tpu.dot_dimension_numbers<[1], [0], [0], [1], [0, 0, 1, 1], [], []>, transpose_lhs_hint = false} : vector<896x5xbf16>, vector<5x1024xbf16>, vector<896x1024xf32> -> vector<896x1024xf32>
    %reduce_min3A_70 = arith.constant dense<0x7F800000> : vector<896xf32>
    %reduce_min3A_71 = vector.multi_reduction <minimumf>, %dot_general3A_69, %reduce_min3A_70 [1] : vector<896x1024xf32> to vector<896xf32>
    %broadcast_in_dim3A_72 = vector.shape_cast %reduce_min3A_71 : vector<896xf32> to vector<896x1xf32>
    %slice3A_73 = vector.extract_strided_slice %convert_element_type3A {offsets = [0, 3072], sizes = [5, 1024], strides = [1, 1]} : vector<5x4096xbf16> to vector<5x1024xbf16>
    %dot_general3A_74 = arith.constant dense<0.000000e+00> : vector<896x1024xf32>
    %dot_general3A_75 = tpu.matmul %convert_element_type3A_57, %slice3A_73, %dot_general3A_74 {dimension_numbers = #tpu.dot_dimension_numbers<[1], [0], [0], [1], [0, 0, 1, 1], [], []>, transpose_lhs_hint = false} : vector<896x5xbf16>, vector<5x1024xbf16>, vector<896x1024xf32> -> vector<896x1024xf32>
    %reduce_min3A_76 = arith.constant dense<0x7F800000> : vector<896xf32>
    %reduce_min3A_77 = vector.multi_reduction <minimumf>, %dot_general3A_75, %reduce_min3A_76 [1] : vector<896x1024xf32> to vector<896xf32>
    %broadcast_in_dim3A_78 = vector.shape_cast %reduce_min3A_77 : vector<896xf32> to vector<896x1xf32>
    %min3A = arith.minimumf %broadcast_in_dim3A_60, %broadcast_in_dim3A_66 : vector<896x1xf32>
    %min3A_79 = arith.minimumf %broadcast_in_dim3A_72, %broadcast_in_dim3A_78 : vector<896x1xf32>
    %min3A_80 = arith.minimumf %min3A, %min3A_79 : vector<896x1xf32>
    %transpose3A_81 = tpu.transpose %min3A_80, [1, 0] : vector<896x1xf32> -> vector<1x896xf32>
    %mul3A_82 = arith.mulf %get3A_8, %get3A_8 : vector<3x896xf32>
    %reduce_sum3A_83 = arith.constant dense<0.000000e+00> : vector<896xf32>
    %reduce_sum3A_84 = vector.multi_reduction <add>, %mul3A_82, %reduce_sum3A_83 [0] : vector<3x896xf32> to vector<896xf32>
    %broadcast_in_dim3A_85 = vector.shape_cast %reduce_sum3A_84 : vector<896xf32> to vector<1x896xf32>
    %eq3A = arith.constant 0.000000e+00 : f32
    %eq3A_86 = vector.broadcast %eq3A : f32 to vector<3x896xf32>
    %eq3A_87 = arith.cmpf oeq, %get3A_8, %eq3A_86 : vector<3x896xf32>
    %reduce_and3A = arith.constant 1.000000e+00 : f32
    %reduce_and3A_88 = arith.constant 0.000000e+00 : f32
    %reduce_and3A_89 = vector.broadcast %reduce_and3A : f32 to vector<3x896xf32>
    %reduce_and3A_90 = vector.broadcast %reduce_and3A_88 : f32 to vector<3x896xf32>
    %reduce_and3A_91 = arith.select %eq3A_87, %reduce_and3A_89, %reduce_and3A_90 : vector<3x896xi1>, vector<3x896xf32>
    %reduce_and3A_92 = arith.constant dense<0x7F800000> : vector<896xf32>
    %reduce_and3A_93 = vector.multi_reduction <minimumf>, %reduce_and3A_91, %reduce_and3A_92 [0] : vector<3x896xf32> to vector<896xf32>
    %reduce_and3A_94 = arith.constant 0.000000e+00 : f32
    %reduce_and3A_95 = vector.broadcast %reduce_and3A_94 : f32 to vector<896xf32>
    %reduce_and3A_96 = arith.cmpf ogt, %reduce_and3A_93, %reduce_and3A_95 : vector<896xf32>
    %broadcast_in_dim3A_97 = vector.shape_cast %reduce_and3A_96 : vector<896xi1> to vector<1x896xi1>
    %convert_element_type3A_98 = arith.extui %broadcast_in_dim3A_97 : vector<1x896xi1> to vector<1x896xi32>
    %convert_element_type3A_99 = arith.sitofp %convert_element_type3A_98 : vector<1x896xi32> to vector<1x896xf32>
    %sub3A_100 = arith.constant 1.000000e+00 : f32
    %sub3A_101 = vector.broadcast %sub3A_100 : f32 to vector<1x896xf32>
    %sub3A_102 = arith.subf %sub3A_101, %convert_element_type3A_99 : vector<1x896xf32>
    %add3A_103 = arith.addf %transpose3A_81, %broadcast_in_dim3A_85 : vector<1x896xf32>
    %max3A = arith.constant 0.000000e+00 : f32
    %max3A_104 = vector.broadcast %max3A : f32 to vector<1x896xf32>
    %max3A_105 = arith.maximumf %add3A_103, %max3A_104 : vector<1x896xf32>
    %mul3A_106 = arith.mulf %max3A_105, %sub3A_102 : vector<1x896xf32>
    %reduce_sum3A_107 = vector.shape_cast %mul3A_106 : vector<1x896xf32> to vector<1x1x896xf32>
    %reduce_sum3A_108 = arith.constant dense<0.000000e+00> : vector<1xf32>
    %reduce_sum3A_109 = vector.multi_reduction <add>, %reduce_sum3A_107, %reduce_sum3A_108 [1, 2] : vector<1x1x896xf32> to vector<1xf32>
    %reduce_sum3A_110 = vector.shape_cast %reduce_sum3A_109 : vector<1xf32> to vector<1x1x1xf32>
    %reduce_sum3A_111 = vector.extract %reduce_sum3A_110[0, 0, 0] : f32 from vector<1x1x1xf32>
    %reduce_sum3A_112 = vector.shape_cast %sub3A_102 : vector<1x896xf32> to vector<1x1x896xf32>
    %reduce_sum3A_113 = arith.constant dense<0.000000e+00> : vector<1xf32>
    %reduce_sum3A_114 = vector.multi_reduction <add>, %reduce_sum3A_112, %reduce_sum3A_113 [1, 2] : vector<1x1x896xf32> to vector<1xf32>
    %reduce_sum3A_115 = vector.shape_cast %reduce_sum3A_114 : vector<1xf32> to vector<1x1x1xf32>
    %reduce_sum3A_116 = vector.extract %reduce_sum3A_115[0, 0, 0] : f32 from vector<1x1x1xf32>
    %iota3A = tpu.iota {dimensions = array<i32: 1>} : vector<8x128xi32>
    %eq3A_117 = arith.constant 0 : i32
    %eq3A_118 = vector.broadcast %eq3A_117 : i32 to vector<8x128xi32>
    %eq3A_119 = arith.cmpi eq, %iota3A, %eq3A_118 : vector<8x128xi32>
    %eq3A_120 = arith.constant 1 : i32
    %eq3A_121 = vector.broadcast %eq3A_120 : i32 to vector<8x128xi32>
    %eq3A_122 = arith.cmpi eq, %iota3A, %eq3A_121 : vector<8x128xi32>
    %jit3A = arith.constant 0.000000e+00 : f32
    %broadcast_in_dim3A_123 = vector.broadcast %reduce_sum3A_116 : f32 to vector<8x128xf32>
    %broadcast_in_dim3A_124 = vector.broadcast %jit3A : f32 to vector<8x128xf32>
    %select_n3A = arith.select %eq3A_122, %broadcast_in_dim3A_123, %broadcast_in_dim3A_124 : vector<8x128xi1>, vector<8x128xf32>
    %broadcast_in_dim3A_125 = vector.broadcast %reduce_sum3A_111 : f32 to vector<8x128xf32>
    %select_n3A_126 = arith.select %eq3A_119, %broadcast_in_dim3A_125, %select_n3A : vector<8x128xi1>, vector<8x128xf32>
    %eq3A_127 = arith.constant 0 : i32
    %eq3A_128 = arith.cmpi eq, %arg1, %eq3A_127 : i32
    %convert_element_type3A_129 = arith.extui %eq3A_128 : i1 to i32
    %cond3A = arith.constant 0 : i32
    %cond3A_130 = arith.cmpi ne, %convert_element_type3A_129, %cond3A : i32
    scf.if %cond3A_130 {
      %swap3A = arith.constant 0 : index
      %swap3A_135 = arith.constant 0 : index
      %swap3A_136 = arith.constant 0 : index
      %swap3A_137 = vector.load %arg4[%swap3A, %swap3A_135, %swap3A_136] : memref<1x8x128xf32, #tpu.memory_space<vmem>>, vector<1x8x128xf32>
      %swap3A_138 = vector.shape_cast %swap3A_137 : vector<1x8x128xf32> to vector<8x128xf32>
      %swap3A_139 = vector.shape_cast %select_n3A_126 : vector<8x128xf32> to vector<1x8x128xf32>
      tpu.vector_store %arg4[%swap3A, %swap3A_135, %swap3A_136], %swap3A_139 {strides = array<i32>} : memref<1x8x128xf32, #tpu.memory_space<vmem>>, vector<1x8x128xf32>,
    } else {
    }
    %ne3A = arith.constant 0 : i32
    %ne3A_131 = arith.cmpi ne, %arg1, %ne3A : i32
    %convert_element_type3A_132 = arith.extui %ne3A_131 : i1 to i32
    %cond3A_133 = arith.constant 0 : i32
    %cond3A_134 = arith.cmpi ne, %convert_element_type3A_132, %cond3A_133 : i32
    scf.if %cond3A_134 {
      %get3A_135 = arith.constant 0 : index
      %get3A_136 = arith.constant 0 : index
      %get3A_137 = arith.constant 0 : index
      %get3A_138 = vector.load %arg4[%get3A_135, %get3A_136, %get3A_137] : memref<1x8x128xf32, #tpu.memory_space<vmem>>, vector<1x8x128xf32>
      %get3A_139 = vector.shape_cast %get3A_138 : vector<1x8x128xf32> to vector<8x128xf32>
      %add3A_140 = arith.addf %get3A_139, %select_n3A_126 : vector<8x128xf32>
      %swap3A = arith.constant 0 : index
      %swap3A_141 = arith.constant 0 : index
      %swap3A_142 = arith.constant 0 : index
      %swap3A_143 = vector.load %arg4[%swap3A, %swap3A_141, %swap3A_142] : memref<1x8x128xf32, #tpu.memory_space<vmem>>, vector<1x8x128xf32>
      %swap3A_144 = vector.shape_cast %swap3A_143 : vector<1x8x128xf32> to vector<8x128xf32>
      %swap3A_145 = vector.shape_cast %add3A_140 : vector<8x128xf32> to vector<1x8x128xf32>
      tpu.vector_store %arg4[%swap3A, %swap3A_141, %swap3A_142], %swap3A_145 {strides = array<i32>} : memref<1x8x128xf32, #tpu.memory_space<vmem>>, vector<1x8x128xf32>,
    } else {
    }
    return
  }
  func.func @transform_0(%arg0: i32, %arg1: i32) -> (i32, i32, i32) {
    %c0_i32 = arith.constant 0 : i32
    %c0_i32_0 = arith.constant 0 : i32
    %c0_i32_1 = arith.constant 0 : i32
    return %arg0, %c0_i32, %c0_i32_0 : i32, i32, i32
  }
  func.func @transform_1(%arg0: i32, %arg1: i32) -> (i32, i32, i32) {
    %c0_i32 = arith.constant 0 : i32
    %c0_i32_0 = arith.constant 0 : i32
    return %arg0, %c0_i32, %arg1 : i32, i32, i32
  }
  func.func @transform_2(%arg0: i32, %arg1: i32) -> (i32, i32, i32) {
    %c0_i32 = arith.constant 0 : i32
    %c0_i32_0 = arith.constant 0 : i32
    %c0_i32_1 = arith.constant 0 : i32
    return %arg0, %c0_i32, %c0_i32_0 : i32, i32, i32
  }
}

</mosaic_0001>

<sc_bundles>
// kernel: kernel.4.cloned.1.call-start
scs
__scs_entry_jumppad:
0x0: {  	(pc) =	sbr.rel $0x88, $3  }
0x1: {  	(tag) =	ssettag $0x0;
	lr =	simm.s32 $0x1  }
0x2: {  	[smem:$0x3F9F] =	sst lr;
	_ =	strace $0xD0000000  }
0x3: {  	_ = 	snop  }
0x4: {  	_ = 	snop  }
0x5: {  	_ = 	snop  }
0x6: {  	_ = 	snop  }
0x7: {  	_ = 	snop  }
__scs_overlays_trampoline_lowered:
0x8: {  	[smem:$0x3FAE] =	sst s0  }
0x9: {  	[smem:$0x3FAF] =	sst s1  }
0xa: {  	[smem:$0x3FB0] =	sst s2  }
0xb: {  	[smem:$0x3FB1] =	sst s3  }
0xc: {  	[smem:$0x3FB2] =	sst s4  }
0xd: {  	[smem:$0x3FB3] =	sst s5  }
0xe: {  	[smem:$0x3FB4] =	sst s6  }
0xf: {  	[smem:$0x3FB5] =	sst s7  }
0x10: {  	[smem:$0x3FB6] =	sst s8  }
0x11: {  	[smem:$0x3FB7] =	sst s9;
	s0 =	simm.s32 @!p0 $0x0  }
0x12: {  	s1 =	sld [smem:$0x3F9D];
	s0 =	simm.s32 @p0 $0x1  }
0x13: {  	[smem:$0x3FB8] =	sst s0;
	s0 =	simm.s32 @!p1 $0x0  }
0x14: {  	s2 =	sld [smem:$0x3F9C];
	s0 =	simm.s32 @p1 $0x1  }
0x15: {  	[smem:$0x3FB9] =	sst s0;
	s0 =	simm.s32 @!p2 $0x0  }
0x16: {  	s3 =	sld [smem:$0x3FDB];
	s0 =	simm.s32 @p2 $0x1  }
0x17: {  	s4 =	simm.s32 $0x1BF5;
	[smem:$0x3FBB] =	sst s0  }
0x18: {  	s0 =	sld [smem:$0x3F9E];
	_ =	swait.ge [sflag:s4], $0x0  }
0x19: {  	s7 =	sld [smem:$0x3F9F]  }
0x1a: {  	s8 =	sadd.s32 $0xFFFFE003, lr  }
0x1b: {  	s9 =	sadd.s32 $0xFFFFFEF7, lr;
	s5 =	simm.s32 $0xFFFFFFFF;
	p2 =	slt.u32 s8, $0xFFFFF086  }
0x1c: {  	p1 =	slt.u32 s9, $0xF7A;
	s5 =	simm.s32 @!p2 $0x0  }
0x1d: {  	s5 =	simm.s32 @p1 $0x1;
	p0 =	seq.s32 s7, s2  }
0x1e: {  	s7 =	smul.u32 @!p0 $0xF7A, s2;
	p2 =	seq.s32 @!p0 s5, $0x0  }
0x1f: {  	s9 =	smul.u32 $0xF7A, s1;
	s8 =	simm.s32 @!p0 $0x1BF5;
	p2 =	por !p2, p0  }
0x20: {  	[sflag:s8] =	ssyncset.s32 @!p0 $0xFFFFF086;
	s6 =	sadd.s32 @!p0 s3, s7;
	s7 =	simm.s32 @!p0 $0x108  }
0x21: {  	s3 =	sadd.s32 s3, s9;
	s6 =	sadd.s32 @!p0 $0x88, s6;
	s7 =	simm.s32 @p2 $0x1082  }
0x22: {  	[simem:s7], [sflag:s8] =	dma.local @!p0 [hbm:s6], $0xF7A  }
0x23: {  	s9 =	sor.u32 $0xD0000000, s2;
	s6 =	simm.s32 $0x108;
	_ =	swait.ge @!p0 [sflag:s8], $0x0  }
0x24: {  	s3 =	sadd.s32 $0x88, s3;
	s6 =	simm.s32 @!p1 $0x1082;
	[sflag:s4] =	ssyncset.s32 $0xFFFFF086  }
0x25: {  	[simem:s6], [sflag:s4] =	dma.local [hbm:s3], $0xF7A  }
0x26: {  	[smem:$0x3F9F] =	sst s1;
	(tag) =	ssettag s2;
	_ =	strace s9  }
0x27: {  	s1 =	sld [smem:$0x3FAF]  }
0x28: {  	s2 =	sld [smem:$0x3FB0]  }
0x29: {  	s4 =	sld [smem:$0x3FB2]  }
0x2a: {  	p0 =	seq.s32 s5, $0x0;
	s5 =	sld [smem:$0x3FB3]  }
0x2b: {  	s6 =	sld [smem:$0x3FB4]  }
0x2c: {  	s7 =	sld [smem:$0x3FB5]  }
0x2d: {  	s3 =	simm.s32 $0x108;
	s8 =	sld [smem:$0x3FB6]  }
0x2e: {  	s3 =	simm.s32 @!p0 $0x1082;
	s9 =	sld [smem:$0x3FB7]  }
0x2f: {  	lr =	sadd.s32 s0, s3;
	s0 =	sld [smem:$0x3FAE]  }
0x30: {  	s3 =	sld [smem:$0x3FB1]  }
0x31: {  	[smem:$0x3FBA] =	sst s10  }
0x32: {  	s10 =	sld [smem:$0x3FB8];
	_ =	sdelay $0x3  }
0x33: {  	p0 =	seq.s32 s10, $0x1;
	s10 =	sld [smem:$0x3FBA];
	_ =	sdelay $0x3  }
0x34: {  	[smem:$0x3FBA] =	sst s10  }
0x35: {  	s10 =	sld [smem:$0x3FB9];
	_ =	sdelay $0x3  }
0x36: {  	p1 =	seq.s32 s10, $0x1;
	s10 =	sld [smem:$0x3FBA];
	_ =	sdelay $0x3  }
0x37: {  	[smem:$0x3FBA] =	sst s10  }
0x38: {  	s10 =	sld [smem:$0x3FBB]  }
0x39: {  	_ = 	snop;
	(pc) =	sbr.ind lr, $3  }
0x3a: {  	_ = 	snop  }
0x3b: {  	_ = 	snop  }
0x3c: {  	p2 =	seq.s32 s10, $0x1;
	s10 =	sld [smem:$0x3FBA]  }
0x3d: {  	_ =	shalt  }
0x3e: {  	_ =	shalt  }
0x3f: {  	_ =	shalt  }
0x40: {  	_ =	shalt  }
0x41: {  	_ =	shalt  }
0x42: {  	_ =	shalt  }
0x43: {  	_ =	shalt  }
0x44: {  	_ =	shalt  }
0x45: {  	_ =	shalt  }
0x46: {  	_ =	shalt  }
0x47: {  	_ =	shalt  }
0x48: {  	_ =	shalt  }
0x49: {  	_ =	shalt  }
0x4a: {  	_ =	shalt  }
0x4b: {  	_ =	shalt  }
0x4c: {  	_ =	shalt  }
0x4d: {  	_ =	shalt  }
0x4e: {  	_ =	shalt  }
0x4f: {  	_ =	shalt  }
0x50: {  	_ =	shalt  }
0x51: {  	_ =	shalt  }
0x52: {  	_ =	shalt  }
0x53: {  	_ =	shalt  }
0x54: {  	_ =	shalt  }
0x55: {  	_ =	shalt  }
0x56: {  	_ =	shalt  }
0x57: {  	_ =	shalt  }
0x58: {  	_ =	shalt  }
0x59: {  	_ =	shalt  }
0x5a: {  	_ =	shalt  }
0x5b: {  	_ =	shalt  }
0x5c: {  	_ =	shalt  }
0x5d: {  	_ =	shalt  }
0x5e: {  	_ =	shalt  }
0x5f: {  	_ =	shalt  }
0x60: {  	_ =	shalt  }
0x61: {  	_ =	shalt  }
0x62: {  	_ =	shalt  }
0x63: {  	_ =	shalt  }
0x64: {  	_ =	shalt  }
0x65: {  	_ =	shalt  }
0x66: {  	_ =	shalt  }
0x67: {  	_ =	shalt  }
0x68: {  	_ =	shalt  }
0x69: {  	_ =	shalt  }
0x6a: {  	_ =	shalt  }
0x6b: {  	_ =	shalt  }
0x6c: {  	_ =	shalt  }
0x6d: {  	_ =	shalt  }
0x6e: {  	_ =	shalt  }
0x6f: {  	_ =	shalt  }
0x70: {  	_ =	shalt  }
0x71: {  	_ =	shalt  }
0x72: {  	_ =	shalt  }
0x73: {  	_ =	shalt  }
0x74: {  	_ =	shalt  }
0x75: {  	_ =	shalt  }
0x76: {  	_ =	shalt  }
0x77: {  	_ =	shalt  }
0x78: {  	_ =	shalt  }
0x79: {  	_ =	shalt  }
0x7a: {  	_ =	shalt  }
0x7b: {  	_ =	shalt  }
0x7c: {  	_ =	shalt  }
0x7d: {  	_ =	shalt  }
0x7e: {  	_ =	shalt  }
0x7f: {  	_ =	shalt  }
0x80: {  	_ =	shalt  }
0x81: {  	_ =	shalt  }
0x82: {  	_ =	shalt  }
0x83: {  	_ =	shalt  }
0x84: {  	_ =	shalt  }
0x85: {  	_ =	shalt  }
0x86: {  	_ =	shalt  }
0x87: {  	_ =	shalt  }
.Lfunc_end0:
.L_simem_size_0:
called_computation_lowered:
.L_overlay_start_0:
0x88: {  	s2 =	sld [smem:$0x3FD9]  }
0x89: {  	s3 =	sld [smem:$0x3FFE];
	_ =	sdelay $0x1  }
0x8a: {  	s1 =	srdreg.scid  }
0x8b: {  	s0 =	sand.u32 $0x1, s1  }
0x8c: {  	s16 =	sshll.u32 s0, $0xA;
	s2 =	sadd.s32 s3, s2  }
0x8d: {  	s2 =	sadd.s32 s2, s16  }
0x8e: {  	[smem:$0x3FC6] =	sst s2  }
0x8f: {  	_ = 	snop  }
0x90: {  	(tm) =	ssettm $0x1  }
0x91: {  	s17 =	sld [smem:$0x3FFB];
	_ =	sdelay $0x3  }
0x92: {  	_ =	strace s17  }
0x93: {  	s2 =	sld [smem:$0x3FFC];
	_ =	sdelay $0x3  }
0x94: {  	_ =	strace s2  }
0x95: {  	s2 =	sld [smem:$0x3FFD];
	_ =	sdelay $0x3  }
0x96: {  	_ =	strace s2  }
0x97: {  	_ =	strace $0x8FFFFFFF  }
0x98: {  	s18 =	sld [smem:$0x3FDB];
	_ =	sdelay $0x1  }
0x99: {  	s19 =	simm.s32 $_scs_section_size  }
0x9a: {  	s4 =	simm.s32 $_size__tile_overlayer_lowered;
	s5 =	simm.s32 $_tile_overlayer_lowered  }
0x9b: {  	s22 =	simm.s32 $0x1BFF;
	s21 =	sshll.u32 s5, $0x1;
	s2 =	sadd.s32 s19, s18  }
0x9c: {  	s6 =	simm.s32 $0x0;
	s20 =	sshll.u32 s4, $0x1;
	s4 =	sadd.s32 s21, s2  }
0x9d: {  	[timem:s6], [sflag:s22] =	dma.local [hbm:s4], s20  }
0x9e: {  	_ =	swait.ge [sflag:s22], s20  }
0x9f: {  	s3 =	ssub.s32 $0x0, s20;
	[sflag:s22] =	ssyncset.done $0x0  }
0xa0: {  	[sflag:s22] =	ssyncadd.s32 s3;
	_ =	sdelay $0x1  }
0xa1: {  	s23 =	simm.s32 $0x1B8B  }
0xa2: {  	_ =	swait.ge [sflag:s23], $0x1  }
0xa3: {  	[sflag:s23] =	ssyncset.done $0x0  }
0xa4: {  	s25 =	simm.s32 $0x1B8E;
	s24 =	sld [smem:$0x3FFE];
	[sflag:s23] =	ssyncadd.s32 $0xFFFFFFFF  }
0xa5: {  	s26 =	simm.s32 $execute0_lowered;
	[smem:$0x3FD2] =	sst s25  }
0xa6: {  	s4 =	sshll.u32 s26, $0x1;
	_ =	strace $0x80000046;
	[dreg:$0x1] =	wrdreg $0xFFFFFFFF  }
0xa7: {  	s28 =	simm.s32 $_size_execute0_lowered;
	s2 =	sadd.s32 s2, s4;
	[dreg:$0x0] =	wrdreg $0x0  }
0xa8: {  	s4 =	sshll.u32 s28, $0x1;
	[dreg:$0x2] =	wrdreg s2  }
0xa9: {  	[dreg:$0x3] =	wrdreg s4  }
0xaa: {  	[dreg:$0x4] =	wrdreg $0xC0  }
0xab: {  	_ =	task [dreg:s6], $0x5FFFF  }
0xac: {  	[dreg:$0x1] =	wrdreg $0xFFFFFFFF  }
0xad: {  	[dreg:$0x0] =	wrdreg $0x60  }
0xae: {  	[dreg:$0x2] =	wrdreg s24  }
0xaf: {  	[dreg:$0x3] =	wrdreg $0x9  }
0xb0: {  	_ =	task.clear_ibuf [dreg:s6], $0x4FFFF;
	_ =	strace $0x90000046  }
0xb1: {  	s29 =	simm.s32 $0x9;
	_ =	strace $0x80000048  }
0xb2: {  	_ =	swait.ge [sflag:s29], $0x1  }
0xb3: {  	[sflag:s29] =	ssyncadd.s32 $0xFFFFFFFF  }
0xb4: {  	_ =	strace $0x90000048  }
0xb5: {  	_ =	sfence  }
0xb6: {  	s30 =	sld [smem:$0x0];
	_ =	sdelay $0x2  }
0xb7: {  	s31 =	sshll.u32 s1, $0xD;
	s1 =	sshrl.u32 s1, $0x2  }
0xb8: {  	s3 =	sand.u32 $0x4000, s31;
	s1 =	sadd.s32 s1, s30  }
0xb9: {  	s0 =	sor.u32 s3, s0;
	s1 =	sshll.u32 s1, $0x11  }
0xba: {  	s0 =	sor.u32 s1, s0  }
0xbb: {  	s0 =	sadd.s32 $0x8F2B, s0  }
0xbc: {  	[sflag:s0] =	ssyncadd.remote.s32 $0x1  }
0xbd: {  	_ =	sfence.sel $0xFFFF  }
0xbe: {  	[dreg:$0x0] =	wrdreg $0xFFFFFFFF;
	(pc) =	sbr.abs _section_cstart, $3  }
0xbf: {  	[dreg:$0x1] =	wrdreg $0xFFFFFFFF  }
0xc0: {  	_ =	task.clear_ibuf [dreg:s6], $0x2FFFF;
	_ =	strace $0x9FFFFFFF  }
0xc1: {  	(tm) =	ssettm $0x7FFFFFFF  }
tec
execute0_lowered:
.L_overlay_start_1:
0x0: {  	(tag) =	ssettag $0x1  }
0x1: {  	s5 =	rddreg [dreg:$0x0]  }
0x2: {  	s0 =	rddreg [dreg:$0x1]  }
0x3: {  	s2 =	simm.s32 $0x0;
	s1 =	stileid.u32;
	s3 =	srdreg.scid  }
0x4: {  	s15 =	simm.s32 $0x4080;
	s16 =	simm.s32 $0x4100;
	s17 =	simm.s32 $0x4580  }
0x5: {  	s18 =	simm.s32 $0x0;
	[smem:$0x7FF] =	sst s2;
	s4 =	sshrl.u32 s1, $0x2  }
0x6: {  	s3 =	sand.u32 $0x1, s3;
	s6 =	sshll.u32 s1, $0x1;
	s8 =	sadd.s32 $0x1800, s5  }
0x7: {  	s7 =	smul.u32 $0x3000, s4;
	s25 =	sor.u32 s3, s6;
	s3 =	ssub.s32 $0x2, s3  }
0x8: {  	_ =	strace $0x80000047;
	s6 =	sshll.u32 s25, $0x5;
	s9 =	sshrl.u32 s3, $0x1  }
0x9: {  	s4 =	sshll.u32 s25, $0x6;
	s10 =	sshrl.u32 s7, $0x3;
	s11 =	sadd.s32 s6, s5  }
0xa: {  	s12 =	ssub.s32 s3, s9;
	s26 =	sadd.s32 $0x1000, s7;
	s28 =	sadd.s32 $0x2000, s7  }
0xb: {  	s14 =	sor.u32 $0xE00, s4;
	s3 =	sadd.s32 s5, s10;
	s29 =	sshrl.u32 s26, $0x3  }
0xc: {  	s13 =	sshrl.u32 s28, $0x3;
	s7 =	sor.u32 s7, s14;
	s30 =	sor.u32 s26, s14  }
0xd: {  	v0 =	vimm.f32 $+Inf;
	s9 =	sor.u32 s28, s14;
	s10 =	smax.u32 s12, $0x1;
	s12 =	simm.s32 $0x1000  }
0xe: {  	v1 =	vimm.f32 $0.0e+00;
	vm15 =	vcmask $0x704;
	vm9 =	vmmov $0x7ff;
	s14 =	simm.s32 $0x4000;
	s4 =	sadd.s32 s5, s29;
	s5 =	sadd.s32 s5, s13  }
0xf: {  	vm7 =	vmmov $0xfff;
	vm12 =	vmmov $0x3ff;
	vm5 =	vmmov $0x1f;
	s7 =	sshrl.u32 s7, $0x3;
	s31 =	sshrl.u32 s30, $0x3;
	s9 =	sshrl.u32 s9, $0x3  }
0x10: {  	vm6 =	vmmov $0x3f;
	vm8 =	vmmov $0x7f;
	vm10 =	vmmov $0xff;
	s13 =	simm.s32 $0x2000;
	s6 =	sadd.s32 s8, s7;
	s7 =	sadd.s32 s8, s31  }
0x11: {  	vm11 =	vmmov $0x1ff;
	vm13 =	vmmov $0x3fff;
	vm14 =	vmmov $0x7fff;
	s8 =	sadd.s32 s8, s9;
	s9 =	sadd.s32 $0x3000, s11;
	s11 =	simm.s32 $0x1  }
.LBB2_1:
0x12: {  	[tilespmem:s2], [sflag:$0x1] =	stream.linear.gather [hbm4b:s3+s2], $0x1000, $0x38;
	[tilespmem:$0x4680] =	vst v63  }
0x13: {  	_ =	swait.ge [sflag:s11], $0x1000  }
0x14: {  	[sflag:s11] =	ssyncset.done $0x0  }
0x15: {  	[sflag:s11] =	ssyncadd.s32 $0xFFFFF000  }
0x16: {  	[tilespmem:s12], [sflag:$0x1] =	stream.linear.gather [hbm4b:s4+s2], $0x1000, $0x38;
	[tilespmem:$0x4680] =	vst v63  }
0x17: {  	_ =	swait.ge [sflag:s11], $0x1000  }
0x18: {  	[sflag:s11] =	ssyncset.done $0x0  }
0x19: {  	[sflag:s11] =	ssyncadd.s32 $0xFFFFF000  }
0x1a: {  	[tilespmem:s13], [sflag:$0x1] =	stream.linear.gather [hbm4b:s5+s2], $0x1000, $0x38;
	[tilespmem:$0x4680] =	vst v63  }
0x1b: {  	_ =	swait.ge [sflag:s11], $0x1000  }
0x1c: {  	[sflag:s11] =	ssyncset.done $0x0  }
0x1d: {  	[sflag:s11] =	ssyncadd.s32 $0xFFFFF000  }
0x1e: {  	[tilespmem:s14], [sflag:$0x1] =	stream.linear.gather [hbm4b:s6+s2], $0x40, $0x38;
	[tilespmem:$0x4680] =	vst v63  }
0x1f: {  	_ =	swait.ge [sflag:s11], $0x40  }
0x20: {  	[sflag:s11] =	ssyncset.done $0x0  }
0x21: {  	[sflag:s11] =	ssyncadd.s32 $0xFFFFFFC0  }
0x22: {  	[tilespmem:s15], [sflag:$0x1] =	stream.linear.gather [hbm4b:s7+s2], $0x40, $0x38;
	[tilespmem:$0x4680] =	vst v63  }
0x23: {  	_ =	swait.ge [sflag:s11], $0x40  }
0x24: {  	[sflag:s11] =	ssyncset.done $0x0  }
0x25: {  	[sflag:s11] =	ssyncadd.s32 $0xFFFFFFC0  }
0x26: {  	[tilespmem:s16], [sflag:$0x1] =	stream.linear.gather [hbm4b:s8+s2], $0x40, $0x38;
	[tilespmem:$0x4680] =	vst v63  }
0x27: {  	_ =	swait.ge [sflag:s11], $0x40  }
0x28: {  	[sflag:s11] =	ssyncset.done $0x0  }
0x29: {  	s19 =	simm.s32 $0x20;
	[sflag:s11] =	ssyncadd.s32 $0xFFFFFFC0  }
0x2a: {  	s20 =	simm.s32 $0x1020;
	v2 =	vld [tilespmem:s19+$0xFFFFFFE0]  }
0x2b: {  	v3 =	vld [tilespmem:s20+$0xFFFFFFE0]  }
0x2c: {  	s21 =	simm.s32 $0x2020  }
0x2d: {  	v4 =	vld [tilespmem:s21+$0xFFFFFFE0];
	_ =	sdelay $0x2  }
0x2e: {  	v5 =	vmul.f32 v2, v2;
	v6 =	vmul.f32 v3, v3  }
0x2f: {  	v7 =	vshrl.u32 v2, $0x10  }
0x30: {  	v7 =	vand.u32 $0x1, v7;
	v5 =	vadd.f32 v6, v5;
	v6 =	vmul.f32 v4, v4  }
0x31: {  	v2 =	vadd.s32 v7, v2;
	v7 =	vshrl.u32 v3, $0x10  }
0x32: {  	v8 =	vshrl.u32 v4, $0x10;
	v7 =	vand.u32 $0x1, v7;
	v5 =	vadd.f32 v6, v5  }
0x33: {  	s22 =	simm.s32 $0x3020;
	v2 =	vadd.s32 $0x7FFF, v2;
	v3 =	vadd.s32 v7, v3;
	v6 =	vand.u32 $0x1, v8  }
0x34: {  	v2 =	vand.u32 $0xFFFF0000, v2;
	v3 =	vadd.s32 $0x7FFF, v3;
	v4 =	vadd.s32 v6, v4;
	[tilespmem:s22+$0xFFFFFFE0] =	vst v5  }
0x35: {  	v4 =	vadd.s32 $0x7FFF, v4;
	[tilespmem:s19+$0xFFFFFFE0] =	vst v2;
	v2 =	vand.u32 $0xFFFF0000, v3  }
0x36: {  	[tilespmem:s20+$0xFFFFFFE0] =	vst v2;
	v2 =	vand.u32 $0xFFFF0000, v4  }
0x37: {  	[tilespmem:s21+$0xFFFFFFE0] =	vst v2  }
0x38: {  	v2 =	vld [tilespmem:s19+$0xFFFFFFF0]  }
0x39: {  	v3 =	vld [tilespmem:s20+$0xFFFFFFF0];
	_ =	sdelay $0x1  }
0x3a: {  	v4 =	vld [tilespmem:s21+$0xFFFFFFF0];
	_ =	sdelay $0x2  }
0x3b: {  	v5 =	vmul.f32 v2, v2;
	v6 =	vmul.f32 v3, v3  }
0x3c: {  	v7 =	vshrl.u32 v2, $0x10  }
0x3d: {  	v59 =	vmul.f32 v4, v4;
	v7 =	vand.u32 $0x1, v7;
	v5 =	vadd.f32 v6, v5  }
0x3e: {  	v6 =	vshrl.u32 v3, $0x10;
	v2 =	vadd.s32 v7, v2  }
0x3f: {  	v7 =	vshrl.u32 v4, $0x10;
	v6 =	vand.u32 $0x1, v6;
	v5 =	vadd.f32 v59, v5  }
0x40: {  	v2 =	vadd.s32 $0x7FFF, v2;
	v3 =	vadd.s32 v6, v3;
	v6 =	vand.u32 $0x1, v7  }
0x41: {  	v2 =	vand.u32 $0xFFFF0000, v2;
	v3 =	vadd.s32 $0x7FFF, v3;
	v4 =	vadd.s32 v6, v4;
	[tilespmem:s22+$0xFFFFFFF0] =	vst v5  }
0x42: {  	v3 =	vand.u32 $0xFFFF0000, v3;
	v4 =	vadd.s32 $0x7FFF, v4;
	[tilespmem:s19+$0xFFFFFFF0] =	vst v2  }
0x43: {  	v2 =	vand.u32 $0xFFFF0000, v4;
	[tilespmem:s20+$0xFFFFFFF0] =	vst v3  }
0x44: {  	[tilespmem:s21+$0xFFFFFFF0] =	vst v2  }
0x45: {  	v2 =	vld [tilespmem:s19+$0x0]  }
0x46: {  	v3 =	vld [tilespmem:s20+$0x0]  }
0x47: {  	v4 =	vld [tilespmem:s21+$0x0];
	_ =	sdelay $0x3  }
0x48: {  	v5 =	vmul.f32 v2, v2;
	v6 =	vmul.f32 v3, v3  }
0x49: {  	v7 =	vmul.f32 v4, v4  }
0x4a: {  	v60 =	vshrl.u32 v2, $0x10;
	v9 =	vshrl.u32 v3, $0x10;
	v5 =	vadd.f32 v6, v5  }
0x4b: {  	v8 =	vand.u32 $0x1, v60;
	v61 =	vand.u32 $0x1, v9  }
0x4c: {  	v6 =	vshrl.u32 v4, $0x10;
	v2 =	vadd.s32 v8, v2;
	v5 =	vadd.f32 v7, v5  }
0x4d: {  	v3 =	vadd.s32 v61, v3;
	v6 =	vand.u32 $0x1, v6;
	v2 =	vadd.s32 $0x7FFF, v2  }
0x4e: {  	v3 =	vadd.s32 $0x7FFF, v3;
	v4 =	vadd.s32 v6, v4;
	v2 =	vand.u32 $0xFFFF0000, v2;
	[tilespmem:s22+$0x0] =	vst v5  }
0x4f: {  	v3 =	vand.u32 $0xFFFF0000, v3;
	v4 =	vadd.s32 $0x7FFF, v4;
	[tilespmem:s19+$0x0] =	vst v2  }
0x50: {  	v2 =	vand.u32 $0xFFFF0000, v4;
	[tilespmem:s20+$0x0] =	vst v3  }
0x51: {  	[tilespmem:s21+$0x0] =	vst v2;
	v2 =	vld [tilespmem:s21+$0x10]  }
0x52: {  	v3 =	vld [tilespmem:s19+$0x10]  }
0x53: {  	v4 =	vld [tilespmem:s20+$0x10];
	_ =	sdelay $0x3  }
0x54: {  	v5 =	vshrl.u32 v2, $0x10;
	v63 =	vmul.f32 v2, v2;
	v6 =	vshrl.u32 v3, $0x10  }
0x55: {  	v7 =	vmul.f32 v3, v3;
	v62 =	vmul.f32 v4, v4;
	v6 =	vand.u32 $0x1, v6  }
0x56: {  	v10 =	vshrl.u32 v4, $0x10;
	v5 =	vand.u32 $0x1, v5;
	v3 =	vadd.s32 v6, v3  }
0x57: {  	v6 =	vand.u32 $0x1, v10;
	v7 =	vadd.f32 v62, v7;
	v3 =	vadd.s32 $0x7FFF, v3  }
0x58: {  	v5 =	vadd.s32 v5, v2;
	v4 =	vadd.s32 v6, v4;
	v2 =	vand.u32 $0xFFFF0000, v3  }
0x59: {  	s23 =	simm.s32 $0x0;
	v3 =	vadd.s32 $0x7FFF, v4;
	v4 =	vadd.s32 $0x7FFF, v5;
	v5 =	vadd.f32 v63, v7  }
0x5a: {  	s25 =	simm.s32 $0x1060;
	s26 =	simm.s32 $0x60;
	s24 =	simm.s32 $0x2020;
	v3 =	vand.u32 $0xFFFF0000, v3;
	v4 =	vand.u32 $0xFFFF0000, v4  }
.LBB2_2:
0x5b: {  	s23 =	sadd.s32 $0x4, s23;
	[tilespmem:s22+$0x10] =	vst v5;
	s22 =	sadd.s32 $0x40, s22;
	s21 =	sadd.s32 $0x40, s21  }
0x5c: {  	p0 =	slt.u32 s23, $0xFC;
	[tilespmem:s19+$0x10] =	vst v2;
	s19 =	smov.u32 s26  }
0x5d: {  	[tilespmem:s20+$0x10] =	vst v3;
	s20 =	smov.u32 s25  }
0x5e: {  	[tilespmem:s24+$0x10] =	vst v4;
	s24 =	smov.u32 s21  }
0x5f: {  	v2 =	vld [tilespmem:s26+$0xFFFFFFE0]  }
0x60: {  	v3 =	vld [tilespmem:s25+$0xFFFFFFE0];
	_ =	sdelay $0x1  }
0x61: {  	v4 =	vld [tilespmem:s21+$0xFFFFFFE0];
	_ =	sdelay $0x1  }
0x62: {  	v5 =	vshrl.u32 v2, $0x10  }
0x63: {  	v6 =	vmul.f32 v2, v2;
	v7 =	vmul.f32 v3, v3;
	v5 =	vand.u32 $0x1, v5  }
0x64: {  	v2 =	vadd.s32 v5, v2;
	v5 =	vshrl.u32 v3, $0x10  }
0x65: {  	v6 =	vadd.f32 v7, v6;
	v7 =	vmul.f32 v4, v4;
	v5 =	vand.u32 $0x1, v5  }
0x66: {  	v3 =	vadd.s32 v5, v3;
	v5 =	vshrl.u32 v4, $0x10  }
0x67: {  	v6 =	vadd.f32 v7, v6;
	v3 =	vadd.s32 $0x7FFF, v3;
	v5 =	vand.u32 $0x1, v5  }
0x68: {  	v2 =	vadd.s32 $0x7FFF, v2;
	v4 =	vadd.s32 v5, v4  }
0x69: {  	v2 =	vand.u32 $0xFFFF0000, v2;
	[tilespmem:s22+$0xFFFFFFE0] =	vst v6;
	v4 =	vadd.s32 $0x7FFF, v4  }
0x6a: {  	[tilespmem:s26+$0xFFFFFFE0] =	vst v2;
	v2 =	vand.u32 $0xFFFF0000, v3  }
0x6b: {  	[tilespmem:s25+$0xFFFFFFE0] =	vst v2;
	v2 =	vand.u32 $0xFFFF0000, v4  }
0x6c: {  	[tilespmem:s21+$0xFFFFFFE0] =	vst v2  }
0x6d: {  	v2 =	vld [tilespmem:s26+$0xFFFFFFF0]  }
0x6e: {  	v3 =	vld [tilespmem:s25+$0xFFFFFFF0]  }
0x6f: {  	v4 =	vld [tilespmem:s21+$0xFFFFFFF0];
	_ =	sdelay $0x2  }
0x70: {  	v5 =	vmul.f32 v2, v2;
	v6 =	vshrl.u32 v2, $0x10  }
0x71: {  	v7 =	vmul.f32 v3, v3;
	v6 =	vand.u32 $0x1, v6;
	v8 =	vshrl.u32 v3, $0x10  }
0x72: {  	v9 =	vmul.f32 v4, v4;
	v2 =	vadd.s32 v6, v2;
	v6 =	vand.u32 $0x1, v8  }
0x73: {  	v5 =	vadd.f32 v7, v5;
	v2 =	vadd.s32 $0x7FFF, v2;
	v3 =	vadd.s32 v6, v3  }
0x74: {  	v6 =	vshrl.u32 v4, $0x10;
	v3 =	vadd.s32 $0x7FFF, v3  }
0x75: {  	v6 =	vand.u32 $0x1, v6;
	v5 =	vadd.f32 v9, v5  }
0x76: {  	v2 =	vand.u32 $0xFFFF0000, v2;
	v4 =	vadd.s32 v6, v4  }
0x77: {  	v3 =	vand.u32 $0xFFFF0000, v3;
	v4 =	vadd.s32 $0x7FFF, v4;
	[tilespmem:s22+$0xFFFFFFF0] =	vst v5  }
0x78: {  	[tilespmem:s26+$0xFFFFFFF0] =	vst v2;
	v2 =	vand.u32 $0xFFFF0000, v4  }
0x79: {  	[tilespmem:s25+$0xFFFFFFF0] =	vst v3  }
0x7a: {  	[tilespmem:s21+$0xFFFFFFF0] =	vst v2;
	v2 =	vld [tilespmem:s21+$0x0]  }
0x7b: {  	v3 =	vld [tilespmem:s26+$0x0]  }
0x7c: {  	v4 =	vld [tilespmem:s25+$0x0];
	_ =	sdelay $0x2  }
0x7d: {  	v5 =	vshrl.u32 v2, $0x10  }
0x7e: {  	v7 =	vmul.f32 v2, v2;
	v6 =	vmul.f32 v3, v3;
	v8 =	vshrl.u32 v3, $0x10  }
0x7f: {  	v9 =	vmul.f32 v4, v4;
	v8 =	vand.u32 $0x1, v8;
	v10 =	vshrl.u32 v4, $0x10  }
0x80: {  	v5 =	vand.u32 $0x1, v5;
	v3 =	vadd.s32 v8, v3;
	v8 =	vand.u32 $0x1, v10  }
0x81: {  	v6 =	vadd.f32 v9, v6;
	v3 =	vadd.s32 $0x7FFF, v3;
	v4 =	vadd.s32 v8, v4  }
0x82: {  	v2 =	vadd.s32 v5, v2;
	v4 =	vadd.s32 $0x7FFF, v4  }
0x83: {  	v2 =	vadd.s32 $0x7FFF, v2;
	v3 =	vand.u32 $0xFFFF0000, v3;
	v5 =	vadd.f32 v7, v6  }
0x84: {  	v4 =	vand.u32 $0xFFFF0000, v4  }
0x85: {  	v2 =	vand.u32 $0xFFFF0000, v2;
	[tilespmem:s22+$0x0] =	vst v5  }
0x86: {  	[tilespmem:s26+$0x0] =	vst v3  }
0x87: {  	[tilespmem:s25+$0x0] =	vst v4  }
0x88: {  	[tilespmem:s21+$0x0] =	vst v2;
	v3 =	vld [tilespmem:s21+$0x10]  }
0x89: {  	v2 =	vld [tilespmem:s26+$0x10]  }
0x8a: {  	v4 =	vld [tilespmem:s25+$0x10];
	_ =	sdelay $0x2  }
0x8b: {  	v5 =	vshrl.u32 v3, $0x10  }
0x8c: {  	v7 =	vmul.f32 v3, v3;
	v6 =	vmul.f32 v2, v2;
	v8 =	vshrl.u32 v2, $0x10  }
0x8d: {  	v9 =	vmul.f32 v4, v4;
	v8 =	vand.u32 $0x1, v8;
	v10 =	vshrl.u32 v4, $0x10  }
.Ltmp0:
0x8e: {  	v5 =	vand.u32 $0x1, v5;
	v2 =	vadd.s32 v8, v2;
	v8 =	vand.u32 $0x1, v10;
	(pc) =	sbr.rel @p0 .LBB2_2-.Ltmp0, $4  }
0x8f: {  	v6 =	vadd.f32 v9, v6;
	v2 =	vadd.s32 $0x7FFF, v2;
	v4 =	vadd.s32 v8, v4  }
0x90: {  	v8 =	vadd.s32 v5, v3;
	v2 =	vand.u32 $0xFFFF0000, v2;
	v4 =	vadd.s32 $0x7FFF, v4  }
0x91: {  	v5 =	vadd.f32 v7, v6;
	v3 =	vand.u32 $0xFFFF0000, v4;
	v4 =	vadd.s32 $0x7FFF, v8  }
0x92: {  	s26 =	sadd.s32 $0x40, s26;
	s25 =	sadd.s32 $0x40, s25;
	v4 =	vand.u32 $0xFFFF0000, v4  }
0x93: {  	[tilespmem:s22+$0x10] =	vst v5  }
0x94: {  	[tilespmem:s19+$0x10] =	vst v2  }
0x95: {  	[tilespmem:s20+$0x10] =	vst v3  }
0x96: {  	[tilespmem:s24+$0x10] =	vst v4  }
0x97: {  	[tilespmem:$0x4180] =	vst v0  }
0x98: {  	[tilespmem:$0x4190] =	vst v0  }
0x99: {  	[tilespmem:$0x41A0] =	vst v0  }
0x9a: {  	[tilespmem:$0x41B0] =	vst v0  }
0x9b: {  	[tilespmem:$0x41C0] =	vst v0  }
0x9c: {  	[tilespmem:$0x41D0] =	vst v0  }
0x9d: {  	[tilespmem:$0x41E0] =	vst v0  }
0x9e: {  	[tilespmem:$0x41F0] =	vst v0  }
0x9f: {  	[tilespmem:$0x4200] =	vst v0  }
0xa0: {  	[tilespmem:$0x4210] =	vst v0  }
0xa1: {  	[tilespmem:$0x4220] =	vst v0  }
0xa2: {  	[tilespmem:$0x4230] =	vst v0  }
0xa3: {  	[tilespmem:$0x4240] =	vst v0  }
0xa4: {  	[tilespmem:$0x4250] =	vst v0  }
0xa5: {  	[tilespmem:$0x4260] =	vst v0  }
0xa6: {  	[tilespmem:$0x4270] =	vst v0  }
0xa7: {  	[tilespmem:$0x4280] =	vst v0  }
0xa8: {  	[tilespmem:$0x4290] =	vst v0  }
0xa9: {  	[tilespmem:$0x42A0] =	vst v0  }
0xaa: {  	[tilespmem:$0x42B0] =	vst v0  }
0xab: {  	[tilespmem:$0x42C0] =	vst v0  }
0xac: {  	[tilespmem:$0x42D0] =	vst v0  }
0xad: {  	[tilespmem:$0x42E0] =	vst v0  }
0xae: {  	[tilespmem:$0x42F0] =	vst v0  }
0xaf: {  	[tilespmem:$0x4300] =	vst v0  }
0xb0: {  	[tilespmem:$0x4310] =	vst v0  }
0xb1: {  	[tilespmem:$0x4320] =	vst v0  }
0xb2: {  	[tilespmem:$0x4330] =	vst v0  }
0xb3: {  	[tilespmem:$0x4340] =	vst v0  }
0xb4: {  	[tilespmem:$0x4350] =	vst v0  }
0xb5: {  	[tilespmem:$0x4360] =	vst v0  }
0xb6: {  	[tilespmem:$0x4370] =	vst v0  }
0xb7: {  	[tilespmem:$0x4380] =	vst v0  }
0xb8: {  	[tilespmem:$0x4390] =	vst v0  }
0xb9: {  	[tilespmem:$0x43A0] =	vst v0  }
0xba: {  	[tilespmem:$0x43B0] =	vst v0  }
0xbb: {  	[tilespmem:$0x43C0] =	vst v0  }
0xbc: {  	[tilespmem:$0x43D0] =	vst v0  }
0xbd: {  	[tilespmem:$0x43E0] =	vst v0  }
0xbe: {  	[tilespmem:$0x43F0] =	vst v0  }
0xbf: {  	[tilespmem:$0x4400] =	vst v0  }
0xc0: {  	[tilespmem:$0x4410] =	vst v0  }
0xc1: {  	[tilespmem:$0x4420] =	vst v0  }
0xc2: {  	[tilespmem:$0x4430] =	vst v0  }
0xc3: {  	[tilespmem:$0x4440] =	vst v0  }
0xc4: {  	[tilespmem:$0x4450] =	vst v0  }
0xc5: {  	[tilespmem:$0x4460] =	vst v0  }
0xc6: {  	[tilespmem:$0x4470] =	vst v0  }
0xc7: {  	[tilespmem:$0x4480] =	vst v0  }
0xc8: {  	[tilespmem:$0x4490] =	vst v0  }
0xc9: {  	[tilespmem:$0x44A0] =	vst v0  }
0xca: {  	[tilespmem:$0x44B0] =	vst v0  }
0xcb: {  	[tilespmem:$0x44C0] =	vst v0  }
0xcc: {  	[tilespmem:$0x44D0] =	vst v0  }
0xcd: {  	[tilespmem:$0x44E0] =	vst v0  }
0xce: {  	[tilespmem:$0x44F0] =	vst v0  }
0xcf: {  	[tilespmem:$0x4500] =	vst v0  }
0xd0: {  	[tilespmem:$0x4510] =	vst v0  }
0xd1: {  	[tilespmem:$0x4520] =	vst v0  }
0xd2: {  	[tilespmem:$0x4530] =	vst v0  }
0xd3: {  	[tilespmem:$0x4540] =	vst v0  }
0xd4: {  	[tilespmem:$0x4550] =	vst v0  }
0xd5: {  	[tilespmem:$0x4560] =	vst v0  }
0xd6: {  	s19 =	simm.s32 $0x0;
	[tilespmem:$0x4570] =	vst v0  }
.LBB2_4:
0xd7: {  	s20 =	sshll.u32 s19, $0x7  }
0xd8: {  	v2 =	vld [tilespmem:s20+$0x0]  }
0xd9: {  	v3 =	vld [tilespmem:s20+$0x10]  }
0xda: {  	v4 =	vld [tilespmem:s20+$0x20]  }
0xdb: {  	v5 =	vld [tilespmem:s20+$0x30]  }
0xdc: {  	v6 =	vld [tilespmem:s20+$0x40]  }
0xdd: {  	v7 =	vld [tilespmem:s20+$0x50]  }
0xde: {  	v8 =	vld [tilespmem:s20+$0x60]  }
0xdf: {  	v9 =	vld [tilespmem:s20+$0x70]  }
0xe0: {  	v10 =	vld [tilespmem:s20+$0x1000]  }
0xe1: {  	v11 =	vld [tilespmem:s20+$0x1010]  }
0xe2: {  	v12 =	vld [tilespmem:s20+$0x1020]  }
0xe3: {  	v13 =	vld [tilespmem:s20+$0x1030]  }
0xe4: {  	v14 =	vld [tilespmem:s20+$0x1040]  }
0xe5: {  	v15 =	vld [tilespmem:s20+$0x1050]  }
0xe6: {  	v16 =	vld [tilespmem:s20+$0x1060]  }
0xe7: {  	v17 =	vld [tilespmem:s20+$0x1070]  }
0xe8: {  	v18 =	vld [tilespmem:s20+$0x2000]  }
0xe9: {  	v19 =	vld [tilespmem:s20+$0x2010]  }
0xea: {  	v20 =	vld [tilespmem:s20+$0x2020]  }
0xeb: {  	v21 =	vld [tilespmem:s20+$0x2030]  }
0xec: {  	v22 =	vld [tilespmem:s20+$0x2040]  }
0xed: {  	v23 =	vld [tilespmem:s20+$0x2050]  }
0xee: {  	v24 =	vld [tilespmem:s20+$0x2060]  }
0xef: {  	v25 =	vld [tilespmem:s20+$0x2070]  }
0xf0: {  	v26 =	vld [tilespmem:s20+$0x3000]  }
0xf1: {  	v27 =	vld [tilespmem:s20+$0x3010]  }
0xf2: {  	v28 =	vld [tilespmem:s20+$0x3020]  }
0xf3: {  	v29 =	vld [tilespmem:s20+$0x3030]  }
0xf4: {  	v30 =	vld [tilespmem:s20+$0x3040]  }
0xf5: {  	v31 =	vld [tilespmem:s20+$0x3050]  }
0xf6: {  	v32 =	vld [tilespmem:s20+$0x3060]  }
0xf7: {  	s21 =	simm.s32 $0x0;
	v33 =	vld [tilespmem:s20+$0x3070];
	s20 =	simm.s32 $0x4200  }
.LBB2_5:
0xf8: {  	s22 =	sshra.s32 s21, $0x2  }
0xf9: {  	v34 =	vld [tilespmem:s22+$0x4000]  }
0xfa: {  	v35 =	vld [tilespmem:s22+$0x4080]  }
0xfb: {  	v36 =	vld [tilespmem:s22+$0x4100];
	_ =	sdelay $0x3  }
0xfc: {  	v37 =	vshrl.u32 v34, $0x10  }
0xfd: {  	v38 =	vshrl.u32 v35, $0x10;
	v39 =	vshrl.u32 v36, $0x10;
	v37 =	vand.u32 $0x1, v37  }
0xfe: {  	v38 =	vand.u32 $0x1, v38;
	v51 =	vand.u32 $0x1, v39;
	v34 =	vadd.s32 v37, v34  }
0xff: {  	v35 =	vadd.s32 v38, v35;
	v36 =	vadd.s32 v51, v36;
	v34 =	vadd.s32 $0x7FFF, v34  }
0x100: {  	v35 =	vadd.s32 $0x7FFF, v35;
	v53 =	vadd.s32 $0x7FFF, v36;
	v34 =	vand.u32 $0xFFFF0000, v34  }
0x101: {  	v52 =	vand.u32 $0xFFFF0000, v35;
	v54 =	vand.u32 $0xFFFF0000, v53;
	v35 =	vmul.f32 $-2.000000000e+00, v34  }
0x102: {  	v36 =	vmul.f32 $-2.000000000e+00, v52;
	v34 =	vmul.f32 $-2.000000000e+00, v54  }
0x103: {  	v37 =	vbroadcast v35, $0x0  }
0x104: {  	v38 =	vbroadcast v36, $0x0;
	v39 =	vbroadcast v34, $0x0  }
0x105: {  	v50 =	vbroadcast v34, $0x1;
	v40 =	vmul.f32 v37, v2  }
0x106: {  	v41 =	vmul.f32 v38, v10;
	v42 =	vmul.f32 v39, v18  }
0x107: {  	v43 =	vmul.f32 v37, v3;
	v44 =	vmul.f32 v38, v11  }
0x108: {  	v45 =	vmul.f32 v39, v19;
	v57 =	vmul.f32 v37, v4  }
0x109: {  	v58 =	vmul.f32 v38, v12;
	v59 =	vmul.f32 v39, v20  }
0x10a: {  	v60 =	vmul.f32 v37, v5;
	v46 =	vmul.f32 v38, v13  }
0x10b: {  	v47 =	vmul.f32 v39, v21;
	v63 =	vmul.f32 v37, v6  }
0x10c: {  	v52 =	vmul.f32 v38, v14;
	v53 =	vmul.f32 v39, v22  }
0x10d: {  	v48 =	vmul.f32 v37, v7;
	v40 =	vadd.f32 v40, v26;
	v41 =	vadd.f32 v42, v41  }
0x10e: {  	v54 =	vmul.f32 v38, v15;
	v55 =	vadd.f32 v43, v27;
	v56 =	vadd.f32 v45, v44  }
0x10f: {  	v49 =	vmul.f32 v39, v23;
	v43 =	vadd.f32 v59, v58;
	v61 =	vadd.f32 v60, v29  }
0x110: {  	v51 =	vmul.f32 v50, v18;
	v62 =	vadd.f32 v47, v46;
	v46 =	vadd.f32 v63, v30  }
0x111: {  	v45 =	vadd.f32 v49, v54;
	v58 =	vmul.f32 v39, v24;
	v39 =	vmul.f32 v39, v25  }
0x112: {  	v49 =	vbroadcast v36, $0x1;
	v54 =	vmul.f32 v50, v19;
	v40 =	vadd.f32 v41, v40  }
0x113: {  	v47 =	vbroadcast v34, $0x2;
	v42 =	vadd.f32 v56, v55;
	v41 =	vadd.f32 v57, v28  }
0x114: {  	v44 =	vadd.f32 v62, v61;
	v56 =	vmul.f32 v37, v8;
	v57 =	vmul.f32 v38, v16  }
0x115: {  	v55 =	vadd.f32 v48, v31;
	v37 =	vmul.f32 v37, v9;
	v38 =	vmul.f32 v38, v17  }
0x116: {  	v48 =	vbroadcast v35, $0x1;
	v41 =	vadd.f32 v43, v41;
	v43 =	vadd.f32 v53, v52  }
0x117: {  	v61 =	vmul.f32 v49, v10;
	v45 =	vadd.f32 v45, v55;
	v59 =	vadd.f32 v56, v32  }
0x118: {  	v37 =	vadd.f32 v37, v33;
	v38 =	vadd.f32 v39, v38;
	v60 =	vmul.f32 v48, v2  }
0x119: {  	v62 =	vmin.f32 v40, v42;
	v52 =	vmul.f32 v48, v3;
	v53 =	vmul.f32 v49, v11  }
0x11a: {  	v51 =	vadd.f32 v51, v61;
	v55 =	vmul.f32 v48, v4;
	v56 =	vmul.f32 v49, v12  }
0x11b: {  	v61 =	vmul.f32 v48, v5;
	v43 =	vadd.f32 v43, v46;
	v46 =	vadd.f32 v58, v57  }
0x11c: {  	v37 =	vadd.f32 v38, v37;
	v63 =	vmin.f32 v41, v44;
	v39 =	vadd.f32 v60, v26  }
0x11d: {  	v57 =	vmul.f32 v50, v20;
	v58 =	vadd.f32 v54, v53;
	v54 =	vmul.f32 v48, v6  }
0x11e: {  	v53 =	vmul.f32 v50, v24;
	v38 =	vmin.f32 v62, v63;
	v62 =	vmul.f32 v49, v13  }
0x11f: {  	v63 =	vmul.f32 v50, v21;
	v46 =	vadd.f32 v46, v59;
	v39 =	vadd.f32 v51, v39  }
0x120: {  	v41 =	vmin.f32 v43, v45;
	v43 =	vadd.f32 v52, v27;
	v59 =	vadd.f32 v55, v28  }
0x121: {  	v60 =	vadd.f32 v57, v56;
	v55 =	vmul.f32 v49, v14;
	v56 =	vmul.f32 v50, v22  }
0x122: {  	v57 =	vadd.f32 v61, v29;
	v61 =	vmul.f32 v49, v15;
	v52 =	vmul.f32 v49, v16  }
0x123: {  	v49 =	vmul.f32 v49, v17;
	v51 =	vbroadcast v34, $0x4;
	v40 =	vadd.f32 v58, v43  }
0x124: {  	v37 =	vmin.f32 v46, v37;
	v42 =	vadd.f32 v60, v59;
	v43 =	vadd.f32 v63, v62  }
0x125: {  	v58 =	vadd.f32 v54, v30;
	v59 =	vmul.f32 v48, v7;
	v62 =	vmul.f32 v50, v23  }
0x126: {  	v44 =	vadd.f32 v56, v55;
	v63 =	vmul.f32 v48, v8;
	v48 =	vmul.f32 v48, v9  }
0x127: {  	v55 =	vadd.f32 v53, v52;
	v37 =	vmin.f32 v41, v37;
	v41 =	vadd.f32 v43, v57  }
0x128: {  	v50 =	vmul.f32 v50, v25;
	v44 =	vadd.f32 v44, v58;
	v46 =	vadd.f32 v59, v31  }
0x129: {  	v60 =	vld [tilespmem:s20+$0xFFFFFF80];
	v43 =	vadd.f32 v62, v61;
	v37 =	vmin.f32 v38, v37;
	v54 =	vadd.f32 v63, v32  }
0x12a: {  	v56 =	vadd.f32 v48, v33;
	v57 =	vadd.f32 v50, v49;
	v49 =	vbroadcast v36, $0x2  }
0x12b: {  	v39 =	vmin.f32 v39, v40;
	v63 =	vmul.f32 v47, v19;
	v50 =	vbroadcast v36, $0x4  }
0x12c: {  	v43 =	vadd.f32 v43, v46;
	v46 =	vbroadcast v35, $0x2;
	v38 =	vadd.f32 v55, v54  }
0x12d: {  	v45 =	vadd.f32 v57, v56;
	v59 =	vmul.f32 v49, v10;
	v41 =	vmin.f32 v42, v41  }
0x12e: {  	v62 =	vmul.f32 v49, v11;
	v37 =	vmin.f32 v60, v37;
	v60 =	vmul.f32 v47, v18  }
0x12f: {  	v39 =	vmin.f32 v39, v41;
	v58 =	vmul.f32 v46, v2;
	v61 =	vmul.f32 v46, v3  }
0x130: {  	v43 =	vmin.f32 v44, v43;
	v57 =	vadd.f32 v63, v62;
	v62 =	vmul.f32 v49, v13  }
0x131: {  	v63 =	vmul.f32 v47, v21;
	v38 =	vmin.f32 v38, v45;
	v42 =	vadd.f32 v60, v59  }
0x132: {  	v59 =	vmul.f32 v49, v12;
	v60 =	vmul.f32 v47, v20;
	v38 =	vmin.f32 v43, v38  }
0x133: {  	v40 =	vadd.f32 v58, v26;
	v56 =	vadd.f32 v61, v27;
	v58 =	vmul.f32 v46, v4  }
0x134: {  	v61 =	vmul.f32 v46, v5;
	v48 =	vadd.f32 v63, v62;
	v62 =	vmul.f32 v47, v23  }
0x135: {  	v38 =	vmin.f32 v39, v38;
	v40 =	vadd.f32 v42, v40;
	v44 =	vadd.f32 v57, v56  }
0x136: {  	v54 =	vadd.f32 v58, v28;
	v42 =	vadd.f32 v60, v59;
	v56 =	vmul.f32 v46, v6  }
0x137: {  	v55 =	vadd.f32 v61, v29;
	v57 =	vmul.f32 v49, v14;
	v58 =	vmul.f32 v47, v22  }
0x138: {  	v59 =	vmul.f32 v46, v7;
	v61 =	vmul.f32 v49, v15;
	v42 =	vadd.f32 v42, v54  }
0x139: {  	v41 =	vadd.f32 v48, v55;
	v60 =	vadd.f32 v56, v30;
	v56 =	vmul.f32 v46, v8  }
0x13a: {  	v63 =	vld [tilespmem:s20+$0xFFFFFF90];
	v54 =	vadd.f32 v58, v57;
	v57 =	vmul.f32 v49, v16;
	v58 =	vmul.f32 v47, v24  }
0x13b: {  	v55 =	vadd.f32 v59, v31;
	v46 =	vmul.f32 v46, v9;
	v59 =	vmul.f32 v49, v17  }
0x13c: {  	v45 =	vadd.f32 v62, v61;
	v47 =	vmul.f32 v47, v25;
	v48 =	vbroadcast v36, $0x3  }
0x13d: {  	[tilespmem:s20+$0xFFFFFF80] =	vst v37;
	v40 =	vmin.f32 v40, v44;
	v44 =	vbroadcast v34, $0x3;
	v37 =	vadd.f32 v54, v60  }
0x13e: {  	v49 =	vbroadcast v35, $0x4;
	v45 =	vadd.f32 v45, v55;
	v60 =	vadd.f32 v56, v32  }
0x13f: {  	v38 =	vmin.f32 v63, v38;
	v43 =	vadd.f32 v58, v57;
	v46 =	vadd.f32 v46, v33  }
0x140: {  	v47 =	vadd.f32 v47, v59;
	v62 =	vmul.f32 v48, v10;
	v63 =	vmul.f32 v44, v18  }
0x141: {  	v41 =	vmin.f32 v42, v41;
	v53 =	vmul.f32 v48, v11;
	v54 =	vmul.f32 v44, v19  }
0x142: {  	v40 =	vmin.f32 v40, v41;
	v39 =	vadd.f32 v43, v60;
	v43 =	vbroadcast v35, $0x3  }
0x143: {  	v46 =	vadd.f32 v47, v46;
	v37 =	vmin.f32 v37, v45;
	v60 =	vmul.f32 v48, v12  }
0x144: {  	v58 =	vadd.f32 v54, v53;
	v53 =	vmul.f32 v44, v21;
	v47 =	vbroadcast v34, $0x5  }
0x145: {  	v56 =	vadd.f32 v63, v62;
	v63 =	vld [tilespmem:s20+$0xFFFFFFA0];
	v61 =	vmul.f32 v43, v2;
	v52 =	vmul.f32 v43, v3  }
0x146: {  	v39 =	vmin.f32 v39, v46;
	v59 =	vmul.f32 v43, v4;
	v62 =	vmul.f32 v43, v5  }
0x147: {  	v37 =	vmin.f32 v37, v39;
	v55 =	vadd.f32 v61, v26;
	v57 =	vadd.f32 v52, v27  }
0x148: {  	v61 =	vmul.f32 v44, v20;
	v42 =	vadd.f32 v59, v28;
	v52 =	vmul.f32 v48, v13  }
0x149: {  	v37 =	vmin.f32 v40, v37;
	v54 =	vadd.f32 v62, v29;
	v59 =	vmul.f32 v43, v7  }
0x14a: {  	v37 =	vmin.f32 v63, v37;
	v63 =	vmul.f32 v43, v8;
	v41 =	vadd.f32 v56, v55  }
0x14b: {  	[tilespmem:s20+$0xFFFFFF90] =	vst v38;
	v38 =	vadd.f32 v58, v57;
	v39 =	vadd.f32 v61, v60;
	v56 =	vmul.f32 v43, v6  }
0x14c: {  	v55 =	vadd.f32 v53, v52;
	v57 =	vmul.f32 v48, v14;
	v58 =	vmul.f32 v44, v22  }
0x14d: {  	v60 =	vmul.f32 v48, v15;
	v61 =	vmul.f32 v44, v23;
	v62 =	vadd.f32 v59, v31  }
0x14e: {  	v52 =	vmul.f32 v48, v16;
	v53 =	vmul.f32 v44, v24;
	v39 =	vadd.f32 v39, v42  }
0x14f: {  	v43 =	vmul.f32 v43, v9;
	v40 =	vadd.f32 v55, v54;
	v46 =	vadd.f32 v56, v30  }
0x150: {  	v44 =	vmul.f32 v44, v25;
	v42 =	vadd.f32 v58, v57;
	v45 =	vadd.f32 v61, v60  }
0x151: {  	v54 =	vmul.f32 v48, v17;
	v55 =	vadd.f32 v63, v32;
	v56 =	vmul.f32 v49, v2  }
0x152: {  	v43 =	vadd.f32 v43, v33;
	v57 =	vmul.f32 v50, v10;
	v58 =	vmul.f32 v51, v18  }
0x153: {  	v38 =	vmin.f32 v41, v38;
	v61 =	vmul.f32 v49, v3;
	v42 =	vadd.f32 v42, v46  }
0x154: {  	v63 =	vmul.f32 v51, v19;
	v45 =	vadd.f32 v45, v62;
	v46 =	vadd.f32 v53, v52  }
0x155: {  	v44 =	vadd.f32 v44, v54;
	v39 =	vmin.f32 v39, v40;
	v62 =	vmul.f32 v50, v11  }
0x156: {  	v59 =	vadd.f32 v56, v26;
	v52 =	vmul.f32 v49, v4;
	v53 =	vmul.f32 v50, v12  }
0x157: {  	v60 =	vadd.f32 v58, v57;
	v54 =	vmul.f32 v51, v20;
	v58 =	vmul.f32 v49, v5  }
0x158: {  	v38 =	vmin.f32 v38, v39;
	v46 =	vadd.f32 v46, v55;
	v43 =	vadd.f32 v44, v43  }
0x159: {  	v40 =	vmin.f32 v42, v45;
	v41 =	vadd.f32 v60, v59;
	v44 =	vadd.f32 v61, v27  }
0x15a: {  	v55 =	vadd.f32 v63, v62;
	v56 =	vadd.f32 v52, v28;
	v59 =	vmul.f32 v50, v13  }
0x15b: {  	v57 =	vadd.f32 v54, v53;
	v60 =	vmul.f32 v51, v21;
	v61 =	vmul.f32 v49, v6  }
0x15c: {  	v62 =	vmul.f32 v50, v14;
	v63 =	vmul.f32 v51, v22;
	v54 =	vadd.f32 v58, v29  }
0x15d: {  	v58 =	vmul.f32 v50, v15;
	v39 =	vadd.f32 v55, v44;
	v42 =	vadd.f32 v57, v56  }
0x15e: {  	v44 =	vadd.f32 v60, v59;
	v56 =	vmul.f32 v49, v7;
	v59 =	vmul.f32 v51, v23  }
0x15f: {  	v55 =	vadd.f32 v61, v30;
	v60 =	vmul.f32 v49, v8;
	v61 =	vmul.f32 v50, v16  }
0x160: {  	v45 =	vadd.f32 v63, v62;
	v62 =	vmul.f32 v51, v24;
	v49 =	vmul.f32 v49, v9  }
0x161: {  	v43 =	vmin.f32 v46, v43;
	v63 =	vmul.f32 v50, v17;
	v50 =	vbroadcast v36, $0x7  }
0x162: {  	[tilespmem:s20+$0xFFFFFFA0] =	vst v37;
	v40 =	vmin.f32 v40, v43;
	v43 =	vadd.f32 v44, v54;
	v37 =	vadd.f32 v45, v55  }
0x163: {  	v57 =	vld [tilespmem:s20+$0xFFFFFFB0];
	v46 =	vadd.f32 v56, v31;
	v44 =	vadd.f32 v59, v58;
	v54 =	vmul.f32 v51, v25  }
0x164: {  	v38 =	vmin.f32 v38, v40;
	v55 =	vadd.f32 v60, v32;
	v56 =	vadd.f32 v62, v61  }
0x165: {  	v39 =	vmin.f32 v41, v39;
	v60 =	vmul.f32 v47, v18;
	v51 =	vbroadcast v34, $0x7  }
0x166: {  	v48 =	vadd.f32 v54, v63;
	v44 =	vadd.f32 v44, v46;
	v46 =	vbroadcast v35, $0x5  }
0x167: {  	v40 =	vadd.f32 v56, v55;
	v42 =	vmin.f32 v42, v43;
	v63 =	vmul.f32 v47, v19  }
0x168: {  	v38 =	vmin.f32 v57, v38;
	v57 =	vadd.f32 v49, v33;
	v49 =	vbroadcast v36, $0x5  }
0x169: {  	v39 =	vmin.f32 v39, v42;
	v58 =	vmul.f32 v46, v2;
	v61 =	vmul.f32 v46, v3  }
0x16a: {  	v37 =	vmin.f32 v37, v44;
	v45 =	vadd.f32 v48, v57;
	v59 =	vmul.f32 v49, v10  }
0x16b: {  	v62 =	vmul.f32 v49, v11;
	v41 =	vadd.f32 v58, v26;
	v56 =	vadd.f32 v61, v27  }
0x16c: {  	v58 =	vmul.f32 v46, v4;
	v61 =	vmul.f32 v46, v5;
	v43 =	vadd.f32 v60, v59  }
0x16d: {  	v57 =	vadd.f32 v63, v62;
	v59 =	vmul.f32 v49, v12;
	v60 =	vmul.f32 v47, v20  }
0x16e: {  	v62 =	vmul.f32 v49, v13;
	v63 =	vmul.f32 v47, v21;
	v40 =	vmin.f32 v40, v45  }
0x16f: {  	v54 =	vadd.f32 v58, v28;
	v55 =	vadd.f32 v61, v29;
	v58 =	vmul.f32 v47, v22  }
0x170: {  	v61 =	vmul.f32 v49, v15;
	v41 =	vadd.f32 v43, v41;
	v44 =	vadd.f32 v57, v56  }
0x171: {  	v43 =	vadd.f32 v60, v59;
	v48 =	vadd.f32 v63, v62;
	v56 =	vmul.f32 v46, v6  }
0x172: {  	v37 =	vmin.f32 v37, v40;
	v57 =	vmul.f32 v49, v14;
	v59 =	vmul.f32 v46, v7  }
0x173: {  	v62 =	vmul.f32 v47, v23;
	v43 =	vadd.f32 v43, v54;
	v42 =	vadd.f32 v48, v55  }
0x174: {  	v60 =	vadd.f32 v56, v30;
	v54 =	vadd.f32 v58, v57;
	v56 =	vmul.f32 v46, v8  }
0x175: {  	v55 =	vadd.f32 v59, v31;
	v57 =	vmul.f32 v49, v16;
	v58 =	vmul.f32 v47, v24  }
0x176: {  	v45 =	vadd.f32 v62, v61;
	v46 =	vmul.f32 v46, v9;
	v59 =	vmul.f32 v49, v17  }
0x177: {  	v63 =	vld [tilespmem:s20+$0xFFFFFFC0];
	v37 =	vmin.f32 v39, v37;
	v47 =	vmul.f32 v47, v25;
	v48 =	vbroadcast v36, $0x6  }
0x178: {  	[tilespmem:s20+$0xFFFFFFB0] =	vst v38;
	v41 =	vmin.f32 v41, v44;
	v38 =	vadd.f32 v54, v60;
	v45 =	vadd.f32 v45, v55  }
0x179: {  	v44 =	vbroadcast v34, $0x6;
	v60 =	vadd.f32 v56, v32;
	v40 =	vadd.f32 v58, v57  }
0x17a: {  	v49 =	vbroadcast v35, $0x7;
	v46 =	vadd.f32 v46, v33;
	v47 =	vadd.f32 v47, v59  }
0x17b: {  	v42 =	vmin.f32 v43, v42;
	v62 =	vmul.f32 v48, v10;
	v53 =	vmul.f32 v48, v11  }
0x17c: {  	v54 =	vmul.f32 v44, v19;
	v37 =	vmin.f32 v63, v37;
	v63 =	vmul.f32 v44, v18  }
0x17d: {  	v41 =	vmin.f32 v41, v42;
	v39 =	vadd.f32 v40, v60;
	v40 =	vbroadcast v35, $0x6  }
0x17e: {  	v46 =	vadd.f32 v47, v46;
	v38 =	vmin.f32 v38, v45;
	v60 =	vmul.f32 v48, v12  }
0x17f: {  	v58 =	vadd.f32 v54, v53;
	v53 =	vmul.f32 v44, v21;
	v47 =	vbroadcast v34, $0x8  }
0x180: {  	v56 =	vadd.f32 v63, v62;
	v61 =	vmul.f32 v40, v2;
	v52 =	vmul.f32 v40, v3  }
0x181: {  	v39 =	vmin.f32 v39, v46;
	v59 =	vmul.f32 v40, v4;
	v62 =	vmul.f32 v40, v5  }
0x182: {  	v38 =	vmin.f32 v38, v39;
	v55 =	vadd.f32 v61, v26;
	v57 =	vadd.f32 v52, v27  }
0x183: {  	v63 =	vld [tilespmem:s20+$0xFFFFFFD0];
	v61 =	vmul.f32 v44, v20;
	v43 =	vadd.f32 v59, v28;
	v52 =	vmul.f32 v48, v13  }
0x184: {  	v38 =	vmin.f32 v41, v38;
	v54 =	vadd.f32 v62, v29;
	v59 =	vmul.f32 v40, v7  }
0x185: {  	[tilespmem:s20+$0xFFFFFFC0] =	vst v37;
	v42 =	vadd.f32 v56, v55;
	v37 =	vadd.f32 v58, v57;
	v56 =	vmul.f32 v40, v6  }
0x186: {  	v39 =	vadd.f32 v61, v60;
	v57 =	vmul.f32 v48, v14;
	v58 =	vmul.f32 v44, v22  }
0x187: {  	v55 =	vadd.f32 v53, v52;
	v60 =	vmul.f32 v48, v15;
	v61 =	vmul.f32 v44, v23  }
0x188: {  	v38 =	vmin.f32 v63, v38;
	v62 =	vadd.f32 v59, v31;
	v63 =	vmul.f32 v40, v8  }
0x189: {  	v52 =	vmul.f32 v48, v16;
	v53 =	vmul.f32 v44, v24;
	v39 =	vadd.f32 v39, v43  }
0x18a: {  	v40 =	vmul.f32 v40, v9;
	v41 =	vadd.f32 v55, v54;
	v46 =	vadd.f32 v56, v30  }
0x18b: {  	v44 =	vmul.f32 v44, v25;
	v43 =	vadd.f32 v58, v57;
	v45 =	vadd.f32 v61, v60  }
0x18c: {  	v54 =	vmul.f32 v48, v17;
	v55 =	vadd.f32 v63, v32;
	v56 =	vmul.f32 v49, v2  }
0x18d: {  	v40 =	vadd.f32 v40, v33;
	v57 =	vmul.f32 v50, v10;
	v58 =	vmul.f32 v51, v18  }
0x18e: {  	v37 =	vmin.f32 v42, v37;
	v61 =	vmul.f32 v49, v3;
	v43 =	vadd.f32 v43, v46  }
0x18f: {  	v63 =	vmul.f32 v51, v19;
	v45 =	vadd.f32 v45, v62;
	v46 =	vadd.f32 v53, v52  }
0x190: {  	v44 =	vadd.f32 v44, v54;
	v39 =	vmin.f32 v39, v41;
	v62 =	vmul.f32 v50, v11  }
0x191: {  	v59 =	vadd.f32 v56, v26;
	v52 =	vmul.f32 v49, v4;
	v53 =	vmul.f32 v50, v12  }
0x192: {  	v60 =	vadd.f32 v58, v57;
	v54 =	vmul.f32 v51, v20;
	v58 =	vmul.f32 v49, v5  }
0x193: {  	v37 =	vmin.f32 v37, v39;
	v46 =	vadd.f32 v46, v55;
	v40 =	vadd.f32 v44, v40  }
0x194: {  	v41 =	vmin.f32 v43, v45;
	v42 =	vadd.f32 v60, v59;
	v44 =	vadd.f32 v61, v27  }
0x195: {  	v55 =	vadd.f32 v63, v62;
	v56 =	vadd.f32 v52, v28;
	v59 =	vmul.f32 v50, v13  }
0x196: {  	v57 =	vadd.f32 v54, v53;
	v60 =	vmul.f32 v51, v21;
	v61 =	vmul.f32 v49, v6  }
0x197: {  	v62 =	vmul.f32 v50, v14;
	v63 =	vmul.f32 v51, v22;
	v54 =	vadd.f32 v58, v29  }
0x198: {  	v58 =	vmul.f32 v50, v15;
	v39 =	vadd.f32 v55, v44;
	v43 =	vadd.f32 v57, v56  }
0x199: {  	v44 =	vadd.f32 v60, v59;
	v56 =	vmul.f32 v49, v7;
	v59 =	vmul.f32 v51, v23  }
0x19a: {  	v55 =	vadd.f32 v61, v30;
	v60 =	vmul.f32 v49, v8;
	v61 =	vmul.f32 v50, v16  }
0x19b: {  	v45 =	vadd.f32 v63, v62;
	v62 =	vmul.f32 v51, v24;
	v49 =	vmul.f32 v49, v9  }
0x19c: {  	v40 =	vmin.f32 v46, v40;
	v63 =	vmul.f32 v50, v17;
	v50 =	vbroadcast v36, $0xA  }
0x19d: {  	[tilespmem:s20+$0xFFFFFFD0] =	vst v38;
	v40 =	vmin.f32 v41, v40;
	v41 =	vadd.f32 v44, v54;
	v38 =	vadd.f32 v45, v55  }
0x19e: {  	v57 =	vld [tilespmem:s20+$0xFFFFFFE0];
	v46 =	vadd.f32 v56, v31;
	v44 =	vadd.f32 v59, v58;
	v54 =	vmul.f32 v51, v25  }
0x19f: {  	v37 =	vmin.f32 v37, v40;
	v55 =	vadd.f32 v60, v32;
	v56 =	vadd.f32 v62, v61  }
0x1a0: {  	v39 =	vmin.f32 v42, v39;
	v60 =	vmul.f32 v47, v18;
	v51 =	vbroadcast v34, $0xA  }
0x1a1: {  	v48 =	vadd.f32 v54, v63;
	v44 =	vadd.f32 v44, v46;
	v46 =	vbroadcast v35, $0x8  }
0x1a2: {  	v40 =	vadd.f32 v56, v55;
	v41 =	vmin.f32 v43, v41;
	v63 =	vmul.f32 v47, v19  }
0x1a3: {  	v37 =	vmin.f32 v57, v37;
	v57 =	vadd.f32 v49, v33;
	v49 =	vbroadcast v36, $0x8  }
0x1a4: {  	v39 =	vmin.f32 v39, v41;
	v58 =	vmul.f32 v46, v2;
	v61 =	vmul.f32 v46, v3  }
0x1a5: {  	v38 =	vmin.f32 v38, v44;
	v45 =	vadd.f32 v48, v57;
	v59 =	vmul.f32 v49, v10  }
0x1a6: {  	v62 =	vmul.f32 v49, v11;
	v42 =	vadd.f32 v58, v26;
	v56 =	vadd.f32 v61, v27  }
0x1a7: {  	v58 =	vmul.f32 v46, v4;
	v61 =	vmul.f32 v46, v5;
	v43 =	vadd.f32 v60, v59  }
0x1a8: {  	v57 =	vadd.f32 v63, v62;
	v59 =	vmul.f32 v49, v12;
	v60 =	vmul.f32 v47, v20  }
0x1a9: {  	v62 =	vmul.f32 v49, v13;
	v63 =	vmul.f32 v47, v21;
	v40 =	vmin.f32 v40, v45  }
0x1aa: {  	v54 =	vadd.f32 v58, v28;
	v55 =	vadd.f32 v61, v29;
	v58 =	vmul.f32 v47, v22  }
0x1ab: {  	v61 =	vmul.f32 v49, v15;
	v42 =	vadd.f32 v43, v42;
	v44 =	vadd.f32 v57, v56  }
0x1ac: {  	v43 =	vadd.f32 v60, v59;
	v48 =	vadd.f32 v63, v62;
	v56 =	vmul.f32 v46, v6  }
0x1ad: {  	v38 =	vmin.f32 v38, v40;
	v57 =	vmul.f32 v49, v14;
	v59 =	vmul.f32 v46, v7  }
0x1ae: {  	v62 =	vmul.f32 v47, v23;
	v43 =	vadd.f32 v43, v54;
	v41 =	vadd.f32 v48, v55  }
0x1af: {  	v60 =	vadd.f32 v56, v30;
	v54 =	vadd.f32 v58, v57;
	v56 =	vmul.f32 v46, v8  }
0x1b0: {  	v55 =	vadd.f32 v59, v31;
	v57 =	vmul.f32 v49, v16;
	v58 =	vmul.f32 v47, v24  }
0x1b1: {  	v45 =	vadd.f32 v62, v61;
	v46 =	vmul.f32 v46, v9;
	v59 =	vmul.f32 v49, v17  }
0x1b2: {  	v63 =	vld [tilespmem:s20+$0xFFFFFFF0];
	v38 =	vmin.f32 v39, v38;
	v47 =	vmul.f32 v47, v25;
	v48 =	vbroadcast v36, $0x9  }
0x1b3: {  	[tilespmem:s20+$0xFFFFFFE0] =	vst v37;
	v42 =	vmin.f32 v42, v44;
	v37 =	vadd.f32 v54, v60;
	v45 =	vadd.f32 v45, v55  }
0x1b4: {  	v44 =	vbroadcast v34, $0x9;
	v60 =	vadd.f32 v56, v32;
	v40 =	vadd.f32 v58, v57  }
0x1b5: {  	v49 =	vbroadcast v35, $0xA;
	v46 =	vadd.f32 v46, v33;
	v47 =	vadd.f32 v47, v59  }
0x1b6: {  	v41 =	vmin.f32 v43, v41;
	v62 =	vmul.f32 v48, v10;
	v53 =	vmul.f32 v48, v11  }
0x1b7: {  	v54 =	vmul.f32 v44, v19;
	v38 =	vmin.f32 v63, v38;
	v63 =	vmul.f32 v44, v18  }
0x1b8: {  	v41 =	vmin.f32 v42, v41;
	v39 =	vadd.f32 v40, v60;
	v40 =	vbroadcast v35, $0x9  }
0x1b9: {  	v46 =	vadd.f32 v47, v46;
	v37 =	vmin.f32 v37, v45;
	v60 =	vmul.f32 v48, v12  }
0x1ba: {  	v58 =	vadd.f32 v54, v53;
	v53 =	vmul.f32 v44, v21;
	v47 =	vbroadcast v34, $0xB  }
0x1bb: {  	v56 =	vadd.f32 v63, v62;
	v61 =	vmul.f32 v40, v2;
	v52 =	vmul.f32 v40, v3  }
0x1bc: {  	v39 =	vmin.f32 v39, v46;
	v59 =	vmul.f32 v40, v4;
	v62 =	vmul.f32 v40, v5  }
0x1bd: {  	v37 =	vmin.f32 v37, v39;
	v55 =	vadd.f32 v61, v26;
	v57 =	vadd.f32 v52, v27  }
0x1be: {  	v63 =	vld [tilespmem:s20+$0x0];
	v61 =	vmul.f32 v44, v20;
	v43 =	vadd.f32 v59, v28;
	v52 =	vmul.f32 v48, v13  }
0x1bf: {  	v37 =	vmin.f32 v41, v37;
	v54 =	vadd.f32 v62, v29;
	v59 =	vmul.f32 v40, v7  }
0x1c0: {  	[tilespmem:s20+$0xFFFFFFF0] =	vst v38;
	v42 =	vadd.f32 v56, v55;
	v38 =	vadd.f32 v58, v57;
	v56 =	vmul.f32 v40, v6  }
0x1c1: {  	v39 =	vadd.f32 v61, v60;
	v57 =	vmul.f32 v48, v14;
	v58 =	vmul.f32 v44, v22  }
0x1c2: {  	v55 =	vadd.f32 v53, v52;
	v60 =	vmul.f32 v48, v15;
	v61 =	vmul.f32 v44, v23  }
0x1c3: {  	v37 =	vmin.f32 v63, v37;
	v62 =	vadd.f32 v59, v31;
	v63 =	vmul.f32 v40, v8  }
0x1c4: {  	v52 =	vmul.f32 v48, v16;
	v53 =	vmul.f32 v44, v24;
	v39 =	vadd.f32 v39, v43  }
0x1c5: {  	v40 =	vmul.f32 v40, v9;
	v41 =	vadd.f32 v55, v54;
	v46 =	vadd.f32 v56, v30  }
0x1c6: {  	v44 =	vmul.f32 v44, v25;
	v43 =	vadd.f32 v58, v57;
	v45 =	vadd.f32 v61, v60  }
0x1c7: {  	v54 =	vmul.f32 v48, v17;
	v55 =	vadd.f32 v63, v32;
	v56 =	vmul.f32 v49, v2  }
0x1c8: {  	v40 =	vadd.f32 v40, v33;
	v57 =	vmul.f32 v50, v10;
	v58 =	vmul.f32 v51, v18  }
0x1c9: {  	v38 =	vmin.f32 v42, v38;
	v61 =	vmul.f32 v49, v3;
	v43 =	vadd.f32 v43, v46  }
0x1ca: {  	v63 =	vmul.f32 v51, v19;
	v45 =	vadd.f32 v45, v62;
	v46 =	vadd.f32 v53, v52  }
0x1cb: {  	v44 =	vadd.f32 v44, v54;
	v39 =	vmin.f32 v39, v41;
	v62 =	vmul.f32 v50, v11  }
0x1cc: {  	v59 =	vadd.f32 v56, v26;
	v52 =	vmul.f32 v49, v4;
	v53 =	vmul.f32 v50, v12  }
0x1cd: {  	v60 =	vadd.f32 v58, v57;
	v54 =	vmul.f32 v51, v20;
	v58 =	vmul.f32 v49, v5  }
0x1ce: {  	v38 =	vmin.f32 v38, v39;
	v46 =	vadd.f32 v46, v55;
	v40 =	vadd.f32 v44, v40  }
0x1cf: {  	v41 =	vmin.f32 v43, v45;
	v42 =	vadd.f32 v60, v59;
	v44 =	vadd.f32 v61, v27  }
0x1d0: {  	v55 =	vadd.f32 v63, v62;
	v56 =	vadd.f32 v52, v28;
	v59 =	vmul.f32 v50, v13  }
0x1d1: {  	v57 =	vadd.f32 v54, v53;
	v60 =	vmul.f32 v51, v21;
	v61 =	vmul.f32 v49, v6  }
0x1d2: {  	v62 =	vmul.f32 v50, v14;
	v63 =	vmul.f32 v51, v22;
	v54 =	vadd.f32 v58, v29  }
0x1d3: {  	v58 =	vmul.f32 v50, v15;
	v39 =	vadd.f32 v55, v44;
	v43 =	vadd.f32 v57, v56  }
0x1d4: {  	v44 =	vadd.f32 v60, v59;
	v56 =	vmul.f32 v49, v7;
	v59 =	vmul.f32 v51, v23  }
0x1d5: {  	v55 =	vadd.f32 v61, v30;
	v60 =	vmul.f32 v49, v8;
	v61 =	vmul.f32 v50, v16  }
0x1d6: {  	v45 =	vadd.f32 v63, v62;
	v62 =	vmul.f32 v51, v24;
	v49 =	vmul.f32 v49, v9  }
0x1d7: {  	v40 =	vmin.f32 v46, v40;
	v63 =	vmul.f32 v50, v17;
	v50 =	vbroadcast v36, $0xD  }
0x1d8: {  	[tilespmem:s20+$0x0] =	vst v37;
	v40 =	vmin.f32 v41, v40;
	v41 =	vadd.f32 v44, v54;
	v37 =	vadd.f32 v45, v55  }
0x1d9: {  	v57 =	vld [tilespmem:s20+$0x10];
	v46 =	vadd.f32 v56, v31;
	v44 =	vadd.f32 v59, v58;
	v54 =	vmul.f32 v51, v25  }
0x1da: {  	v38 =	vmin.f32 v38, v40;
	v55 =	vadd.f32 v60, v32;
	v56 =	vadd.f32 v62, v61  }
0x1db: {  	v39 =	vmin.f32 v42, v39;
	v60 =	vmul.f32 v47, v18;
	v51 =	vbroadcast v34, $0xD  }
0x1dc: {  	v48 =	vadd.f32 v54, v63;
	v44 =	vadd.f32 v44, v46;
	v46 =	vbroadcast v35, $0xB  }
0x1dd: {  	v40 =	vadd.f32 v56, v55;
	v41 =	vmin.f32 v43, v41;
	v63 =	vmul.f32 v47, v19  }
0x1de: {  	v38 =	vmin.f32 v57, v38;
	v57 =	vadd.f32 v49, v33;
	v49 =	vbroadcast v36, $0xB  }
0x1df: {  	v39 =	vmin.f32 v39, v41;
	v58 =	vmul.f32 v46, v2;
	v61 =	vmul.f32 v46, v3  }
0x1e0: {  	v37 =	vmin.f32 v37, v44;
	v45 =	vadd.f32 v48, v57;
	v59 =	vmul.f32 v49, v10  }
0x1e1: {  	v62 =	vmul.f32 v49, v11;
	v42 =	vadd.f32 v58, v26;
	v56 =	vadd.f32 v61, v27  }
0x1e2: {  	v58 =	vmul.f32 v46, v4;
	v61 =	vmul.f32 v46, v5;
	v43 =	vadd.f32 v60, v59  }
0x1e3: {  	v57 =	vadd.f32 v63, v62;
	v59 =	vmul.f32 v49, v12;
	v60 =	vmul.f32 v47, v20  }
0x1e4: {  	v62 =	vmul.f32 v49, v13;
	v63 =	vmul.f32 v47, v21;
	v40 =	vmin.f32 v40, v45  }
0x1e5: {  	v54 =	vadd.f32 v58, v28;
	v55 =	vadd.f32 v61, v29;
	v58 =	vmul.f32 v47, v22  }
0x1e6: {  	v61 =	vmul.f32 v49, v15;
	v42 =	vadd.f32 v43, v42;
	v44 =	vadd.f32 v57, v56  }
0x1e7: {  	v43 =	vadd.f32 v60, v59;
	v48 =	vadd.f32 v63, v62;
	v56 =	vmul.f32 v46, v6  }
0x1e8: {  	v37 =	vmin.f32 v37, v40;
	v57 =	vmul.f32 v49, v14;
	v59 =	vmul.f32 v46, v7  }
0x1e9: {  	v62 =	vmul.f32 v47, v23;
	v43 =	vadd.f32 v43, v54;
	v41 =	vadd.f32 v48, v55  }
0x1ea: {  	v60 =	vadd.f32 v56, v30;
	v54 =	vadd.f32 v58, v57;
	v56 =	vmul.f32 v46, v8  }
0x1eb: {  	v55 =	vadd.f32 v59, v31;
	v57 =	vmul.f32 v49, v16;
	v58 =	vmul.f32 v47, v24  }
0x1ec: {  	v45 =	vadd.f32 v62, v61;
	v46 =	vmul.f32 v46, v9;
	v59 =	vmul.f32 v49, v17  }
0x1ed: {  	v63 =	vld [tilespmem:s20+$0x20];
	v37 =	vmin.f32 v39, v37;
	v47 =	vmul.f32 v47, v25;
	v48 =	vbroadcast v36, $0xC  }
0x1ee: {  	[tilespmem:s20+$0x10] =	vst v38;
	v42 =	vmin.f32 v42, v44;
	v38 =	vadd.f32 v54, v60;
	v45 =	vadd.f32 v45, v55  }
0x1ef: {  	v44 =	vbroadcast v34, $0xC;
	v60 =	vadd.f32 v56, v32;
	v40 =	vadd.f32 v58, v57  }
0x1f0: {  	v49 =	vbroadcast v35, $0xD;
	v46 =	vadd.f32 v46, v33;
	v47 =	vadd.f32 v47, v59  }
0x1f1: {  	v41 =	vmin.f32 v43, v41;
	v62 =	vmul.f32 v48, v10;
	v53 =	vmul.f32 v48, v11  }
0x1f2: {  	v54 =	vmul.f32 v44, v19;
	v37 =	vmin.f32 v63, v37;
	v63 =	vmul.f32 v44, v18  }
0x1f3: {  	v41 =	vmin.f32 v42, v41;
	v39 =	vadd.f32 v40, v60;
	v40 =	vbroadcast v35, $0xC  }
0x1f4: {  	v46 =	vadd.f32 v47, v46;
	v38 =	vmin.f32 v38, v45;
	v60 =	vmul.f32 v48, v12  }
0x1f5: {  	v58 =	vadd.f32 v54, v53;
	v53 =	vmul.f32 v44, v21;
	v47 =	vbroadcast v34, $0xE  }
0x1f6: {  	v34 =	vbroadcast v34, $0xF;
	v56 =	vadd.f32 v63, v62;
	v61 =	vmul.f32 v40, v2  }
0x1f7: {  	v52 =	vmul.f32 v40, v3;
	v39 =	vmin.f32 v39, v46;
	v59 =	vmul.f32 v40, v4  }
0x1f8: {  	v62 =	vmul.f32 v40, v5;
	v38 =	vmin.f32 v38, v39;
	v55 =	vadd.f32 v61, v26  }
0x1f9: {  	v63 =	vld [tilespmem:s20+$0x30];
	v57 =	vadd.f32 v52, v27;
	v61 =	vmul.f32 v44, v20;
	v43 =	vadd.f32 v59, v28  }
0x1fa: {  	v52 =	vmul.f32 v48, v13;
	v38 =	vmin.f32 v41, v38;
	v54 =	vadd.f32 v62, v29  }
0x1fb: {  	[tilespmem:s20+$0x20] =	vst v37;
	v59 =	vmul.f32 v40, v7;
	v42 =	vadd.f32 v56, v55;
	v37 =	vadd.f32 v58, v57  }
0x1fc: {  	v39 =	vadd.f32 v61, v60;
	v56 =	vmul.f32 v40, v6;
	v57 =	vmul.f32 v48, v14  }
0x1fd: {  	v55 =	vadd.f32 v53, v52;
	v58 =	vmul.f32 v44, v22;
	v60 =	vmul.f32 v48, v15  }
0x1fe: {  	v61 =	vmul.f32 v44, v23;
	v38 =	vmin.f32 v63, v38;
	v63 =	vmul.f32 v40, v8  }
0x1ff: {  	v62 =	vadd.f32 v59, v31;
	v52 =	vmul.f32 v48, v16;
	v53 =	vmul.f32 v44, v24  }
0x200: {  	v40 =	vmul.f32 v40, v9;
	v39 =	vadd.f32 v39, v43;
	v41 =	vadd.f32 v55, v54  }
0x201: {  	v44 =	vmul.f32 v44, v25;
	v46 =	vadd.f32 v56, v30;
	v43 =	vadd.f32 v58, v57  }
0x202: {  	v45 =	vadd.f32 v61, v60;
	v54 =	vmul.f32 v48, v17;
	v55 =	vadd.f32 v63, v32  }
0x203: {  	v40 =	vadd.f32 v40, v33;
	v56 =	vmul.f32 v49, v2;
	v57 =	vmul.f32 v50, v10  }
0x204: {  	v58 =	vmul.f32 v51, v18;
	v37 =	vmin.f32 v42, v37;
	v61 =	vmul.f32 v49, v3  }
0x205: {  	v63 =	vmul.f32 v51, v19;
	v43 =	vadd.f32 v43, v46;
	v45 =	vadd.f32 v45, v62  }
0x206: {  	v46 =	vadd.f32 v53, v52;
	v44 =	vadd.f32 v44, v54;
	v39 =	vmin.f32 v39, v41  }
0x207: {  	v59 =	vadd.f32 v56, v26;
	v62 =	vmul.f32 v50, v11;
	v52 =	vmul.f32 v49, v4  }
0x208: {  	v60 =	vadd.f32 v58, v57;
	v53 =	vmul.f32 v50, v12;
	v54 =	vmul.f32 v51, v20  }
0x209: {  	v58 =	vmul.f32 v49, v5;
	v46 =	vadd.f32 v46, v55;
	v40 =	vadd.f32 v44, v40  }
0x20a: {  	v37 =	vmin.f32 v37, v39;
	v42 =	vadd.f32 v60, v59;
	v44 =	vadd.f32 v61, v27  }
0x20b: {  	v55 =	vadd.f32 v63, v62;
	v56 =	vadd.f32 v52, v28;
	v59 =	vmul.f32 v50, v13  }
0x20c: {  	v57 =	vadd.f32 v54, v53;
	v60 =	vmul.f32 v51, v21;
	v61 =	vmul.f32 v49, v6  }
0x20d: {  	v41 =	vmin.f32 v43, v45;
	v62 =	vmul.f32 v50, v14;
	v63 =	vmul.f32 v51, v22  }
0x20e: {  	v54 =	vmul.f32 v50, v17;
	v39 =	vadd.f32 v55, v44;
	v43 =	vadd.f32 v57, v56  }
0x20f: {  	v55 =	vadd.f32 v58, v29;
	v44 =	vadd.f32 v60, v59;
	v57 =	vmul.f32 v49, v7  }
0x210: {  	v56 =	vadd.f32 v61, v30;
	v59 =	vmul.f32 v50, v15;
	v60 =	vmul.f32 v51, v23  }
0x211: {  	v45 =	vadd.f32 v63, v62;
	v61 =	vmul.f32 v49, v8;
	v62 =	vmul.f32 v50, v16  }
0x212: {  	v40 =	vmin.f32 v46, v40;
	v63 =	vmul.f32 v51, v24;
	v49 =	vmul.f32 v49, v9  }
0x213: {  	[tilespmem:s20+$0x30] =	vst v38;
	v40 =	vmin.f32 v41, v40;
	v41 =	vadd.f32 v44, v55;
	v38 =	vadd.f32 v45, v56  }
0x214: {  	v58 =	vld [tilespmem:s20+$0x40];
	v46 =	vadd.f32 v57, v31;
	v44 =	vadd.f32 v60, v59;
	v55 =	vmul.f32 v51, v25  }
0x215: {  	v37 =	vmin.f32 v37, v40;
	v56 =	vadd.f32 v61, v32;
	v57 =	vadd.f32 v63, v62  }
0x216: {  	v39 =	vmin.f32 v42, v39;
	v61 =	vmul.f32 v47, v18;
	v48 =	vadd.f32 v55, v54  }
0x217: {  	v44 =	vadd.f32 v44, v46;
	v46 =	vbroadcast v35, $0xE;
	v40 =	vadd.f32 v57, v56  }
0x218: {  	v41 =	vmin.f32 v43, v41;
	v56 =	vmul.f32 v47, v19;
	v35 =	vbroadcast v35, $0xF  }
0x219: {  	v37 =	vmin.f32 v58, v37;
	v58 =	vadd.f32 v49, v33;
	v49 =	vbroadcast v36, $0xE  }
0x21a: {  	v39 =	vmin.f32 v39, v41;
	v36 =	vbroadcast v36, $0xF;
	v59 =	vmul.f32 v46, v2  }
0x21b: {  	v62 =	vmul.f32 v46, v3;
	v38 =	vmin.f32 v38, v44;
	v55 =	vmul.f32 v35, v2  }
0x21c: {  	v52 =	vmul.f32 v35, v4;
	v45 =	vadd.f32 v48, v58;
	v60 =	vmul.f32 v49, v10  }
0x21d: {  	v63 =	vmul.f32 v49, v11;
	v42 =	vadd.f32 v59, v26;
	v57 =	vadd.f32 v62, v27  }
0x21e: {  	v59 =	vmul.f32 v46, v4;
	v62 =	vmul.f32 v46, v5;
	v43 =	vadd.f32 v61, v60  }
0x21f: {  	v58 =	vadd.f32 v56, v63;
	v60 =	vmul.f32 v49, v12;
	v61 =	vmul.f32 v47, v20  }
0x220: {  	v63 =	vmul.f32 v49, v13;
	v56 =	vmul.f32 v47, v21;
	v42 =	vadd.f32 v43, v42  }
0x221: {  	v40 =	vmin.f32 v40, v45;
	v44 =	vadd.f32 v58, v57;
	v57 =	vadd.f32 v59, v28  }
0x222: {  	v38 =	vmin.f32 v38, v40;
	v43 =	vadd.f32 v61, v60;
	v58 =	vadd.f32 v62, v29  }
0x223: {  	v48 =	vadd.f32 v56, v63;
	v59 =	vmul.f32 v46, v6;
	v60 =	vmul.f32 v49, v14  }
0x224: {  	v61 =	vmul.f32 v47, v22;
	v62 =	vmul.f32 v46, v7;
	v43 =	vadd.f32 v43, v57  }
0x225: {  	v56 =	vmul.f32 v49, v15;
	v41 =	vadd.f32 v48, v58;
	v63 =	vadd.f32 v59, v30  }
0x226: {  	v57 =	vmul.f32 v47, v23;
	v48 =	vadd.f32 v61, v60;
	v60 =	vmul.f32 v46, v8  }
0x227: {  	v59 =	vadd.f32 v62, v31;
	v61 =	vmul.f32 v49, v16;
	v62 =	vmul.f32 v47, v24  }
0x228: {  	v38 =	vmin.f32 v39, v38;
	v46 =	vmul.f32 v46, v9;
	v49 =	vmul.f32 v49, v17  }
0x229: {  	[tilespmem:s20+$0x40] =	vst v37;
	v47 =	vmul.f32 v47, v25;
	v45 =	vadd.f32 v57, v56;
	v37 =	vadd.f32 v48, v63  }
0x22a: {  	v42 =	vmin.f32 v42, v44;
	v63 =	vadd.f32 v60, v32;
	v48 =	vadd.f32 v62, v61  }
0x22b: {  	v53 =	vadd.f32 v46, v33;
	v54 =	vadd.f32 v47, v49;
	v41 =	vmin.f32 v43, v41  }
0x22c: {  	v58 =	vld [tilespmem:s20+$0x50];
	v56 =	vmul.f32 v36, v10;
	v57 =	vmul.f32 v34, v18;
	v43 =	vadd.f32 v55, v26  }
0x22d: {  	v60 =	vmul.f32 v34, v19;
	v55 =	vmul.f32 v35, v5;
	v41 =	vmin.f32 v42, v41  }
0x22e: {  	v45 =	vadd.f32 v45, v59;
	v39 =	vadd.f32 v48, v63;
	v59 =	vmul.f32 v36, v11  }
0x22f: {  	v40 =	vadd.f32 v54, v53;
	v53 =	vmul.f32 v36, v12;
	v54 =	vmul.f32 v34, v20  }
0x230: {  	v61 =	vadd.f32 v57, v56;
	v56 =	vmul.f32 v36, v13;
	v57 =	vmul.f32 v34, v21  }
0x231: {  	v38 =	vmin.f32 v58, v38;
	v58 =	vmul.f32 v35, v3;
	v37 =	vmin.f32 v37, v45  }
0x232: {  	v39 =	vmin.f32 v39, v40;
	v63 =	vadd.f32 v60, v59;
	v40 =	vadd.f32 v61, v43  }
0x233: {  	v43 =	vadd.f32 v54, v53;
	v59 =	vadd.f32 v55, v29;
	v60 =	vmul.f32 v35, v6  }
0x234: {  	v45 =	vadd.f32 v57, v56;
	v53 =	vmul.f32 v36, v15;
	v54 =	vmul.f32 v34, v23  }
0x235: {  	v56 =	vmul.f32 v36, v16;
	v57 =	vmul.f32 v34, v24;
	v62 =	vadd.f32 v58, v27  }
0x236: {  	v61 =	vmul.f32 v36, v14;
	[tilespmem:s20+$0x50] =	vst v38;
	v58 =	vadd.f32 v52, v28;
	v38 =	vadd.f32 v45, v59  }
0x237: {  	v55 =	vmul.f32 v35, v8;
	v48 =	vadd.f32 v54, v53;
	v59 =	vadd.f32 v57, v56  }
0x238: {  	v36 =	vmul.f32 v36, v17;
	v44 =	vadd.f32 v63, v62;
	v42 =	vadd.f32 v43, v58  }
0x239: {  	v62 =	vmul.f32 v34, v22;
	v63 =	vmul.f32 v35, v7;
	v43 =	vadd.f32 v60, v30  }
0x23a: {  	v35 =	vmul.f32 v35, v9;
	v34 =	vmul.f32 v34, v25;
	v58 =	vadd.f32 v55, v32  }
0x23b: {  	v37 =	vmin.f32 v37, v39;
	v39 =	vadd.f32 v62, v61;
	v45 =	vadd.f32 v63, v31  }
0x23c: {  	v35 =	vadd.f32 v35, v33;
	v34 =	vadd.f32 v34, v36  }
0x23d: {  	v52 =	vld [tilespmem:s20+$0x60];
	v37 =	vmin.f32 v41, v37;
	v41 =	vadd.f32 v59, v58;
	v60 =	vadd.f32 v39, v43  }
0x23e: {  	v62 =	vld [tilespmem:s20+$0x70];
	v61 =	vadd.f32 v48, v45;
	v34 =	vadd.f32 v34, v35  }
0x23f: {  	p0 =	sne.s32 s21, $0xC0;
	v63 =	vmin.f32 v40, v44  }
.Ltmp1:
0x240: {  	v38 =	vmin.f32 v42, v38;
	v36 =	vmin.f32 v60, v61;
	v34 =	vmin.f32 v41, v34;
	(pc) =	sbr.rel @p0 .LBB2_5-.Ltmp1, $4  }
0x241: {  	v35 =	vmin.f32 v63, v38;
	v34 =	vmin.f32 v36, v34  }
0x242: {  	v37 =	vmin.f32 v52, v37;
	v34 =	vmin.f32 v35, v34  }
0x243: {  	[tilespmem:s20+$0x60] =	vst v37;
	v34 =	vmin.f32 v62, v34  }
0x244: {  	s21 =	sadd.s32 $0x40, s21;
	[tilespmem:s20+$0x70] =	vst v34;
	s20 =	sadd.s32 $0x100, s20  }
0x245: {  	s19 =	sadd.s32 $0x1, s19  }
0x246: {  	p0 =	sne.s32 s19, $0x20  }
.Ltmp2:
0x247: {  	_ = 	snop;
	(pc) =	sbr.rel @p0 .LBB2_4-.Ltmp2, $1  }
0x248: {  	_ =	sdelay $0x3  }
0x249: {  	s19 =	simm.s32 $0x4200  }
0x24a: {  	v2 =	vld [tilespmem:s19+$0xFFFFFF80]  }
0x24b: {  	v3 =	vld [tilespmem:s19+$0xFFFFFF90]  }
0x24c: {  	v4 =	vld [tilespmem:s19+$0xFFFFFFA0]  }
0x24d: {  	v5 =	vld [tilespmem:s19+$0xFFFFFFB0];
	_ =	sdelay $0x1  }
0x24e: {  	(xrf1) =	vsort.ascd.msk.f32 $0xffff, v2, v2;
	v2 =	vld [tilespmem:s19+$0xFFFFFFC0]  }
0x24f: {  	(xrf1) =	vsort.ascd.msk.f32 $0xffff, v3, v3;
	v3 =	vld [tilespmem:s19+$0xFFFFFFD0]  }
0x250: {  	(xrf1) =	vsort.ascd.msk.f32 $0xffff, v4, v4;
	v4 =	vld [tilespmem:s19+$0xFFFFFFE0]  }
0x251: {  	(xrf1) =	vsort.ascd.msk.f32 $0xffff, v5, v5;
	v5 =	vld [tilespmem:s19+$0xFFFFFFF0]  }
0x252: {  	v6 =	vld [tilespmem:s19+$0x0]  }
0x253: {  	v7 =	vld [tilespmem:s19+$0x10];
	(xrf1) =	vsort.ascd.msk.f32 $0xffff, v2, v2  }
0x254: {  	v2 =	vld [tilespmem:s19+$0x20];
	(xrf1) =	vsort.ascd.msk.f32 $0xffff, v3, v3  }
0x255: {  	v3 =	vld [tilespmem:s19+$0x30];
	(xrf1) =	vsort.ascd.msk.f32 $0xffff, v4, v4  }
0x256: {  	(xrf1) =	vsort.ascd.msk.f32 $0xffff, v5, v5  }
0x257: {  	v8 =	vld [tilespmem:s19+$0x40];
	(xrf1) =	vsort.ascd.msk.f32 $0xffff, v6, v6  }
0x258: {  	v9 =	vld [tilespmem:s19+$0x50];
	(xrf1) =	vsort.ascd.msk.f32 $0xffff, v7, v7  }
0x259: {  	v10 =	vld [tilespmem:s19+$0x60];
	(xrf1) =	vsort.ascd.msk.f32 $0xffff, v2, v2  }
0x25a: {  	vm0 =	vmmov $0x1fff;
	v11 =	vld [tilespmem:s19+$0x70];
	(xrf1) =	vsort.ascd.msk.f32 $0xffff, v3, v3;
	v3 =	vimm.s32 $0x0  }
0x25b: {  	s31 =	simm.s32 $0x0;
	v3 =	vsel vm0, $0xFFFFFFFF, v3  }
0x25c: {  	v4 =	vld [tilespmem:s31+$0x4100];
	(xrf1) =	vsort.ascd.msk.f32 $0xffff, v8, v8  }
0x25d: {  	v5 =	vld [tilespmem:s31+$0x4000];
	v7, _, _ =	vpop (xrf1);
	(xrf1) =	vsort.ascd.msk.f32 $0xffff, v9, v9  }
0x25e: {  	s20 =	simm.s32 $0x4300;
	v6 =	vld [tilespmem:s31+$0x4080];
	[tilespmem:$0x1FFF0] =	vst v3;
	(xrf1) =	vsort.ascd.msk.f32 $0xffff, v10, v10;
	v3, _, _ =	vpop (xrf1)  }
0x25f: {  	v8 =	vld [tilespmem:s20+$0xFFFFFF80];
	(xrf1) =	vsort.ascd.msk.f32 $0xffff, v11, v11;
	v10 =	vbroadcast v3, $0x0;
	v3, _, _ =	vpop (xrf1)  }
0x260: {  	s21 =	simm.s32 $0x80;
	s19 =	simm.s32 $0x40;
	v2 =	vimm.f32 $0.0e+00;
	v9 =	vld [tilespmem:s20+$0xFFFFFF90];
	v11 =	vbroadcast v3, $0x0;
	v12, _, _ =	vpop (xrf1);
	v3 =	vimm.f32 $0.0e+00  }
.LBB2_8:
0x261: {  	v13 =	vld [tilespmem:s20+$0xFFFFFFA0]  }
0x262: {  	v7 =	vsel vm15, v10, v7;
	vm2 =	vmmov $0x3;
	v10 =	vbroadcast v12, $0x0;
	v12, _, _ =	vpop (xrf1);
	v14 =	vld [tilespmem:s20+$0xFFFFFFB0]  }
0x263: {  	vm3 =	vmmov $0x7;
	v15 =	vld [tilespmem:s20+$0xFFFFFFC0];
	v7 =	vsel vm2, v7, v11;
	v17 =	vbroadcast v12, $0x0;
	v12, _, _ =	vpop (xrf1)  }
0x264: {  	vm4 =	vmmov $0xf;
	v16 =	vld [tilespmem:s20+$0xFFFFFFD0];
	v7 =	vsel vm3, v7, v10;
	v18 =	vbroadcast v12, $0x0;
	v12, _, _ =	vpop (xrf1);
	(xrf1) =	vsort.ascd.msk.f32 $0xffff, v8, v8  }
0x265: {  	v7 =	vsel vm4, v7, v17;
	v11, _, _ =	vpop (xrf1);
	v8 =	vbroadcast v12, $0x0;
	v12 =	vld [tilespmem:s20+$0xFFFFFFE0];
	(xrf1) =	vsort.ascd.msk.f32 $0xffff, v9, v9  }
0x266: {  	v7 =	vsel vm5, v7, v18;
	v10, _, _ =	vpop (xrf1);
	v9 =	vbroadcast v11, $0x0;
	v11 =	vld [tilespmem:s20+$0xFFFFFFF0];
	(xrf1) =	vsort.ascd.msk.f32 $0xffff, v13, v13  }
0x267: {  	v7 =	vsel vm6, v7, v8;
	v8 =	vbroadcast v10, $0x0;
	v10, _, _ =	vpop (xrf1);
	v13 =	vld [tilespmem:s20+$0x0];
	(xrf1) =	vsort.ascd.msk.f32 $0xffff, v14, v14  }
0x268: {  	v7 =	vsel vm8, v7, v9;
	v9 =	vbroadcast v10, $0x0;
	v10, _, _ =	vpop (xrf1);
	v14 =	vld [tilespmem:s20+$0x10];
	(xrf1) =	vsort.ascd.msk.f32 $0xffff, v15, v15  }
0x269: {  	v7 =	vsel vm10, v7, v8;
	v8 =	vbroadcast v10, $0x0;
	v10, _, _ =	vpop (xrf1);
	(xrf1) =	vsort.ascd.msk.f32 $0xffff, v16, v16  }
0x26a: {  	v7 =	vsel vm11, v7, v9;
	v9 =	vbroadcast v10, $0x0;
	v10, _, _ =	vpop (xrf1);
	(xrf1) =	vsort.ascd.msk.f32 $0xffff, v12, v12  }
0x26b: {  	v7 =	vsel vm12, v7, v8;
	v8 =	vbroadcast v10, $0x0;
	v10, _, _ =	vpop (xrf1);
	(xrf1) =	vsort.ascd.msk.f32 $0xffff, v11, v11  }
0x26c: {  	v7 =	vsel vm9, v7, v9;
	v9 =	vbroadcast v10, $0x0;
	v10, _, _ =	vpop (xrf1);
	(xrf1) =	vsort.ascd.msk.f32 $0xffff, v13, v13  }
0x26d: {  	v7 =	vsel vm7, v7, v8;
	v8 =	vbroadcast v10, $0x0;
	v10, _, _ =	vpop (xrf1);
	(xrf1) =	vsort.ascd.msk.f32 $0xffff, v14, v14;
	v14 =	vld [tilespmem:$0x1FFF0];
	_ =	sdelay $0x2  }
0x26e: {  	v61 =	vmul.f32 v5, v5;
	v15 =	vld [tilespmem:s20+$0x20];
	v12 =	vmul.f32 v6, v6  }
0x26f: {  	v62 =	vld [tilespmem:s20+$0x30]  }
0x270: {  	v63 =	vld [tilespmem:s20+$0x40];
	v11 =	vmul.f32 v4, v4;
	v12 =	vadd.f32 v12, v61;
	vm0 =	vnez.u8 v14  }
0x271: {  	v19 =	vld [tilespmem:s20+$0x50];
	v7 =	vsel vm0, v7, v9;
	v9 =	vbroadcast v10, $0x0  }
0x272: {  	vm1 =	vmmov vm15;
	v13 =	vld [tilespmem:s20+$0x60];
	v11 =	vadd.f32 v11, v12;
	v7 =	vsel vm13, v7, v8  }
0x273: {  	vm15 =	vne.f32 v5, $0.0e+00;
	(xrf1) =	vsort.ascd.msk.f32 $0xffff, v15, v15;
	v10 =	vld [tilespmem:s20+$0x70];
	vm0 =	vne.f32 v6, $0.0e+00;
	v5 =	vsel vm14, v7, v9  }
0x274: {  	p0 =	sne.s32 s21, $0xC0;
	s22 =	sshra.s32 s19, $0x2;
	(xrf1) =	vsort.ascd.msk.f32 $0xffff, v62, v62;
	vm0 =	vmor vm15, vm0;
	vm15 =	vne.f32 v4, $0.0e+00;
	v6 =	vadd.f32 v5, v11  }
.Ltmp3:
0x275: {  	(xrf1) =	vsort.ascd.msk.f32 $0xffff, v63, v63;
	v4 =	vld [tilespmem:s22+$0x4100];
	vm0 =	vmor vm0, vm15;
	(pc) =	sbr.rel @p0 .LBB2_8-.Ltmp3, $4  }
0x276: {  	(xrf1) =	vsort.ascd.msk.f32 $0xffff, v19, v19;
	v5 =	vld [tilespmem:s22+$0x4000];
	v8 =	vsel vm0, $0x3F800000, v1;
	v7, _, _ =	vpop (xrf1);
	v9 =	vmax.f32 v6, $0.0e+00  }
0x277: {  	s20 =	sadd.s32 $0x100, s20;
	(xrf1) =	vsort.ascd.msk.f32 $0xffff, v13, v13;
	v6 =	vld [tilespmem:s22+$0x4080];
	v11, _, _ =	vpop (xrf1);
	v13 =	vmul.f32 v9, v8  }
0x278: {  	v2 =	vadd.f32 v8, v2;
	(xrf1) =	vsort.ascd.msk.f32 $0xffff, v10, v10;
	v8 =	vld [tilespmem:s20+$0xFFFFFF80];
	v10 =	vbroadcast v11, $0x0;
	v11, _, _ =	vpop (xrf1)  }
0x279: {  	s19 =	smov.u32 s21;
	s21 =	sadd.s32 $0x40, s21;
	vm15 =	vmmov vm1;
	v9 =	vld [tilespmem:s20+$0xFFFFFF90];
	v11 =	vbroadcast v11, $0x0;
	v12, _, _ =	vpop (xrf1);
	v3 =	vadd.f32 v13, v3  }
0x27a: {  	v13 =	vld [tilespmem:s20+$0xFFFFFFA0]  }
0x27b: {  	v14 =	vld [tilespmem:s20+$0xFFFFFFB0]  }
0x27c: {  	v15 =	vld [tilespmem:s20+$0xFFFFFFC0]  }
0x27d: {  	v16 =	vld [tilespmem:s20+$0xFFFFFFD0]  }
0x27e: {  	v32 =	vld [tilespmem:s20+$0xFFFFFFE0]  }
0x27f: {  	v17 =	vld [tilespmem:s20+$0xFFFFFFF0];
	(xrf1) =	vsort.ascd.msk.f32 $0xffff, v8, v8  }
0x280: {  	v36 =	vld [tilespmem:s20+$0x0];
	(xrf1) =	vsort.ascd.msk.f32 $0xffff, v9, v9  }
0x281: {  	v33, _, _ =	vpop (xrf1);
	v38 =	vld [tilespmem:s20+$0x10];
	(xrf1) =	vsort.ascd.msk.f32 $0xffff, v13, v13  }
0x282: {  	v41 =	vld [tilespmem:s20+$0x20];
	v35, _, _ =	vpop (xrf1);
	(xrf1) =	vsort.ascd.msk.f32 $0xffff, v14, v14  }
0x283: {  	v7 =	vsel vm15, v10, v7;
	v34 =	vbroadcast v12, $0x0;
	v44 =	vld [tilespmem:s20+$0x30];
	v37, _, _ =	vpop (xrf1);
	(xrf1) =	vsort.ascd.msk.f32 $0xffff, v15, v15  }
0x284: {  	v47 =	vld [tilespmem:s20+$0x40];
	v7 =	vsel vm2, v7, v11;
	v40, _, _ =	vpop (xrf1);
	v9 =	vbroadcast v33, $0x0;
	(xrf1) =	vsort.ascd.msk.f32 $0xffff, v16, v16  }
0x285: {  	v50 =	vld [tilespmem:s20+$0x50];
	v7 =	vsel vm3, v7, v34;
	v39 =	vbroadcast v35, $0x0;
	v43, _, _ =	vpop (xrf1);
	(xrf1) =	vsort.ascd.msk.f32 $0xffff, v32, v32  }
0x286: {  	v53 =	vld [tilespmem:s20+$0x60];
	v42 =	vbroadcast v37, $0x0;
	v46, _, _ =	vpop (xrf1);
	v7 =	vsel vm4, v7, v9;
	(xrf1) =	vsort.ascd.msk.f32 $0xffff, v17, v17  }
0x287: {  	v62 =	vmul.f32 v4, v4;
	v22 =	vld [tilespmem:$0x1FFF0];
	v45 =	vbroadcast v40, $0x0;
	v7 =	vsel vm5, v7, v39;
	v49, _, _ =	vpop (xrf1);
	(xrf1) =	vsort.ascd.msk.f32 $0xffff, v36, v36  }
0x288: {  	v57 =	vld [tilespmem:s20+$0x70];
	s19 =	sshra.s32 s19, $0x2;
	v55 =	vmul.f32 v5, v5;
	v48 =	vbroadcast v43, $0x0;
	v7 =	vsel vm6, v7, v42;
	v52, _, _ =	vpop (xrf1);
	(xrf1) =	vsort.ascd.msk.f32 $0xffff, v38, v38  }
0x289: {  	v60 =	vmul.f32 v6, v6;
	v35 =	vld [tilespmem:s19+$0x4000];
	v51 =	vbroadcast v46, $0x0;
	v7 =	vsel vm8, v7, v45;
	v56, _, _ =	vpop (xrf1);
	(xrf1) =	vsort.ascd.msk.f32 $0xffff, v41, v41  }
0x28a: {  	vm1 =	vne.f32 v6, $0.0e+00;
	v54 =	vbroadcast v49, $0x0;
	v7 =	vsel vm10, v7, v48;
	v59, _, _ =	vpop (xrf1);
	(xrf1) =	vsort.ascd.msk.f32 $0xffff, v44, v44  }
0x28b: {  	v16 =	vadd.f32 v60, v55;
	v58 =	vbroadcast v52, $0x0;
	v7 =	vsel vm11, v7, v51;
	v18, _, _ =	vpop (xrf1);
	(xrf1) =	vsort.ascd.msk.f32 $0xffff, v47, v47  }
0x28c: {  	vm0 =	vnez.u8 v22;
	v61 =	vbroadcast v56, $0x0;
	v7 =	vsel vm12, v7, v54;
	v19, _, _ =	vpop (xrf1);
	(xrf1) =	vsort.ascd.msk.f32 $0xffff, v50, v50  }
0x28d: {  	v10 =	vadd.f32 v62, v16;
	v63 =	vbroadcast v59, $0x0;
	v7 =	vsel vm9, v7, v58;
	v21, _, _ =	vpop (xrf1);
	(xrf1) =	vsort.ascd.msk.f32 $0xffff, v53, v53  }
0x28e: {  	v48 =	vmul.f32 v35, v35;
	v20 =	vbroadcast v18, $0x0;
	v7 =	vsel vm7, v7, v61;
	v24, _, _ =	vpop (xrf1);
	(xrf1) =	vsort.ascd.msk.f32 $0xffff, v57, v57  }
0x28f: {  	v23 =	vbroadcast v19, $0x0;
	v7 =	vsel vm0, v7, v63;
	v25 =	vbroadcast v24, $0x0;
	v26, _, _ =	vpop (xrf1)  }
0x290: {  	vm0 =	vne.f32 v5, $0.0e+00;
	v7 =	vsel vm13, v7, v20;
	v28 =	vbroadcast v26, $0x0;
	v29, _, _ =	vpop (xrf1)  }
0x291: {  	v38 =	vld [tilespmem:s19+$0x4080];
	vm0 =	vmor vm0, vm1;
	v5 =	vsel vm15, v25, v21;
	v8 =	vbroadcast v29, $0x0;
	v30, _, _ =	vpop (xrf1)  }
0x292: {  	vm1 =	vne.f32 v4, $0.0e+00;
	v31 =	vsel vm2, v5, v28;
	v32 =	vbroadcast v30, $0x0;
	v33, _, _ =	vpop (xrf1)  }
0x293: {  	v41 =	vld [tilespmem:s19+$0x4100];
	v27 =	vsel vm14, v7, v23;
	v4 =	vsel vm3, v31, v8;
	v7 =	vbroadcast v33, $0x0;
	v34, _, _ =	vpop (xrf1)  }
0x294: {  	vm1 =	vmor vm0, vm1;
	v4 =	vsel vm4, v4, v32;
	v36 =	vbroadcast v34, $0x0;
	v37, _, _ =	vpop (xrf1)  }
0x295: {  	vm0 =	vmmov $0x7ff;
	v4 =	vsel vm5, v4, v7;
	v39 =	vbroadcast v37, $0x0;
	v40, _, _ =	vpop (xrf1)  }
0x296: {  	v51 =	vmul.f32 v38, v38;
	v4 =	vsel vm6, v4, v36;
	v42 =	vbroadcast v40, $0x0;
	v43, _, _ =	vpop (xrf1)  }
0x297: {  	v6 =	vadd.f32 v27, v10;
	v4 =	vsel vm8, v4, v39;
	v44 =	vbroadcast v43, $0x0;
	v45, _, _ =	vpop (xrf1)  }
0x298: {  	v54 =	vmul.f32 v41, v41;
	v4 =	vsel vm10, v4, v42;
	v46 =	vbroadcast v45, $0x0;
	v47, _, _ =	vpop (xrf1)  }
0x299: {  	vm4 =	vmmov $0x3ff;
	v4 =	vsel vm11, v4, v44;
	v49 =	vbroadcast v47, $0x0;
	v50, _, _ =	vpop (xrf1)  }
0x29a: {  	v12 =	vadd.f32 v51, v48;
	v4 =	vsel vm4, v4, v46;
	v52 =	vbroadcast v50, $0x0;
	v53, _, _ =	vpop (xrf1)  }
0x29b: {  	vm3 =	vmmov $0xfff;
	v4 =	vsel vm0, v4, v49;
	v55 =	vbroadcast v53, $0x0;
	v56, _, _ =	vpop (xrf1)  }
0x29c: {  	vm2 =	vmmov $0x1fff;
	v4 =	vsel vm3, v4, v52;
	v57 =	vbroadcast v56, $0x0;
	v58, _, _ =	vpop (xrf1)  }
0x29d: {  	v59 =	vsel vm1, $0x3F800000, v1;
	v4 =	vsel vm2, v4, v55;
	v60 =	vbroadcast v58, $0x0  }
0x29e: {  	vm1 =	vne.f32 v38, $0.0e+00;
	v61 =	vadd.f32 v54, v12;
	v4 =	vsel vm13, v4, v57  }
0x29f: {  	v6 =	vmax.f32 v6, $0.0e+00;
	vm0 =	vne.f32 v35, $0.0e+00;
	v4 =	vsel vm14, v4, v60  }
0x2a0: {  	vm0 =	vmor vm0, vm1;
	vm1 =	vne.f32 v41, $0.0e+00;
	v4 =	vadd.f32 v4, v61  }
0x2a1: {  	v62 =	vmul.f32 v6, v59;
	vm0 =	vmor vm0, vm1  }
0x2a2: {  	v2 =	vadd.f32 v59, v2;
	v63 =	vsel vm0, $0x3F800000, v1;
	v4 =	vmax.f32 v4, $0.0e+00  }
0x2a3: {  	v3 =	vadd.f32 v62, v3;
	v4 =	vmul.f32 v4, v63  }
0x2a4: {  	v2 =	vadd.f32 v63, v2  }
0x2a5: {  	s18 =	sadd.s32 $0x1, s18;
	v3 =	vadd.f32 v4, v3  }
0x2a6: {  	p0 =	sne.s32 s18, s10;
	[tilespmem:$0x4600] =	vst v2  }
.Ltmp4:
0x2a7: {  	[tilespmem:$0x4580] =	vst v3;
	(pc) =	sbr.rel @p0 .LBB2_1-.Ltmp4, $4  }
0x2a8: {  	[hbm4b:s9+s2] =	stream.linear.scatter [tilespmem:s17], [sflag:$0x1], $0x100, $0x38;
	[tilespmem:$0x4680] =	vst v63  }
0x2a9: {  	_ =	swait.ge [sflag:s11], $0x100  }
0x2aa: {  	[sflag:s11] =	ssyncset.done $0x0  }
0x2ab: {  	[sflag:s11] =	ssyncadd.s32 $0xFFFFFF00  }
0x2ac: {  	_ =	sfence.sel $0x180000  }
0x2ad: {  	[bflag:$0x0] =	sbarrier.arrive $0xFFFF  }
0x2ae: {  	p0 =	sne.s32 s1, $0x0;
	_ =	strace $0x90000047  }
0x2af: {  	s0 =	sadd.s32 @!p0 $0x100000, s0;
	[bflag:$0x2] =	sbarrier.arrive $0xFFFF  }
0x2b0: {  	[sflag:s0] =	ssyncadd.tile.s32 @!p0 $0x1;
	_ =	shalt  }
.Lfunc_end2:
_tile_overlayer_lowered:
.L_overlay_start_2:
0x2b1: {  	(tag) =	ssettag $0x2  }
0x2b2: {  	s0 =	rddreg [dreg:$0x0];
	s2 =	stileid.u32  }
0x2b3: {  	s1 =	rddreg [dreg:$0x1];
	p0 =	sne.s32 s2, $0x0  }
0x2b4: {  	s3 =	rddreg [dreg:$0x2];
	[bflag:$0x3] =	sbarrier.arrive $0xFFFF;
	s2 =	simm.s32 @!p0 $0x1C01  }
0x2b5: {  	[timem:s3], [sflag:s2] =	dma.local @!p0 [hbm:s0], s1  }
0x2b6: {  	s0 =	simm.s32 @!p0 $0x1  }
0x2b7: {  	_ =	swait.ge @!p0 [sflag:s0], s1  }
0x2b8: {  	s1 =	ssub.s32 @!p0 $0x0, s1;
	[sflag:s0] =	ssyncset.done @!p0 $0x0  }
0x2b9: {  	[sflag:s0] =	ssyncadd.s32 @!p0 s1  }
0x2ba: {  	[bflag:$0x3] =	sbarrier.arrive $0xFFFF  }
0x2bb: {  	_ =	shalt  }

</sc_bundles>
